<compile_context>
chip_gen: v7x
topology: tpu7x:2x2x1
jax: 0.10.2.dev20260603
libtpu: 0.0.44.dev20260713+nightly
codegen_flags: <defaults>
</compile_context>

<pallas_src>
import functools

import numpy as np
import jax
import jax.numpy as jnp
from jax import lax
from jax.experimental import pallas as pl
from jax.experimental.pallas import tpu as pltpu
from jax.experimental.pallas import tpu_sc as plsc

_B, _HW, _C, _G = 32, 576, 768, 24
_CH = _C // _G


def _diag5(H, W):
    idx = []
    for s in range(H + W - 1):
        for y in range(max(0, s - W + 1), min(H, s + 1)):
            x = s - y
            idx.append(y * W + x)
    return np.array(idx)


def _diag6(H, W):
    idx = []
    for s in range(H + W - 1):
        for x in range(min(W - 1, s), max(-1, s - H), -1):
            y = s - x
            if y < H and x < W:
                idx.append(y * W + x)
    idx.reverse()
    return np.array(idx)


def _diag78(H, W):
    idx = []
    for s in range(W + H - 1):
        for y in range(max(0, s - W + 1), min(H, s + 1)):
            x = s - y
            idx.append(y * W + (W - 1 - x))
    return np.array(idx)


_PERMS = np.stack([
    np.argsort(_diag5(_G, _G)),
    np.argsort(_diag6(_G, _G)),
    np.argsort(_diag78(_G, _G)),
    np.argsort(_diag78(_G, _G))[::-1],
])

_NS = 4
_R = 16
_NCHUNK = _HW // _R

_NCHL = _NCHUNK // 2

_IDX_NP = np.empty((2, 32, _NCHL, _NS, _R), np.int32)
for _h in range(2):
    for _w in range(32):
        _bg = _h * 16 + _w // 2
        for _j in range(_NCHL):
            _jg = (_w % 2) * _NCHL + _j
            for _i in range(_NS):
                _IDX_NP[_h, _w, _j, _i] = (
                    _bg * _HW + _PERMS[_i, _jg * _R:(_jg + 1) * _R])


def _lane_perm():
    p = np.zeros((_C, _C), np.float32)
    for c in range(_CH):
        for b in range(_G):
            p[c * _G + b, b * _CH + c] = 1.0
    return p


_P_T2B = _lane_perm()
_REV_NP = np.eye(_HW, dtype=np.float32)[::-1].copy()


def _sc_body(x5, x6, x7, x8, idx_hbm, s_out,
             ivec, a0, a1, a2, a3, b0, b1, b2, b3, sema, semb):
    w = lax.axis_index("s") * 2 + lax.axis_index("c")
    bloc = w // 2
    roff = (w % 2) * (_NCHL * _R)
    tables = (x5, x6, x7, x8)
    seta = (a0, a1, a2, a3)
    setb = (b0, b1, b2, b3)
    pltpu.sync_copy(idx_hbm.at[w], ivec)

    def fire(bufs, sem, j):
        for i in range(_NS):
            pltpu.async_copy(tables[i].at[ivec[j, i]], bufs[i], sem)

    def drain(bufs, sem):
        for i in range(_NS):
            pltpu.make_async_copy(tables[i].at[ivec[0, i]], bufs[i],
                                  sem).wait()

    def consume(bufs, j):
        g0, g1, g2, g3 = bufs

        def row(p, c2):
            def col(k, c3):
                for u in range(4):
                    ds = pl.ds((k * 4 + u) * 16, 16)
                    g0[p, ds] = g0[p, ds] + g1[p, ds] + g2[p, ds] + g3[p, ds]
                return c3
            return lax.fori_loop(0, _C // 64, col, c2)

        lax.fori_loop(0, _R, row, None)
        pltpu.sync_copy(g0, s_out.at[bloc, pl.ds(roff + j * _R, _R)])

    fire(seta, sema, 0)

    def pair(jj, carry):
        j0 = jj * 2
        fire(setb, semb, j0 + 1)
        drain(seta, sema)
        consume(seta, j0)

        @pl.when(jj + 1 < _NCHL // 2)
        def _():
            fire(seta, sema, j0 + 2)
        drain(setb, semb)
        consume(setb, j0 + 1)
        return carry

    lax.fori_loop(0, _NCHL // 2, pair, None)


def _sc_stage(x5, x6, x7, x8, idx_half):
    mesh = plsc.VectorSubcoreMesh(core_axis_name="c", subcore_axis_name="s",
                                  num_cores=2, num_subcores=16)
    f = pl.kernel(
        _sc_body,
        out_type=jax.ShapeDtypeStruct((_B // 2, _HW, _C), jnp.float32),
        mesh=mesh,
        scratch_types=[
            pltpu.VMEM((_NCHL, _NS, _R), jnp.int32),
        ] + [pltpu.VMEM((_R, _C), jnp.float32)] * (2 * _NS) + [
            pltpu.SemaphoreType.DMA,
            pltpu.SemaphoreType.DMA,
        ],
    )
    flat = lambda x: x.reshape(_B * _HW, _C)
    return f(flat(x5), flat(x6), flat(x7), flat(x8), idx_half)


def _t2b_w(ybf):
    x3d = ybf.reshape(_G, _G, _C)
    w1 = x3d.transpose(0, 2, 1)
    w2 = w1.reshape(_G, _CH, _G, _G)
    w3 = w2.transpose(0, 1, 3, 2)
    w4 = w3.reshape(_G, _C, _G)
    w5 = w4.transpose(0, 2, 1)
    w6 = w5.transpose(1, 0, 2)
    return w6.reshape(_HW, _C)


def _tc_body_alias(p3_ref, rev_ref, v4_ref, x1_ref, x2_ref, x3_ref, x4_ref,
                   prev_ref, out_ref):
    _tc_body(p3_ref, rev_ref, v4_ref, x1_ref, x2_ref, x3_ref, x4_ref,
             out_ref)


def _tc_body(p3_ref, rev_ref, v4_ref, x1_ref, x2_ref, x3_ref, x4_ref,
             out_ref):
    x3b = x3_ref[0].astype(jnp.bfloat16)
    x4b = x4_ref[0].astype(jnp.bfloat16)
    x4f = jax.lax.dot_general(
        rev_ref[...], x4b, (((1,), (0,)), ((), ())),
        preferred_element_type=jnp.float32).astype(jnp.bfloat16)
    x2f = jax.lax.dot_general(
        rev_ref[...], x2_ref[0].astype(jnp.bfloat16), (((1,), (0,)), ((), ())),
        preferred_element_type=jnp.float32)
    w = jnp.concatenate([_t2b_w(x3b), _t2b_w(x4f)], axis=1)
    p2 = jnp.concatenate([p3_ref[...], p3_ref[...]], axis=0)
    term = jax.lax.dot_general(
        w, p2, (((1,), (0,)), ((), ())),
        preferred_element_type=jnp.float32)
    out_ref[0] = v4_ref[0] + x1_ref[0] + x2f + term


def kernel(left_to_right, right_to_left, top_to_bottom, bottom_to_top,
           top_left_to_bottom_right, bottom_right_to_top_left,
           top_right_to_bottom_left, bottom_left_to_top_right):
    b = _B
    diag = (top_left_to_bottom_right, bottom_right_to_top_left,
            top_right_to_bottom_left, bottom_left_to_top_right)
    idx = jnp.asarray(_IDX_NP)
    v4a = _sc_stage(*diag, idx[0])
    v4b = _sc_stage(*diag, idx[1])

    p3 = jnp.asarray(_P_T2B, dtype=jnp.bfloat16)
    rev = jnp.asarray(_REV_NP, dtype=jnp.bfloat16)

    out_shape = jax.ShapeDtypeStruct((b, _HW, _C), jnp.float32)
    out = None
    for half, v4 in ((0, v4a), (1, v4b)):
        off = half * (b // 2)
        big = pl.BlockSpec((1, _HW, _C), lambda i, o=off: (i + o, 0, 0))
        loc = pl.BlockSpec((1, _HW, _C), lambda i: (i, 0, 0))
        specs = [
            pl.BlockSpec((_C, _C), lambda i: (0, 0)),
            pl.BlockSpec((_HW, _HW), lambda i: (0, 0)),
            loc, big, big, big, big,
        ]
        args = [p3, rev, v4, left_to_right, right_to_left,
                top_to_bottom, bottom_to_top]
        body = _tc_body
        kwargs = {}
        if half == 1:
            specs.append(pl.BlockSpec(memory_space=pltpu.MemorySpace.HBM))
            args.append(out)
            body = _tc_body_alias
            kwargs["input_output_aliases"] = {7: 0}
        out = pl.pallas_call(
            body,
            grid=(b // 2,),
            in_specs=specs,
            out_specs=big,
            out_shape=out_shape,
            **kwargs,
        )(*args)

    return out.reshape(b, _G, _G, _C).transpose(0, 3, 1, 2)

# --- scband reference (transcript-rebuilt; emitter-appended) ---
"""Pipeline reference for scband-reconstruct-patch-image-77300821394089 (READ-ONLY COPY).

The authoritative reference and input builder live on the scoring server;
editing this copy changes nothing except your own understanding.
"""

import jax, jax.numpy as jnp
import numpy as np

B, HW, C = 32, 576, 768
G = 24

def _idx5(H, W):
    idx = []
    for s in range(H + W - 1):
        for y in range(max(0, s - W + 1), min(H, s + 1)):
            x = s - y
            idx.append(y * W + x)
    return np.array(idx)

def _idx6(H, W):
    idx = []
    for s in range(H + W - 1):
        for x in range(min(W - 1, s), max(-1, s - H), -1):
            y = s - x
            if y < H and x < W:
                idx.append(y * W + x)
    idx.reverse()
    return np.array(idx)

def _idx78(H, W):
    idx = []
    for s in range(W + H - 1):
        for y in range(max(0, s - W + 1), min(H, s + 1)):
            x = s - y
            idx.append(y * W + (W - 1 - x))
    return np.array(idx)

INV5 = np.argsort(_idx5(G, G))
INV6 = np.argsort(_idx6(G, G))
INV7 = np.argsort(_idx78(G, G))
INV8 = np.argsort(_idx78(G, G))

NAMES = ["left_to_right", "right_to_left", "top_to_bottom", "bottom_to_top",
         "top_left_to_bottom_right", "bottom_right_to_top_left",
         "top_right_to_bottom_left", "bottom_left_to_top_right"]

def setup_inputs(seed: int = 0) -> dict:
    key = jax.random.key(seed)
    out = {}
    for i, n in enumerate(NAMES):
        out[n] = jax.random.normal(jax.random.fold_in(key, i), (B, HW, C), dtype=jnp.float32)
    return out

def reference(left_to_right, right_to_left, top_to_bottom, bottom_to_top,
              top_left_to_bottom_right, bottom_right_to_top_left,
              top_right_to_bottom_left, bottom_left_to_top_right):
    b, hw, c = left_to_right.shape
    g = int(np.sqrt(hw))
    l2r = jnp.swapaxes(left_to_right, 1, 2).reshape(b, c, g, g)
    r2l = jnp.flip(jnp.swapaxes(right_to_left, 1, 2), axis=2).reshape(b, c, g, g)
    def col_major(t):
        t = t.reshape(b, -1, g)
        t = jnp.swapaxes(t, 1, 2).reshape(b, hw, -1)
        return jnp.swapaxes(t, 1, 2).reshape(b, c, g, g)
    t2b = col_major(top_to_bottom)
    b2t = col_major(jnp.flip(bottom_to_top, axis=1))
    tlbr = jnp.swapaxes(top_left_to_bottom_right, 1, 2)[:, :, INV5].reshape(b, c, g, g)
    brtl = jnp.swapaxes(bottom_right_to_top_left, 1, 2)[:, :, INV6].reshape(b, c, g, g)
    trbl = jnp.swapaxes(top_right_to_bottom_left, 1, 2)[:, :, INV7].reshape(b, c, g, g)
    bltr = jnp.swapaxes(bottom_left_to_top_right, 1, 2)[:, :, INV8]
    bltr = jnp.flip(bltr, axis=-1).reshape(b, c, g, g)
    return l2r + r2l + t2b + b2t + tlbr + brtl + trbl + bltr

if __name__ == "__main__":
    import jax
    _d = setup_inputs()
    print(jax.jit(kernel)(*tuple(_d.values())))

</pallas_src>

<mosaic_0001>
#map = affine_map<(d0, d1) -> (0, 0)>
#map1 = affine_map<(d0, d1) -> (0, 0, 0, 0)>
#map2 = affine_map<(d0, d1) -> (0, 0, 0)>
module attributes {stable_mosaic.version = 14 : i64} {
  func.func @_sc_body(%arg0: i32, %arg1: i32, %arg2: memref<18432x768xf32, #tpu.memory_space<hbm>>, %arg3: memref<18432x768xf32, #tpu.memory_space<hbm>>, %arg4: memref<18432x768xf32, #tpu.memory_space<hbm>>, %arg5: memref<18432x768xf32, #tpu.memory_space<hbm>>, %arg6: memref<32x18x4x16xi32, #tpu.memory_space<hbm>>, %arg7: memref<16x576x768xf32, #tpu.memory_space<hbm>>, %arg8: memref<18x4x16xi32, #tpu.memory_space<vmem>>, %arg9: memref<16x768xf32, #tpu.memory_space<vmem>>, %arg10: memref<16x768xf32, #tpu.memory_space<vmem>>, %arg11: memref<16x768xf32, #tpu.memory_space<vmem>>, %arg12: memref<16x768xf32, #tpu.memory_space<vmem>>, %arg13: memref<16x768xf32, #tpu.memory_space<vmem>>, %arg14: memref<16x768xf32, #tpu.memory_space<vmem>>, %arg15: memref<16x768xf32, #tpu.memory_space<vmem>>, %arg16: memref<16x768xf32, #tpu.memory_space<vmem>>, %arg17: memref<!tpu.dma_semaphore, #tpu.memory_space<semaphore_mem>>, %arg18: memref<!tpu.dma_semaphore, #tpu.memory_space<semaphore_mem>>) attributes {dimension_semantics = [#tpu.dimension_semantics<core_parallel>, #tpu.dimension_semantics<subcore_parallel>], iteration_bounds = array<i64: 2, 16>, scalar_prefetch = 0 : i64, scratch_operands = 11 : i64, tpu.core_type = #tpu.core_type<sc_vector_subcore>, window_params = [{transform_indices = #map}, {transform_indices = #map}, {transform_indices = #map}, {transform_indices = #map}, {transform_indices = #map1}, {transform_indices = #map2}]} {
    %mul3A = arith.constant 2 : i32
    %mul3A_0 = arith.muli %arg1, %mul3A : i32
    %add3A = arith.addi %mul3A_0, %arg0 : i32
    %jit3A = arith.constant 2 : i32
    %div3A = arith.divsi %add3A, %jit3A : i32
    %sign3A = arith.constant 0 : i32
    %sign3A_1 = arith.cmpi sgt, %add3A, %sign3A : i32
    %sign3A_2 = arith.extui %sign3A_1 : i1 to i32
    %sign3A_3 = arith.constant 0 : i32
    %sign3A_4 = arith.cmpi slt, %add3A, %sign3A_3 : i32
    %sign3A_5 = arith.extui %sign3A_4 : i1 to i32
    %sign3A_6 = arith.subi %sign3A_2, %sign3A_5 : i32
    %sign3A_7 = arith.constant 0 : i32
    %sign3A_8 = arith.cmpi sgt, %jit3A, %sign3A_7 : i32
    %sign3A_9 = arith.extui %sign3A_8 : i1 to i32
    %sign3A_10 = arith.constant 0 : i32
    %sign3A_11 = arith.cmpi slt, %jit3A, %sign3A_10 : i32
    %sign3A_12 = arith.extui %sign3A_11 : i1 to i32
    %sign3A_13 = arith.subi %sign3A_9, %sign3A_12 : i32
    %ne3A = arith.cmpi ne, %sign3A_6, %sign3A_13 : i32
    %rem3A = arith.remsi %add3A, %jit3A : i32
    %ne3A_14 = arith.constant 0 : i32
    %ne3A_15 = arith.cmpi ne, %rem3A, %ne3A_14 : i32
    %and3A = arith.andi %ne3A, %ne3A_15 : i1
    %sub3A = arith.constant 1 : i32
    %sub3A_16 = arith.subi %div3A, %sub3A : i32
    %select_n3A = arith.select %and3A, %sub3A_16, %div3A : i32
    %jit3A_17 = arith.constant 2 : i32
    %eq3A = arith.constant 0 : i32
    %eq3A_18 = arith.cmpi eq, %jit3A_17, %eq3A : i32
    %jit3A_19 = arith.constant 1 : i32
    %select_n3A_20 = arith.select %eq3A_18, %jit3A_19, %jit3A_17 : i32
    %rem3A_21 = arith.remsi %add3A, %select_n3A_20 : i32
    %ne3A_22 = arith.constant 0 : i32
    %ne3A_23 = arith.cmpi ne, %rem3A_21, %ne3A_22 : i32
    %lt3A = arith.constant 0 : i32
    %lt3A_24 = arith.cmpi slt, %rem3A_21, %lt3A : i32
    %lt3A_25 = arith.constant 0 : i32
    %lt3A_26 = arith.cmpi slt, %select_n3A_20, %lt3A_25 : i32
    %ne3A_27 = arith.xori %lt3A_24, %lt3A_26 : i1
    %and3A_28 = arith.andi %ne3A_27, %ne3A_23 : i1
    %add3A_29 = arith.addi %rem3A_21, %select_n3A_20 : i32
    %select_n3A_30 = arith.select %and3A_28, %add3A_29, %rem3A_21 : i32
    %mul3A_31 = arith.constant 288 : i32
    %mul3A_32 = arith.muli %select_n3A_30, %mul3A_31 : i32
    "tpu.region"() ({
      %run_scoped3A = tpu.sem_alloc : memref<!tpu.dma_semaphore, #tpu.memory_space<semaphore_mem>>
      %dma_start3A_75 = arith.constant 0 : i32
      %dma_start3A_76 = arith.constant 0 : i32
      %dma_start3A_77 = arith.constant 0 : i32
      %dma_start3A_78 = tpu.memref_slice %arg6[%add3A, %dma_start3A_75, %dma_start3A_76, %dma_start3A_77] : memref<32x18x4x16xi32, #tpu.memory_space<hbm>> -> memref<1x18x4x16xi32, #tpu.memory_space<hbm>>
      %dma_start3A_79 = tpu.memref_squeeze %dma_start3A_78 : memref<1x18x4x16xi32, #tpu.memory_space<hbm>> -> memref<18x4x16xi32, #tpu.memory_space<hbm>>
      %dma_start3A_80 = arith.constant 0 : i32
      %dma_start3A_81 = arith.constant 0 : i32
      %dma_start3A_82 = arith.constant 0 : i32
      %dma_start3A_83 = tpu.memref_slice %arg6[%add3A, %dma_start3A_80, %dma_start3A_81, %dma_start3A_82] : memref<32x18x4x16xi32, #tpu.memory_space<hbm>> -> memref<1x18x4x16xi32, #tpu.memory_space<hbm>>
      %dma_start3A_84 = tpu.memref_squeeze %dma_start3A_83 : memref<1x18x4x16xi32, #tpu.memory_space<hbm>> -> memref<18x4x16xi32, #tpu.memory_space<hbm>>
      tpu.enqueue_dma source(%dma_start3A_84 : memref<18x4x16xi32, #tpu.memory_space<hbm>>) target(%arg8 : memref<18x4x16xi32, #tpu.memory_space<vmem>>) target_semaphore(%run_scoped3A : memref<!tpu.dma_semaphore, #tpu.memory_space<semaphore_mem>>)
      %dma_wait3A = arith.constant 0 : i32
      %dma_wait3A_85 = arith.constant 0 : i32
      %dma_wait3A_86 = arith.constant 0 : i32
      %dma_wait3A_87 = tpu.memref_slice %arg6[%add3A, %dma_wait3A, %dma_wait3A_85, %dma_wait3A_86] : memref<32x18x4x16xi32, #tpu.memory_space<hbm>> -> memref<1x18x4x16xi32, #tpu.memory_space<hbm>>
      %dma_wait3A_88 = tpu.memref_squeeze %dma_wait3A_87 : memref<1x18x4x16xi32, #tpu.memory_space<hbm>> -> memref<18x4x16xi32, #tpu.memory_space<hbm>>
      %dma_wait3A_89 = arith.constant 0 : i32
      %dma_wait3A_90 = arith.constant 0 : i32
      %dma_wait3A_91 = arith.constant 0 : i32
      %dma_wait3A_92 = tpu.memref_slice %arg6[%add3A, %dma_wait3A_89, %dma_wait3A_90, %dma_wait3A_91] : memref<32x18x4x16xi32, #tpu.memory_space<hbm>> -> memref<1x18x4x16xi32, #tpu.memory_space<hbm>>
      %dma_wait3A_93 = tpu.memref_squeeze %dma_wait3A_92 : memref<1x18x4x16xi32, #tpu.memory_space<hbm>> -> memref<18x4x16xi32, #tpu.memory_space<hbm>>
      tpu.wait_dma2 semaphore(%run_scoped3A : memref<!tpu.dma_semaphore, #tpu.memory_space<semaphore_mem>>) src(%dma_wait3A_93 : memref<18x4x16xi32, #tpu.memory_space<hbm>>) dst(%arg8 : memref<18x4x16xi32, #tpu.memory_space<vmem>>)
      tpu.yield
    }) : () -> ()
    %get3A = arith.constant 0 : i32
    %get3A_33 = arith.constant 0 : i32
    %get3A_34 = arith.index_cast %get3A : i32 to index
    %get3A_35 = arith.index_cast %get3A_33 : i32 to index
    %get3A_36 = arith.constant 0 : index
    %get3A_37 = tpu.vector_load %arg8[%get3A_34, %get3A_35, %get3A_36] {strides = array<i32>} : memref<18x4x16xi32, #tpu.memory_space<vmem>>, vector<1x1x16xi32>,
    %get3A_38 = vector.shape_cast %get3A_37 : vector<1x1x16xi32> to vector<16xi32>
    %dma_start3A = arith.constant 0 : i32
    %dma_start3A_39 = arith.constant 0 : i32
    %dma_start3A_40 = tpu.memref_slice %arg2[%dma_start3A, %dma_start3A_39] : memref<18432x768xf32, #tpu.memory_space<hbm>> -> memref<18432x768xf32, #tpu.memory_space<hbm>>
    tpu.enqueue_indirect_dma source(%dma_start3A_40 : memref<18432x768xf32, #tpu.memory_space<hbm>>) target(%arg9 : memref<16x768xf32, #tpu.memory_space<vmem>>) offsets(%get3A_38 : vector<16xi32>) semaphore(%arg17 : memref<!tpu.dma_semaphore, #tpu.memory_space<semaphore_mem>>)
    %get3A_41 = arith.constant 0 : i32
    %get3A_42 = arith.constant 1 : i32
    %get3A_43 = arith.index_cast %get3A_41 : i32 to index
    %get3A_44 = arith.index_cast %get3A_42 : i32 to index
    %get3A_45 = arith.constant 0 : index
    %get3A_46 = tpu.vector_load %arg8[%get3A_43, %get3A_44, %get3A_45] {strides = array<i32>} : memref<18x4x16xi32, #tpu.memory_space<vmem>>, vector<1x1x16xi32>,
    %get3A_47 = vector.shape_cast %get3A_46 : vector<1x1x16xi32> to vector<16xi32>
    %dma_start3A_48 = arith.constant 0 : i32
    %dma_start3A_49 = arith.constant 0 : i32
    %dma_start3A_50 = tpu.memref_slice %arg3[%dma_start3A_48, %dma_start3A_49] : memref<18432x768xf32, #tpu.memory_space<hbm>> -> memref<18432x768xf32, #tpu.memory_space<hbm>>
    tpu.enqueue_indirect_dma source(%dma_start3A_50 : memref<18432x768xf32, #tpu.memory_space<hbm>>) target(%arg10 : memref<16x768xf32, #tpu.memory_space<vmem>>) offsets(%get3A_47 : vector<16xi32>) semaphore(%arg17 : memref<!tpu.dma_semaphore, #tpu.memory_space<semaphore_mem>>)
    %get3A_51 = arith.constant 0 : i32
    %get3A_52 = arith.constant 2 : i32
    %get3A_53 = arith.index_cast %get3A_51 : i32 to index
    %get3A_54 = arith.index_cast %get3A_52 : i32 to index
    %get3A_55 = arith.constant 0 : index
    %get3A_56 = tpu.vector_load %arg8[%get3A_53, %get3A_54, %get3A_55] {strides = array<i32>} : memref<18x4x16xi32, #tpu.memory_space<vmem>>, vector<1x1x16xi32>,
    %get3A_57 = vector.shape_cast %get3A_56 : vector<1x1x16xi32> to vector<16xi32>
    %dma_start3A_58 = arith.constant 0 : i32
    %dma_start3A_59 = arith.constant 0 : i32
    %dma_start3A_60 = tpu.memref_slice %arg4[%dma_start3A_58, %dma_start3A_59] : memref<18432x768xf32, #tpu.memory_space<hbm>> -> memref<18432x768xf32, #tpu.memory_space<hbm>>
    tpu.enqueue_indirect_dma source(%dma_start3A_60 : memref<18432x768xf32, #tpu.memory_space<hbm>>) target(%arg11 : memref<16x768xf32, #tpu.memory_space<vmem>>) offsets(%get3A_57 : vector<16xi32>) semaphore(%arg17 : memref<!tpu.dma_semaphore, #tpu.memory_space<semaphore_mem>>)
    %get3A_61 = arith.constant 0 : i32
    %get3A_62 = arith.constant 3 : i32
    %get3A_63 = arith.index_cast %get3A_61 : i32 to index
    %get3A_64 = arith.index_cast %get3A_62 : i32 to index
    %get3A_65 = arith.constant 0 : index
    %get3A_66 = tpu.vector_load %arg8[%get3A_63, %get3A_64, %get3A_65] {strides = array<i32>} : memref<18x4x16xi32, #tpu.memory_space<vmem>>, vector<1x1x16xi32>,
    %get3A_67 = vector.shape_cast %get3A_66 : vector<1x1x16xi32> to vector<16xi32>
    %dma_start3A_68 = arith.constant 0 : i32
    %dma_start3A_69 = arith.constant 0 : i32
    %dma_start3A_70 = tpu.memref_slice %arg5[%dma_start3A_68, %dma_start3A_69] : memref<18432x768xf32, #tpu.memory_space<hbm>> -> memref<18432x768xf32, #tpu.memory_space<hbm>>
    tpu.enqueue_indirect_dma source(%dma_start3A_70 : memref<18432x768xf32, #tpu.memory_space<hbm>>) target(%arg12 : memref<16x768xf32, #tpu.memory_space<vmem>>) offsets(%get3A_67 : vector<16xi32>) semaphore(%arg17 : memref<!tpu.dma_semaphore, #tpu.memory_space<semaphore_mem>>)
    %scan3A = arith.constant 0 : i32
    %scan3A_71 = arith.constant 9 : i32
    %scan3A_72 = arith.addi %scan3A, %scan3A_71 : i32
    %scan3A_73 = arith.constant 1 : i32
    scf.for %scan3A_75 = %scan3A to %scan3A_72 step %scan3A_73  : i32 {
      %mul3A_76 = arith.constant 2 : i32
      %mul3A_77 = arith.muli %scan3A_75, %mul3A_76 : i32
      %add3A_78 = arith.constant 1 : i32
      %add3A_79 = arith.addi %mul3A_77, %add3A_78 : i32
      %get3A_80 = arith.constant 0 : i32
      %get3A_81 = arith.index_cast %add3A_79 : i32 to index
      %get3A_82 = arith.index_cast %get3A_80 : i32 to index
      %get3A_83 = arith.constant 0 : index
      %get3A_84 = tpu.vector_load %arg8[%get3A_81, %get3A_82, %get3A_83] {strides = array<i32>} : memref<18x4x16xi32, #tpu.memory_space<vmem>>, vector<1x1x16xi32>,
      %get3A_85 = vector.shape_cast %get3A_84 : vector<1x1x16xi32> to vector<16xi32>
      %dma_start3A_86 = arith.constant 0 : i32
      %dma_start3A_87 = arith.constant 0 : i32
      %dma_start3A_88 = tpu.memref_slice %arg2[%dma_start3A_86, %dma_start3A_87] : memref<18432x768xf32, #tpu.memory_space<hbm>> -> memref<18432x768xf32, #tpu.memory_space<hbm>>
      tpu.enqueue_indirect_dma source(%dma_start3A_88 : memref<18432x768xf32, #tpu.memory_space<hbm>>) target(%arg13 : memref<16x768xf32, #tpu.memory_space<vmem>>) offsets(%get3A_85 : vector<16xi32>) semaphore(%arg18 : memref<!tpu.dma_semaphore, #tpu.memory_space<semaphore_mem>>)
      %get3A_89 = arith.constant 1 : i32
      %get3A_90 = arith.index_cast %add3A_79 : i32 to index
      %get3A_91 = arith.index_cast %get3A_89 : i32 to index
      %get3A_92 = arith.constant 0 : index
      %get3A_93 = tpu.vector_load %arg8[%get3A_90, %get3A_91, %get3A_92] {strides = array<i32>} : memref<18x4x16xi32, #tpu.memory_space<vmem>>, vector<1x1x16xi32>,
      %get3A_94 = vector.shape_cast %get3A_93 : vector<1x1x16xi32> to vector<16xi32>
      %dma_start3A_95 = arith.constant 0 : i32
      %dma_start3A_96 = arith.constant 0 : i32
      %dma_start3A_97 = tpu.memref_slice %arg3[%dma_start3A_95, %dma_start3A_96] : memref<18432x768xf32, #tpu.memory_space<hbm>> -> memref<18432x768xf32, #tpu.memory_space<hbm>>
      tpu.enqueue_indirect_dma source(%dma_start3A_97 : memref<18432x768xf32, #tpu.memory_space<hbm>>) target(%arg14 : memref<16x768xf32, #tpu.memory_space<vmem>>) offsets(%get3A_94 : vector<16xi32>) semaphore(%arg18 : memref<!tpu.dma_semaphore, #tpu.memory_space<semaphore_mem>>)
      %get3A_98 = arith.constant 2 : i32
      %get3A_99 = arith.index_cast %add3A_79 : i32 to index
      %get3A_100 = arith.index_cast %get3A_98 : i32 to index
      %get3A_101 = arith.constant 0 : index
      %get3A_102 = tpu.vector_load %arg8[%get3A_99, %get3A_100, %get3A_101] {strides = array<i32>} : memref<18x4x16xi32, #tpu.memory_space<vmem>>, vector<1x1x16xi32>,
      %get3A_103 = vector.shape_cast %get3A_102 : vector<1x1x16xi32> to vector<16xi32>
      %dma_start3A_104 = arith.constant 0 : i32
      %dma_start3A_105 = arith.constant 0 : i32
      %dma_start3A_106 = tpu.memref_slice %arg4[%dma_start3A_104, %dma_start3A_105] : memref<18432x768xf32, #tpu.memory_space<hbm>> -> memref<18432x768xf32, #tpu.memory_space<hbm>>
      tpu.enqueue_indirect_dma source(%dma_start3A_106 : memref<18432x768xf32, #tpu.memory_space<hbm>>) target(%arg15 : memref<16x768xf32, #tpu.memory_space<vmem>>) offsets(%get3A_103 : vector<16xi32>) semaphore(%arg18 : memref<!tpu.dma_semaphore, #tpu.memory_space<semaphore_mem>>)
      %get3A_107 = arith.constant 3 : i32
      %get3A_108 = arith.index_cast %add3A_79 : i32 to index
      %get3A_109 = arith.index_cast %get3A_107 : i32 to index
      %get3A_110 = arith.constant 0 : index
      %get3A_111 = tpu.vector_load %arg8[%get3A_108, %get3A_109, %get3A_110] {strides = array<i32>} : memref<18x4x16xi32, #tpu.memory_space<vmem>>, vector<1x1x16xi32>,
      %get3A_112 = vector.shape_cast %get3A_111 : vector<1x1x16xi32> to vector<16xi32>
      %dma_start3A_113 = arith.constant 0 : i32
      %dma_start3A_114 = arith.constant 0 : i32
      %dma_start3A_115 = tpu.memref_slice %arg5[%dma_start3A_113, %dma_start3A_114] : memref<18432x768xf32, #tpu.memory_space<hbm>> -> memref<18432x768xf32, #tpu.memory_space<hbm>>
      tpu.enqueue_indirect_dma source(%dma_start3A_115 : memref<18432x768xf32, #tpu.memory_space<hbm>>) target(%arg16 : memref<16x768xf32, #tpu.memory_space<vmem>>) offsets(%get3A_112 : vector<16xi32>) semaphore(%arg18 : memref<!tpu.dma_semaphore, #tpu.memory_space<semaphore_mem>>)
      %get3A_116 = arith.constant 0 : i32
      %get3A_117 = arith.constant 0 : i32
      %get3A_118 = arith.index_cast %get3A_116 : i32 to index
      %get3A_119 = arith.index_cast %get3A_117 : i32 to index
      %get3A_120 = arith.constant 0 : index
      %get3A_121 = tpu.vector_load %arg8[%get3A_118, %get3A_119, %get3A_120] {strides = array<i32>} : memref<18x4x16xi32, #tpu.memory_space<vmem>>, vector<1x1x16xi32>,
      %get3A_122 = vector.shape_cast %get3A_121 : vector<1x1x16xi32> to vector<16xi32>
      %dma_wait3A = arith.constant 0 : i32
      %dma_wait3A_123 = arith.constant 0 : i32
      %dma_wait3A_124 = tpu.memref_slice %arg2[%dma_wait3A, %dma_wait3A_123] : memref<18432x768xf32, #tpu.memory_space<hbm>> -> memref<18432x768xf32, #tpu.memory_space<hbm>>
      tpu.wait_indirect_dma semaphore(%arg17 : memref<!tpu.dma_semaphore, #tpu.memory_space<semaphore_mem>>) src(%dma_wait3A_124 : memref<18432x768xf32, #tpu.memory_space<hbm>>) dst(%arg9 : memref<16x768xf32, #tpu.memory_space<vmem>>)
      %get3A_125 = arith.constant 0 : i32
      %get3A_126 = arith.constant 1 : i32
      %get3A_127 = arith.index_cast %get3A_125 : i32 to index
      %get3A_128 = arith.index_cast %get3A_126 : i32 to index
      %get3A_129 = arith.constant 0 : index
      %get3A_130 = tpu.vector_load %arg8[%get3A_127, %get3A_128, %get3A_129] {strides = array<i32>} : memref<18x4x16xi32, #tpu.memory_space<vmem>>, vector<1x1x16xi32>,
      %get3A_131 = vector.shape_cast %get3A_130 : vector<1x1x16xi32> to vector<16xi32>
      %dma_wait3A_132 = arith.constant 0 : i32
      %dma_wait3A_133 = arith.constant 0 : i32
      %dma_wait3A_134 = tpu.memref_slice %arg3[%dma_wait3A_132, %dma_wait3A_133] : memref<18432x768xf32, #tpu.memory_space<hbm>> -> memref<18432x768xf32, #tpu.memory_space<hbm>>
      tpu.wait_indirect_dma semaphore(%arg17 : memref<!tpu.dma_semaphore, #tpu.memory_space<semaphore_mem>>) src(%dma_wait3A_134 : memref<18432x768xf32, #tpu.memory_space<hbm>>) dst(%arg10 : memref<16x768xf32, #tpu.memory_space<vmem>>)
      %get3A_135 = arith.constant 0 : i32
      %get3A_136 = arith.constant 2 : i32
      %get3A_137 = arith.index_cast %get3A_135 : i32 to index
      %get3A_138 = arith.index_cast %get3A_136 : i32 to index
      %get3A_139 = arith.constant 0 : index
      %get3A_140 = tpu.vector_load %arg8[%get3A_137, %get3A_138, %get3A_139] {strides = array<i32>} : memref<18x4x16xi32, #tpu.memory_space<vmem>>, vector<1x1x16xi32>,
      %get3A_141 = vector.shape_cast %get3A_140 : vector<1x1x16xi32> to vector<16xi32>
      %dma_wait3A_142 = arith.constant 0 : i32
      %dma_wait3A_143 = arith.constant 0 : i32
      %dma_wait3A_144 = tpu.memref_slice %arg4[%dma_wait3A_142, %dma_wait3A_143] : memref<18432x768xf32, #tpu.memory_space<hbm>> -> memref<18432x768xf32, #tpu.memory_space<hbm>>
      tpu.wait_indirect_dma semaphore(%arg17 : memref<!tpu.dma_semaphore, #tpu.memory_space<semaphore_mem>>) src(%dma_wait3A_144 : memref<18432x768xf32, #tpu.memory_space<hbm>>) dst(%arg11 : memref<16x768xf32, #tpu.memory_space<vmem>>)
      %get3A_145 = arith.constant 0 : i32
      %get3A_146 = arith.constant 3 : i32
      %get3A_147 = arith.index_cast %get3A_145 : i32 to index
      %get3A_148 = arith.index_cast %get3A_146 : i32 to index
      %get3A_149 = arith.constant 0 : index
      %get3A_150 = tpu.vector_load %arg8[%get3A_147, %get3A_148, %get3A_149] {strides = array<i32>} : memref<18x4x16xi32, #tpu.memory_space<vmem>>, vector<1x1x16xi32>,
      %get3A_151 = vector.shape_cast %get3A_150 : vector<1x1x16xi32> to vector<16xi32>
      %dma_wait3A_152 = arith.constant 0 : i32
      %dma_wait3A_153 = arith.constant 0 : i32
      %dma_wait3A_154 = tpu.memref_slice %arg5[%dma_wait3A_152, %dma_wait3A_153] : memref<18432x768xf32, #tpu.memory_space<hbm>> -> memref<18432x768xf32, #tpu.memory_space<hbm>>
      tpu.wait_indirect_dma semaphore(%arg17 : memref<!tpu.dma_semaphore, #tpu.memory_space<semaphore_mem>>) src(%dma_wait3A_154 : memref<18432x768xf32, #tpu.memory_space<hbm>>) dst(%arg12 : memref<16x768xf32, #tpu.memory_space<vmem>>)
      %scan3A_155 = arith.constant 0 : i32
      %scan3A_156 = arith.constant 16 : i32
      %scan3A_157 = arith.addi %scan3A_155, %scan3A_156 : i32
      %scan3A_158 = arith.constant 1 : i32
      scf.for %scan3A_218 = %scan3A_155 to %scan3A_157 step %scan3A_158  : i32 {
        %scan3A_219 = arith.constant 0 : i32
        %scan3A_220 = arith.constant 12 : i32
        %scan3A_221 = arith.addi %scan3A_219, %scan3A_220 : i32
        %scan3A_222 = arith.constant 1 : i32
        scf.for %scan3A_224 = %scan3A_219 to %scan3A_221 step %scan3A_222  : i32 {
          %mul3A_225 = arith.constant 4 : i32
          %mul3A_226 = arith.muli %scan3A_224, %mul3A_225 : i32
          %add3A_227 = arith.constant 0 : i32
          %add3A_228 = arith.addi %mul3A_226, %add3A_227 : i32
          %mul3A_229 = arith.constant 16 : i32
          %mul3A_230 = arith.muli %add3A_228, %mul3A_229 : i32
          %get3A_231 = arith.index_cast %scan3A_218 : i32 to index
          %get3A_232 = arith.index_cast %mul3A_230 : i32 to index
          %get3A_233 = tpu.vector_load %arg9[%get3A_231, %get3A_232] {strides = array<i32>} : memref<16x768xf32, #tpu.memory_space<vmem>>, vector<1x16xf32>,
          %get3A_234 = vector.shape_cast %get3A_233 : vector<1x16xf32> to vector<16xf32>
          %get3A_235 = arith.index_cast %scan3A_218 : i32 to index
          %get3A_236 = arith.index_cast %mul3A_230 : i32 to index
          %get3A_237 = tpu.vector_load %arg10[%get3A_235, %get3A_236] {strides = array<i32>} : memref<16x768xf32, #tpu.memory_space<vmem>>, vector<1x16xf32>,
          %get3A_238 = vector.shape_cast %get3A_237 : vector<1x16xf32> to vector<16xf32>
          %add3A_239 = arith.addf %get3A_234, %get3A_238 : vector<16xf32>
          %get3A_240 = arith.index_cast %scan3A_218 : i32 to index
          %get3A_241 = arith.index_cast %mul3A_230 : i32 to index
          %get3A_242 = tpu.vector_load %arg11[%get3A_240, %get3A_241] {strides = array<i32>} : memref<16x768xf32, #tpu.memory_space<vmem>>, vector<1x16xf32>,
          %get3A_243 = vector.shape_cast %get3A_242 : vector<1x16xf32> to vector<16xf32>
          %add3A_244 = arith.addf %add3A_239, %get3A_243 : vector<16xf32>
          %get3A_245 = arith.index_cast %scan3A_218 : i32 to index
          %get3A_246 = arith.index_cast %mul3A_230 : i32 to index
          %get3A_247 = tpu.vector_load %arg12[%get3A_245, %get3A_246] {strides = array<i32>} : memref<16x768xf32, #tpu.memory_space<vmem>>, vector<1x16xf32>,
          %get3A_248 = vector.shape_cast %get3A_247 : vector<1x16xf32> to vector<16xf32>
          %add3A_249 = arith.addf %add3A_244, %get3A_248 : vector<16xf32>
          %swap3A = arith.index_cast %scan3A_218 : i32 to index
          %swap3A_250 = arith.index_cast %mul3A_230 : i32 to index
          %swap3A_251 = tpu.vector_load %arg9[%swap3A, %swap3A_250] {strides = array<i32>} : memref<16x768xf32, #tpu.memory_space<vmem>>, vector<1x16xf32>,
          %swap3A_252 = vector.shape_cast %swap3A_251 : vector<1x16xf32> to vector<16xf32>
          %swap3A_253 = vector.shape_cast %add3A_249 : vector<16xf32> to vector<1x16xf32>
          tpu.vector_store %arg9[%swap3A, %swap3A_250], %swap3A_253 {strides = array<i32>} : memref<16x768xf32, #tpu.memory_space<vmem>>, vector<1x16xf32>,
          %mul3A_254 = arith.constant 4 : i32
          %mul3A_255 = arith.muli %scan3A_224, %mul3A_254 : i32
          %add3A_256 = arith.constant 1 : i32
          %add3A_257 = arith.addi %mul3A_255, %add3A_256 : i32
          %mul3A_258 = arith.constant 16 : i32
          %mul3A_259 = arith.muli %add3A_257, %mul3A_258 : i32
          %get3A_260 = arith.index_cast %scan3A_218 : i32 to index
          %get3A_261 = arith.index_cast %mul3A_259 : i32 to index
          %get3A_262 = tpu.vector_load %arg9[%get3A_260, %get3A_261] {strides = array<i32>} : memref<16x768xf32, #tpu.memory_space<vmem>>, vector<1x16xf32>,
          %get3A_263 = vector.shape_cast %get3A_262 : vector<1x16xf32> to vector<16xf32>
          %get3A_264 = arith.index_cast %scan3A_218 : i32 to index
          %get3A_265 = arith.index_cast %mul3A_259 : i32 to index
          %get3A_266 = tpu.vector_load %arg10[%get3A_264, %get3A_265] {strides = array<i32>} : memref<16x768xf32, #tpu.memory_space<vmem>>, vector<1x16xf32>,
          %get3A_267 = vector.shape_cast %get3A_266 : vector<1x16xf32> to vector<16xf32>
          %add3A_268 = arith.addf %get3A_263, %get3A_267 : vector<16xf32>
          %get3A_269 = arith.index_cast %scan3A_218 : i32 to index
          %get3A_270 = arith.index_cast %mul3A_259 : i32 to index
          %get3A_271 = tpu.vector_load %arg11[%get3A_269, %get3A_270] {strides = array<i32>} : memref<16x768xf32, #tpu.memory_space<vmem>>, vector<1x16xf32>,
          %get3A_272 = vector.shape_cast %get3A_271 : vector<1x16xf32> to vector<16xf32>
          %add3A_273 = arith.addf %add3A_268, %get3A_272 : vector<16xf32>
          %get3A_274 = arith.index_cast %scan3A_218 : i32 to index
          %get3A_275 = arith.index_cast %mul3A_259 : i32 to index
          %get3A_276 = tpu.vector_load %arg12[%get3A_274, %get3A_275] {strides = array<i32>} : memref<16x768xf32, #tpu.memory_space<vmem>>, vector<1x16xf32>,
          %get3A_277 = vector.shape_cast %get3A_276 : vector<1x16xf32> to vector<16xf32>
          %add3A_278 = arith.addf %add3A_273, %get3A_277 : vector<16xf32>
          %swap3A_279 = arith.index_cast %scan3A_218 : i32 to index
          %swap3A_280 = arith.index_cast %mul3A_259 : i32 to index
          %swap3A_281 = tpu.vector_load %arg9[%swap3A_279, %swap3A_280] {strides = array<i32>} : memref<16x768xf32, #tpu.memory_space<vmem>>, vector<1x16xf32>,
          %swap3A_282 = vector.shape_cast %swap3A_281 : vector<1x16xf32> to vector<16xf32>
          %swap3A_283 = vector.shape_cast %add3A_278 : vector<16xf32> to vector<1x16xf32>
          tpu.vector_store %arg9[%swap3A_279, %swap3A_280], %swap3A_283 {strides = array<i32>} : memref<16x768xf32, #tpu.memory_space<vmem>>, vector<1x16xf32>,
          %mul3A_284 = arith.constant 4 : i32
          %mul3A_285 = arith.muli %scan3A_224, %mul3A_284 : i32
          %add3A_286 = arith.constant 2 : i32
          %add3A_287 = arith.addi %mul3A_285, %add3A_286 : i32
          %mul3A_288 = arith.constant 16 : i32
          %mul3A_289 = arith.muli %add3A_287, %mul3A_288 : i32
          %get3A_290 = arith.index_cast %scan3A_218 : i32 to index
          %get3A_291 = arith.index_cast %mul3A_289 : i32 to index
          %get3A_292 = tpu.vector_load %arg9[%get3A_290, %get3A_291] {strides = array<i32>} : memref<16x768xf32, #tpu.memory_space<vmem>>, vector<1x16xf32>,
          %get3A_293 = vector.shape_cast %get3A_292 : vector<1x16xf32> to vector<16xf32>
          %get3A_294 = arith.index_cast %scan3A_218 : i32 to index
          %get3A_295 = arith.index_cast %mul3A_289 : i32 to index
          %get3A_296 = tpu.vector_load %arg10[%get3A_294, %get3A_295] {strides = array<i32>} : memref<16x768xf32, #tpu.memory_space<vmem>>, vector<1x16xf32>,
          %get3A_297 = vector.shape_cast %get3A_296 : vector<1x16xf32> to vector<16xf32>
          %add3A_298 = arith.addf %get3A_293, %get3A_297 : vector<16xf32>
          %get3A_299 = arith.index_cast %scan3A_218 : i32 to index
          %get3A_300 = arith.index_cast %mul3A_289 : i32 to index
          %get3A_301 = tpu.vector_load %arg11[%get3A_299, %get3A_300] {strides = array<i32>} : memref<16x768xf32, #tpu.memory_space<vmem>>, vector<1x16xf32>,
          %get3A_302 = vector.shape_cast %get3A_301 : vector<1x16xf32> to vector<16xf32>
          %add3A_303 = arith.addf %add3A_298, %get3A_302 : vector<16xf32>
          %get3A_304 = arith.index_cast %scan3A_218 : i32 to index
          %get3A_305 = arith.index_cast %mul3A_289 : i32 to index
          %get3A_306 = tpu.vector_load %arg12[%get3A_304, %get3A_305] {strides = array<i32>} : memref<16x768xf32, #tpu.memory_space<vmem>>, vector<1x16xf32>,
          %get3A_307 = vector.shape_cast %get3A_306 : vector<1x16xf32> to vector<16xf32>
          %add3A_308 = arith.addf %add3A_303, %get3A_307 : vector<16xf32>
          %swap3A_309 = arith.index_cast %scan3A_218 : i32 to index
          %swap3A_310 = arith.index_cast %mul3A_289 : i32 to index
          %swap3A_311 = tpu.vector_load %arg9[%swap3A_309, %swap3A_310] {strides = array<i32>} : memref<16x768xf32, #tpu.memory_space<vmem>>, vector<1x16xf32>,
          %swap3A_312 = vector.shape_cast %swap3A_311 : vector<1x16xf32> to vector<16xf32>
          %swap3A_313 = vector.shape_cast %add3A_308 : vector<16xf32> to vector<1x16xf32>
          tpu.vector_store %arg9[%swap3A_309, %swap3A_310], %swap3A_313 {strides = array<i32>} : memref<16x768xf32, #tpu.memory_space<vmem>>, vector<1x16xf32>,
          %mul3A_314 = arith.constant 4 : i32
          %mul3A_315 = arith.muli %scan3A_224, %mul3A_314 : i32
          %add3A_316 = arith.constant 3 : i32
          %add3A_317 = arith.addi %mul3A_315, %add3A_316 : i32
          %mul3A_318 = arith.constant 16 : i32
          %mul3A_319 = arith.muli %add3A_317, %mul3A_318 : i32
          %get3A_320 = arith.index_cast %scan3A_218 : i32 to index
          %get3A_321 = arith.index_cast %mul3A_319 : i32 to index
          %get3A_322 = tpu.vector_load %arg9[%get3A_320, %get3A_321] {strides = array<i32>} : memref<16x768xf32, #tpu.memory_space<vmem>>, vector<1x16xf32>,
          %get3A_323 = vector.shape_cast %get3A_322 : vector<1x16xf32> to vector<16xf32>
          %get3A_324 = arith.index_cast %scan3A_218 : i32 to index
          %get3A_325 = arith.index_cast %mul3A_319 : i32 to index
          %get3A_326 = tpu.vector_load %arg10[%get3A_324, %get3A_325] {strides = array<i32>} : memref<16x768xf32, #tpu.memory_space<vmem>>, vector<1x16xf32>,
          %get3A_327 = vector.shape_cast %get3A_326 : vector<1x16xf32> to vector<16xf32>
          %add3A_328 = arith.addf %get3A_323, %get3A_327 : vector<16xf32>
          %get3A_329 = arith.index_cast %scan3A_218 : i32 to index
          %get3A_330 = arith.index_cast %mul3A_319 : i32 to index
          %get3A_331 = tpu.vector_load %arg11[%get3A_329, %get3A_330] {strides = array<i32>} : memref<16x768xf32, #tpu.memory_space<vmem>>, vector<1x16xf32>,
          %get3A_332 = vector.shape_cast %get3A_331 : vector<1x16xf32> to vector<16xf32>
          %add3A_333 = arith.addf %add3A_328, %get3A_332 : vector<16xf32>
          %get3A_334 = arith.index_cast %scan3A_218 : i32 to index
          %get3A_335 = arith.index_cast %mul3A_319 : i32 to index
          %get3A_336 = tpu.vector_load %arg12[%get3A_334, %get3A_335] {strides = array<i32>} : memref<16x768xf32, #tpu.memory_space<vmem>>, vector<1x16xf32>,
          %get3A_337 = vector.shape_cast %get3A_336 : vector<1x16xf32> to vector<16xf32>
          %add3A_338 = arith.addf %add3A_333, %get3A_337 : vector<16xf32>
          %swap3A_339 = arith.index_cast %scan3A_218 : i32 to index
          %swap3A_340 = arith.index_cast %mul3A_319 : i32 to index
          %swap3A_341 = tpu.vector_load %arg9[%swap3A_339, %swap3A_340] {strides = array<i32>} : memref<16x768xf32, #tpu.memory_space<vmem>>, vector<1x16xf32>,
          %swap3A_342 = vector.shape_cast %swap3A_341 : vector<1x16xf32> to vector<16xf32>
          %swap3A_343 = vector.shape_cast %add3A_338 : vector<16xf32> to vector<1x16xf32>
          tpu.vector_store %arg9[%swap3A_339, %swap3A_340], %swap3A_343 {strides = array<i32>} : memref<16x768xf32, #tpu.memory_space<vmem>>, vector<1x16xf32>,
        }
        %scan3A_223 = arith.constant 12 : i32
      }
      %scan3A_159 = arith.constant 16 : i32
      %mul3A_160 = arith.constant 16 : i32
      %mul3A_161 = arith.muli %mul3A_77, %mul3A_160 : i32
      %add3A_162 = arith.addi %mul3A_32, %mul3A_161 : i32
      "tpu.region"() ({
        %run_scoped3A = tpu.sem_alloc : memref<!tpu.dma_semaphore, #tpu.memory_space<semaphore_mem>>
        %dma_start3A_218 = arith.constant 0 : i32
        %dma_start3A_219 = tpu.memref_slice %arg7[%select_n3A, %add3A_162, %dma_start3A_218] : memref<16x576x768xf32, #tpu.memory_space<hbm>> -> memref<1x16x768xf32, #tpu.memory_space<hbm>>
        %dma_start3A_220 = tpu.memref_squeeze %dma_start3A_219 : memref<1x16x768xf32, #tpu.memory_space<hbm>> -> memref<16x768xf32, #tpu.memory_space<hbm>>
        %dma_start3A_221 = arith.constant 0 : i32
        %dma_start3A_222 = tpu.memref_slice %arg7[%select_n3A, %add3A_162, %dma_start3A_221] : memref<16x576x768xf32, #tpu.memory_space<hbm>> -> memref<1x16x768xf32, #tpu.memory_space<hbm>>
        %dma_start3A_223 = tpu.memref_squeeze %dma_start3A_222 : memref<1x16x768xf32, #tpu.memory_space<hbm>> -> memref<16x768xf32, #tpu.memory_space<hbm>>
        tpu.enqueue_dma source(%arg9 : memref<16x768xf32, #tpu.memory_space<vmem>>) target(%dma_start3A_223 : memref<16x768xf32, #tpu.memory_space<hbm>>) target_semaphore(%run_scoped3A : memref<!tpu.dma_semaphore, #tpu.memory_space<semaphore_mem>>)
        %dma_wait3A_224 = arith.constant 0 : i32
        %dma_wait3A_225 = tpu.memref_slice %arg7[%select_n3A, %add3A_162, %dma_wait3A_224] : memref<16x576x768xf32, #tpu.memory_space<hbm>> -> memref<1x16x768xf32, #tpu.memory_space<hbm>>
        %dma_wait3A_226 = tpu.memref_squeeze %dma_wait3A_225 : memref<1x16x768xf32, #tpu.memory_space<hbm>> -> memref<16x768xf32, #tpu.memory_space<hbm>>
        %dma_wait3A_227 = arith.constant 0 : i32
        %dma_wait3A_228 = tpu.memref_slice %arg7[%select_n3A, %add3A_162, %dma_wait3A_227] : memref<16x576x768xf32, #tpu.memory_space<hbm>> -> memref<1x16x768xf32, #tpu.memory_space<hbm>>
        %dma_wait3A_229 = tpu.memref_squeeze %dma_wait3A_228 : memref<1x16x768xf32, #tpu.memory_space<hbm>> -> memref<16x768xf32, #tpu.memory_space<hbm>>
        tpu.wait_dma2 semaphore(%run_scoped3A : memref<!tpu.dma_semaphore, #tpu.memory_space<semaphore_mem>>) src(%arg9 : memref<16x768xf32, #tpu.memory_space<vmem>>) dst(%dma_wait3A_229 : memref<16x768xf32, #tpu.memory_space<hbm>>)
        tpu.yield
      }) : () -> ()
      %add3A_163 = arith.constant 1 : i32
      %add3A_164 = arith.addi %scan3A_75, %add3A_163 : i32
      %lt3A_165 = arith.constant 9 : i32
      %lt3A_166 = arith.cmpi slt, %add3A_164, %lt3A_165 : i32
      %convert_element_type3A = arith.extui %lt3A_166 : i1 to i32
      %cond3A = arith.constant 0 : i32
      %cond3A_167 = arith.cmpi ne, %convert_element_type3A, %cond3A : i32
      scf.if %cond3A_167 {
        %add3A_218 = arith.constant 2 : i32
        %add3A_219 = arith.addi %mul3A_77, %add3A_218 : i32
        %get3A_220 = arith.constant 0 : i32
        %get3A_221 = arith.index_cast %add3A_219 : i32 to index
        %get3A_222 = arith.index_cast %get3A_220 : i32 to index
        %get3A_223 = arith.constant 0 : index
        %get3A_224 = tpu.vector_load %arg8[%get3A_221, %get3A_222, %get3A_223] {strides = array<i32>} : memref<18x4x16xi32, #tpu.memory_space<vmem>>, vector<1x1x16xi32>,
        %get3A_225 = vector.shape_cast %get3A_224 : vector<1x1x16xi32> to vector<16xi32>
        %dma_start3A_226 = arith.constant 0 : i32
        %dma_start3A_227 = arith.constant 0 : i32
        %dma_start3A_228 = tpu.memref_slice %arg2[%dma_start3A_226, %dma_start3A_227] : memref<18432x768xf32, #tpu.memory_space<hbm>> -> memref<18432x768xf32, #tpu.memory_space<hbm>>
        tpu.enqueue_indirect_dma source(%dma_start3A_228 : memref<18432x768xf32, #tpu.memory_space<hbm>>) target(%arg9 : memref<16x768xf32, #tpu.memory_space<vmem>>) offsets(%get3A_225 : vector<16xi32>) semaphore(%arg17 : memref<!tpu.dma_semaphore, #tpu.memory_space<semaphore_mem>>)
        %get3A_229 = arith.constant 1 : i32
        %get3A_230 = arith.index_cast %add3A_219 : i32 to index
        %get3A_231 = arith.index_cast %get3A_229 : i32 to index
        %get3A_232 = arith.constant 0 : index
        %get3A_233 = tpu.vector_load %arg8[%get3A_230, %get3A_231, %get3A_232] {strides = array<i32>} : memref<18x4x16xi32, #tpu.memory_space<vmem>>, vector<1x1x16xi32>,
        %get3A_234 = vector.shape_cast %get3A_233 : vector<1x1x16xi32> to vector<16xi32>
        %dma_start3A_235 = arith.constant 0 : i32
        %dma_start3A_236 = arith.constant 0 : i32
        %dma_start3A_237 = tpu.memref_slice %arg3[%dma_start3A_235, %dma_start3A_236] : memref<18432x768xf32, #tpu.memory_space<hbm>> -> memref<18432x768xf32, #tpu.memory_space<hbm>>
        tpu.enqueue_indirect_dma source(%dma_start3A_237 : memref<18432x768xf32, #tpu.memory_space<hbm>>) target(%arg10 : memref<16x768xf32, #tpu.memory_space<vmem>>) offsets(%get3A_234 : vector<16xi32>) semaphore(%arg17 : memref<!tpu.dma_semaphore, #tpu.memory_space<semaphore_mem>>)
        %get3A_238 = arith.constant 2 : i32
        %get3A_239 = arith.index_cast %add3A_219 : i32 to index
        %get3A_240 = arith.index_cast %get3A_238 : i32 to index
        %get3A_241 = arith.constant 0 : index
        %get3A_242 = tpu.vector_load %arg8[%get3A_239, %get3A_240, %get3A_241] {strides = array<i32>} : memref<18x4x16xi32, #tpu.memory_space<vmem>>, vector<1x1x16xi32>,
        %get3A_243 = vector.shape_cast %get3A_242 : vector<1x1x16xi32> to vector<16xi32>
        %dma_start3A_244 = arith.constant 0 : i32
        %dma_start3A_245 = arith.constant 0 : i32
        %dma_start3A_246 = tpu.memref_slice %arg4[%dma_start3A_244, %dma_start3A_245] : memref<18432x768xf32, #tpu.memory_space<hbm>> -> memref<18432x768xf32, #tpu.memory_space<hbm>>
        tpu.enqueue_indirect_dma source(%dma_start3A_246 : memref<18432x768xf32, #tpu.memory_space<hbm>>) target(%arg11 : memref<16x768xf32, #tpu.memory_space<vmem>>) offsets(%get3A_243 : vector<16xi32>) semaphore(%arg17 : memref<!tpu.dma_semaphore, #tpu.memory_space<semaphore_mem>>)
        %get3A_247 = arith.constant 3 : i32
        %get3A_248 = arith.index_cast %add3A_219 : i32 to index
        %get3A_249 = arith.index_cast %get3A_247 : i32 to index
        %get3A_250 = arith.constant 0 : index
        %get3A_251 = tpu.vector_load %arg8[%get3A_248, %get3A_249, %get3A_250] {strides = array<i32>} : memref<18x4x16xi32, #tpu.memory_space<vmem>>, vector<1x1x16xi32>,
        %get3A_252 = vector.shape_cast %get3A_251 : vector<1x1x16xi32> to vector<16xi32>
        %dma_start3A_253 = arith.constant 0 : i32
        %dma_start3A_254 = arith.constant 0 : i32
        %dma_start3A_255 = tpu.memref_slice %arg5[%dma_start3A_253, %dma_start3A_254] : memref<18432x768xf32, #tpu.memory_space<hbm>> -> memref<18432x768xf32, #tpu.memory_space<hbm>>
        tpu.enqueue_indirect_dma source(%dma_start3A_255 : memref<18432x768xf32, #tpu.memory_space<hbm>>) target(%arg12 : memref<16x768xf32, #tpu.memory_space<vmem>>) offsets(%get3A_252 : vector<16xi32>) semaphore(%arg17 : memref<!tpu.dma_semaphore, #tpu.memory_space<semaphore_mem>>)
      } else {
      }
      %get3A_168 = arith.constant 0 : i32
      %get3A_169 = arith.constant 0 : i32
      %get3A_170 = arith.index_cast %get3A_168 : i32 to index
      %get3A_171 = arith.index_cast %get3A_169 : i32 to index
      %get3A_172 = arith.constant 0 : index
      %get3A_173 = tpu.vector_load %arg8[%get3A_170, %get3A_171, %get3A_172] {strides = array<i32>} : memref<18x4x16xi32, #tpu.memory_space<vmem>>, vector<1x1x16xi32>,
      %get3A_174 = vector.shape_cast %get3A_173 : vector<1x1x16xi32> to vector<16xi32>
      %dma_wait3A_175 = arith.constant 0 : i32
      %dma_wait3A_176 = arith.constant 0 : i32
      %dma_wait3A_177 = tpu.memref_slice %arg2[%dma_wait3A_175, %dma_wait3A_176] : memref<18432x768xf32, #tpu.memory_space<hbm>> -> memref<18432x768xf32, #tpu.memory_space<hbm>>
      tpu.wait_indirect_dma semaphore(%arg18 : memref<!tpu.dma_semaphore, #tpu.memory_space<semaphore_mem>>) src(%dma_wait3A_177 : memref<18432x768xf32, #tpu.memory_space<hbm>>) dst(%arg13 : memref<16x768xf32, #tpu.memory_space<vmem>>)
      %get3A_178 = arith.constant 0 : i32
      %get3A_179 = arith.constant 1 : i32
      %get3A_180 = arith.index_cast %get3A_178 : i32 to index
      %get3A_181 = arith.index_cast %get3A_179 : i32 to index
      %get3A_182 = arith.constant 0 : index
      %get3A_183 = tpu.vector_load %arg8[%get3A_180, %get3A_181, %get3A_182] {strides = array<i32>} : memref<18x4x16xi32, #tpu.memory_space<vmem>>, vector<1x1x16xi32>,
      %get3A_184 = vector.shape_cast %get3A_183 : vector<1x1x16xi32> to vector<16xi32>
      %dma_wait3A_185 = arith.constant 0 : i32
      %dma_wait3A_186 = arith.constant 0 : i32
      %dma_wait3A_187 = tpu.memref_slice %arg3[%dma_wait3A_185, %dma_wait3A_186] : memref<18432x768xf32, #tpu.memory_space<hbm>> -> memref<18432x768xf32, #tpu.memory_space<hbm>>
      tpu.wait_indirect_dma semaphore(%arg18 : memref<!tpu.dma_semaphore, #tpu.memory_space<semaphore_mem>>) src(%dma_wait3A_187 : memref<18432x768xf32, #tpu.memory_space<hbm>>) dst(%arg14 : memref<16x768xf32, #tpu.memory_space<vmem>>)
      %get3A_188 = arith.constant 0 : i32
      %get3A_189 = arith.constant 2 : i32
      %get3A_190 = arith.index_cast %get3A_188 : i32 to index
      %get3A_191 = arith.index_cast %get3A_189 : i32 to index
      %get3A_192 = arith.constant 0 : index
      %get3A_193 = tpu.vector_load %arg8[%get3A_190, %get3A_191, %get3A_192] {strides = array<i32>} : memref<18x4x16xi32, #tpu.memory_space<vmem>>, vector<1x1x16xi32>,
      %get3A_194 = vector.shape_cast %get3A_193 : vector<1x1x16xi32> to vector<16xi32>
      %dma_wait3A_195 = arith.constant 0 : i32
      %dma_wait3A_196 = arith.constant 0 : i32
      %dma_wait3A_197 = tpu.memref_slice %arg4[%dma_wait3A_195, %dma_wait3A_196] : memref<18432x768xf32, #tpu.memory_space<hbm>> -> memref<18432x768xf32, #tpu.memory_space<hbm>>
      tpu.wait_indirect_dma semaphore(%arg18 : memref<!tpu.dma_semaphore, #tpu.memory_space<semaphore_mem>>) src(%dma_wait3A_197 : memref<18432x768xf32, #tpu.memory_space<hbm>>) dst(%arg15 : memref<16x768xf32, #tpu.memory_space<vmem>>)
      %get3A_198 = arith.constant 0 : i32
      %get3A_199 = arith.constant 3 : i32
      %get3A_200 = arith.index_cast %get3A_198 : i32 to index
      %get3A_201 = arith.index_cast %get3A_199 : i32 to index
      %get3A_202 = arith.constant 0 : index
      %get3A_203 = tpu.vector_load %arg8[%get3A_200, %get3A_201, %get3A_202] {strides = array<i32>} : memref<18x4x16xi32, #tpu.memory_space<vmem>>, vector<1x1x16xi32>,
      %get3A_204 = vector.shape_cast %get3A_203 : vector<1x1x16xi32> to vector<16xi32>
      %dma_wait3A_205 = arith.constant 0 : i32
      %dma_wait3A_206 = arith.constant 0 : i32
      %dma_wait3A_207 = tpu.memref_slice %arg5[%dma_wait3A_205, %dma_wait3A_206] : memref<18432x768xf32, #tpu.memory_space<hbm>> -> memref<18432x768xf32, #tpu.memory_space<hbm>>
      tpu.wait_indirect_dma semaphore(%arg18 : memref<!tpu.dma_semaphore, #tpu.memory_space<semaphore_mem>>) src(%dma_wait3A_207 : memref<18432x768xf32, #tpu.memory_space<hbm>>) dst(%arg16 : memref<16x768xf32, #tpu.memory_space<vmem>>)
      %add3A_208 = arith.constant 1 : i32
      %add3A_209 = arith.addi %mul3A_77, %add3A_208 : i32
      %scan3A_210 = arith.constant 0 : i32
      %scan3A_211 = arith.constant 16 : i32
      %scan3A_212 = arith.addi %scan3A_210, %scan3A_211 : i32
      %scan3A_213 = arith.constant 1 : i32
      scf.for %scan3A_218 = %scan3A_210 to %scan3A_212 step %scan3A_213  : i32 {
        %scan3A_219 = arith.constant 0 : i32
        %scan3A_220 = arith.constant 12 : i32
        %scan3A_221 = arith.addi %scan3A_219, %scan3A_220 : i32
        %scan3A_222 = arith.constant 1 : i32
        scf.for %scan3A_224 = %scan3A_219 to %scan3A_221 step %scan3A_222  : i32 {
          %mul3A_225 = arith.constant 4 : i32
          %mul3A_226 = arith.muli %scan3A_224, %mul3A_225 : i32
          %add3A_227 = arith.constant 0 : i32
          %add3A_228 = arith.addi %mul3A_226, %add3A_227 : i32
          %mul3A_229 = arith.constant 16 : i32
          %mul3A_230 = arith.muli %add3A_228, %mul3A_229 : i32
          %get3A_231 = arith.index_cast %scan3A_218 : i32 to index
          %get3A_232 = arith.index_cast %mul3A_230 : i32 to index
          %get3A_233 = tpu.vector_load %arg13[%get3A_231, %get3A_232] {strides = array<i32>} : memref<16x768xf32, #tpu.memory_space<vmem>>, vector<1x16xf32>,
          %get3A_234 = vector.shape_cast %get3A_233 : vector<1x16xf32> to vector<16xf32>
          %get3A_235 = arith.index_cast %scan3A_218 : i32 to index
          %get3A_236 = arith.index_cast %mul3A_230 : i32 to index
          %get3A_237 = tpu.vector_load %arg14[%get3A_235, %get3A_236] {strides = array<i32>} : memref<16x768xf32, #tpu.memory_space<vmem>>, vector<1x16xf32>,
          %get3A_238 = vector.shape_cast %get3A_237 : vector<1x16xf32> to vector<16xf32>
          %add3A_239 = arith.addf %get3A_234, %get3A_238 : vector<16xf32>
          %get3A_240 = arith.index_cast %scan3A_218 : i32 to index
          %get3A_241 = arith.index_cast %mul3A_230 : i32 to index
          %get3A_242 = tpu.vector_load %arg15[%get3A_240, %get3A_241] {strides = array<i32>} : memref<16x768xf32, #tpu.memory_space<vmem>>, vector<1x16xf32>,
          %get3A_243 = vector.shape_cast %get3A_242 : vector<1x16xf32> to vector<16xf32>
          %add3A_244 = arith.addf %add3A_239, %get3A_243 : vector<16xf32>
          %get3A_245 = arith.index_cast %scan3A_218 : i32 to index
          %get3A_246 = arith.index_cast %mul3A_230 : i32 to index
          %get3A_247 = tpu.vector_load %arg16[%get3A_245, %get3A_246] {strides = array<i32>} : memref<16x768xf32, #tpu.memory_space<vmem>>, vector<1x16xf32>,
          %get3A_248 = vector.shape_cast %get3A_247 : vector<1x16xf32> to vector<16xf32>
          %add3A_249 = arith.addf %add3A_244, %get3A_248 : vector<16xf32>
          %swap3A = arith.index_cast %scan3A_218 : i32 to index
          %swap3A_250 = arith.index_cast %mul3A_230 : i32 to index
          %swap3A_251 = tpu.vector_load %arg13[%swap3A, %swap3A_250] {strides = array<i32>} : memref<16x768xf32, #tpu.memory_space<vmem>>, vector<1x16xf32>,
          %swap3A_252 = vector.shape_cast %swap3A_251 : vector<1x16xf32> to vector<16xf32>
          %swap3A_253 = vector.shape_cast %add3A_249 : vector<16xf32> to vector<1x16xf32>
          tpu.vector_store %arg13[%swap3A, %swap3A_250], %swap3A_253 {strides = array<i32>} : memref<16x768xf32, #tpu.memory_space<vmem>>, vector<1x16xf32>,
          %mul3A_254 = arith.constant 4 : i32
          %mul3A_255 = arith.muli %scan3A_224, %mul3A_254 : i32
          %add3A_256 = arith.constant 1 : i32
          %add3A_257 = arith.addi %mul3A_255, %add3A_256 : i32
          %mul3A_258 = arith.constant 16 : i32
          %mul3A_259 = arith.muli %add3A_257, %mul3A_258 : i32
          %get3A_260 = arith.index_cast %scan3A_218 : i32 to index
          %get3A_261 = arith.index_cast %mul3A_259 : i32 to index
          %get3A_262 = tpu.vector_load %arg13[%get3A_260, %get3A_261] {strides = array<i32>} : memref<16x768xf32, #tpu.memory_space<vmem>>, vector<1x16xf32>,
          %get3A_263 = vector.shape_cast %get3A_262 : vector<1x16xf32> to vector<16xf32>
          %get3A_264 = arith.index_cast %scan3A_218 : i32 to index
          %get3A_265 = arith.index_cast %mul3A_259 : i32 to index
          %get3A_266 = tpu.vector_load %arg14[%get3A_264, %get3A_265] {strides = array<i32>} : memref<16x768xf32, #tpu.memory_space<vmem>>, vector<1x16xf32>,
          %get3A_267 = vector.shape_cast %get3A_266 : vector<1x16xf32> to vector<16xf32>
          %add3A_268 = arith.addf %get3A_263, %get3A_267 : vector<16xf32>
          %get3A_269 = arith.index_cast %scan3A_218 : i32 to index
          %get3A_270 = arith.index_cast %mul3A_259 : i32 to index
          %get3A_271 = tpu.vector_load %arg15[%get3A_269, %get3A_270] {strides = array<i32>} : memref<16x768xf32, #tpu.memory_space<vmem>>, vector<1x16xf32>,
          %get3A_272 = vector.shape_cast %get3A_271 : vector<1x16xf32> to vector<16xf32>
          %add3A_273 = arith.addf %add3A_268, %get3A_272 : vector<16xf32>
          %get3A_274 = arith.index_cast %scan3A_218 : i32 to index
          %get3A_275 = arith.index_cast %mul3A_259 : i32 to index
          %get3A_276 = tpu.vector_load %arg16[%get3A_274, %get3A_275] {strides = array<i32>} : memref<16x768xf32, #tpu.memory_space<vmem>>, vector<1x16xf32>,
          %get3A_277 = vector.shape_cast %get3A_276 : vector<1x16xf32> to vector<16xf32>
          %add3A_278 = arith.addf %add3A_273, %get3A_277 : vector<16xf32>
          %swap3A_279 = arith.index_cast %scan3A_218 : i32 to index
          %swap3A_280 = arith.index_cast %mul3A_259 : i32 to index
          %swap3A_281 = tpu.vector_load %arg13[%swap3A_279, %swap3A_280] {strides = array<i32>} : memref<16x768xf32, #tpu.memory_space<vmem>>, vector<1x16xf32>,
          %swap3A_282 = vector.shape_cast %swap3A_281 : vector<1x16xf32> to vector<16xf32>
          %swap3A_283 = vector.shape_cast %add3A_278 : vector<16xf32> to vector<1x16xf32>
          tpu.vector_store %arg13[%swap3A_279, %swap3A_280], %swap3A_283 {strides = array<i32>} : memref<16x768xf32, #tpu.memory_space<vmem>>, vector<1x16xf32>,
          %mul3A_284 = arith.constant 4 : i32
          %mul3A_285 = arith.muli %scan3A_224, %mul3A_284 : i32
          %add3A_286 = arith.constant 2 : i32
          %add3A_287 = arith.addi %mul3A_285, %add3A_286 : i32
          %mul3A_288 = arith.constant 16 : i32
          %mul3A_289 = arith.muli %add3A_287, %mul3A_288 : i32
          %get3A_290 = arith.index_cast %scan3A_218 : i32 to index
          %get3A_291 = arith.index_cast %mul3A_289 : i32 to index
          %get3A_292 = tpu.vector_load %arg13[%get3A_290, %get3A_291] {strides = array<i32>} : memref<16x768xf32, #tpu.memory_space<vmem>>, vector<1x16xf32>,
          %get3A_293 = vector.shape_cast %get3A_292 : vector<1x16xf32> to vector<16xf32>
          %get3A_294 = arith.index_cast %scan3A_218 : i32 to index
          %get3A_295 = arith.index_cast %mul3A_289 : i32 to index
          %get3A_296 = tpu.vector_load %arg14[%get3A_294, %get3A_295] {strides = array<i32>} : memref<16x768xf32, #tpu.memory_space<vmem>>, vector<1x16xf32>,
          %get3A_297 = vector.shape_cast %get3A_296 : vector<1x16xf32> to vector<16xf32>
          %add3A_298 = arith.addf %get3A_293, %get3A_297 : vector<16xf32>
          %get3A_299 = arith.index_cast %scan3A_218 : i32 to index
          %get3A_300 = arith.index_cast %mul3A_289 : i32 to index
          %get3A_301 = tpu.vector_load %arg15[%get3A_299, %get3A_300] {strides = array<i32>} : memref<16x768xf32, #tpu.memory_space<vmem>>, vector<1x16xf32>,
          %get3A_302 = vector.shape_cast %get3A_301 : vector<1x16xf32> to vector<16xf32>
          %add3A_303 = arith.addf %add3A_298, %get3A_302 : vector<16xf32>
          %get3A_304 = arith.index_cast %scan3A_218 : i32 to index
          %get3A_305 = arith.index_cast %mul3A_289 : i32 to index
          %get3A_306 = tpu.vector_load %arg16[%get3A_304, %get3A_305] {strides = array<i32>} : memref<16x768xf32, #tpu.memory_space<vmem>>, vector<1x16xf32>,
          %get3A_307 = vector.shape_cast %get3A_306 : vector<1x16xf32> to vector<16xf32>
          %add3A_308 = arith.addf %add3A_303, %get3A_307 : vector<16xf32>
          %swap3A_309 = arith.index_cast %scan3A_218 : i32 to index
          %swap3A_310 = arith.index_cast %mul3A_289 : i32 to index
          %swap3A_311 = tpu.vector_load %arg13[%swap3A_309, %swap3A_310] {strides = array<i32>} : memref<16x768xf32, #tpu.memory_space<vmem>>, vector<1x16xf32>,
          %swap3A_312 = vector.shape_cast %swap3A_311 : vector<1x16xf32> to vector<16xf32>
          %swap3A_313 = vector.shape_cast %add3A_308 : vector<16xf32> to vector<1x16xf32>
          tpu.vector_store %arg13[%swap3A_309, %swap3A_310], %swap3A_313 {strides = array<i32>} : memref<16x768xf32, #tpu.memory_space<vmem>>, vector<1x16xf32>,
          %mul3A_314 = arith.constant 4 : i32
          %mul3A_315 = arith.muli %scan3A_224, %mul3A_314 : i32
          %add3A_316 = arith.constant 3 : i32
          %add3A_317 = arith.addi %mul3A_315, %add3A_316 : i32
          %mul3A_318 = arith.constant 16 : i32
          %mul3A_319 = arith.muli %add3A_317, %mul3A_318 : i32
          %get3A_320 = arith.index_cast %scan3A_218 : i32 to index
          %get3A_321 = arith.index_cast %mul3A_319 : i32 to index
          %get3A_322 = tpu.vector_load %arg13[%get3A_320, %get3A_321] {strides = array<i32>} : memref<16x768xf32, #tpu.memory_space<vmem>>, vector<1x16xf32>,
          %get3A_323 = vector.shape_cast %get3A_322 : vector<1x16xf32> to vector<16xf32>
          %get3A_324 = arith.index_cast %scan3A_218 : i32 to index
          %get3A_325 = arith.index_cast %mul3A_319 : i32 to index
          %get3A_326 = tpu.vector_load %arg14[%get3A_324, %get3A_325] {strides = array<i32>} : memref<16x768xf32, #tpu.memory_space<vmem>>, vector<1x16xf32>,
          %get3A_327 = vector.shape_cast %get3A_326 : vector<1x16xf32> to vector<16xf32>
          %add3A_328 = arith.addf %get3A_323, %get3A_327 : vector<16xf32>
          %get3A_329 = arith.index_cast %scan3A_218 : i32 to index
          %get3A_330 = arith.index_cast %mul3A_319 : i32 to index
          %get3A_331 = tpu.vector_load %arg15[%get3A_329, %get3A_330] {strides = array<i32>} : memref<16x768xf32, #tpu.memory_space<vmem>>, vector<1x16xf32>,
          %get3A_332 = vector.shape_cast %get3A_331 : vector<1x16xf32> to vector<16xf32>
          %add3A_333 = arith.addf %add3A_328, %get3A_332 : vector<16xf32>
          %get3A_334 = arith.index_cast %scan3A_218 : i32 to index
          %get3A_335 = arith.index_cast %mul3A_319 : i32 to index
          %get3A_336 = tpu.vector_load %arg16[%get3A_334, %get3A_335] {strides = array<i32>} : memref<16x768xf32, #tpu.memory_space<vmem>>, vector<1x16xf32>,
          %get3A_337 = vector.shape_cast %get3A_336 : vector<1x16xf32> to vector<16xf32>
          %add3A_338 = arith.addf %add3A_333, %get3A_337 : vector<16xf32>
          %swap3A_339 = arith.index_cast %scan3A_218 : i32 to index
          %swap3A_340 = arith.index_cast %mul3A_319 : i32 to index
          %swap3A_341 = tpu.vector_load %arg13[%swap3A_339, %swap3A_340] {strides = array<i32>} : memref<16x768xf32, #tpu.memory_space<vmem>>, vector<1x16xf32>,
          %swap3A_342 = vector.shape_cast %swap3A_341 : vector<1x16xf32> to vector<16xf32>
          %swap3A_343 = vector.shape_cast %add3A_338 : vector<16xf32> to vector<1x16xf32>
          tpu.vector_store %arg13[%swap3A_339, %swap3A_340], %swap3A_343 {strides = array<i32>} : memref<16x768xf32, #tpu.memory_space<vmem>>, vector<1x16xf32>,
        }
        %scan3A_223 = arith.constant 12 : i32
      }
      %scan3A_214 = arith.constant 16 : i32
      %mul3A_215 = arith.constant 16 : i32
      %mul3A_216 = arith.muli %add3A_209, %mul3A_215 : i32
      %add3A_217 = arith.addi %mul3A_32, %mul3A_216 : i32
      "tpu.region"() ({
        %run_scoped3A = tpu.sem_alloc : memref<!tpu.dma_semaphore, #tpu.memory_space<semaphore_mem>>
        %dma_start3A_218 = arith.constant 0 : i32
        %dma_start3A_219 = tpu.memref_slice %arg7[%select_n3A, %add3A_217, %dma_start3A_218] : memref<16x576x768xf32, #tpu.memory_space<hbm>> -> memref<1x16x768xf32, #tpu.memory_space<hbm>>
        %dma_start3A_220 = tpu.memref_squeeze %dma_start3A_219 : memref<1x16x768xf32, #tpu.memory_space<hbm>> -> memref<16x768xf32, #tpu.memory_space<hbm>>
        %dma_start3A_221 = arith.constant 0 : i32
        %dma_start3A_222 = tpu.memref_slice %arg7[%select_n3A, %add3A_217, %dma_start3A_221] : memref<16x576x768xf32, #tpu.memory_space<hbm>> -> memref<1x16x768xf32, #tpu.memory_space<hbm>>
        %dma_start3A_223 = tpu.memref_squeeze %dma_start3A_222 : memref<1x16x768xf32, #tpu.memory_space<hbm>> -> memref<16x768xf32, #tpu.memory_space<hbm>>
        tpu.enqueue_dma source(%arg13 : memref<16x768xf32, #tpu.memory_space<vmem>>) target(%dma_start3A_223 : memref<16x768xf32, #tpu.memory_space<hbm>>) target_semaphore(%run_scoped3A : memref<!tpu.dma_semaphore, #tpu.memory_space<semaphore_mem>>)
        %dma_wait3A_224 = arith.constant 0 : i32
        %dma_wait3A_225 = tpu.memref_slice %arg7[%select_n3A, %add3A_217, %dma_wait3A_224] : memref<16x576x768xf32, #tpu.memory_space<hbm>> -> memref<1x16x768xf32, #tpu.memory_space<hbm>>
        %dma_wait3A_226 = tpu.memref_squeeze %dma_wait3A_225 : memref<1x16x768xf32, #tpu.memory_space<hbm>> -> memref<16x768xf32, #tpu.memory_space<hbm>>
        %dma_wait3A_227 = arith.constant 0 : i32
        %dma_wait3A_228 = tpu.memref_slice %arg7[%select_n3A, %add3A_217, %dma_wait3A_227] : memref<16x576x768xf32, #tpu.memory_space<hbm>> -> memref<1x16x768xf32, #tpu.memory_space<hbm>>
        %dma_wait3A_229 = tpu.memref_squeeze %dma_wait3A_228 : memref<1x16x768xf32, #tpu.memory_space<hbm>> -> memref<16x768xf32, #tpu.memory_space<hbm>>
        tpu.wait_dma2 semaphore(%run_scoped3A : memref<!tpu.dma_semaphore, #tpu.memory_space<semaphore_mem>>) src(%arg13 : memref<16x768xf32, #tpu.memory_space<vmem>>) dst(%dma_wait3A_229 : memref<16x768xf32, #tpu.memory_space<hbm>>)
        tpu.yield
      }) : () -> ()
    }
    %scan3A_74 = arith.constant 9 : i32
    return
  }
}

#map = affine_map<(d0, d1) -> (0, 0)>
#map1 = affine_map<(d0, d1) -> (0, 0, 0, 0)>
#map2 = affine_map<(d0, d1) -> (0, 0, 0)>
module attributes {stable_mosaic.version = 14 : i64} {
  func.func @_sc_body(%arg0: i32, %arg1: i32, %arg2: memref<18432x768xf32, #tpu.memory_space<hbm>>, %arg3: memref<18432x768xf32, #tpu.memory_space<hbm>>, %arg4: memref<18432x768xf32, #tpu.memory_space<hbm>>, %arg5: memref<18432x768xf32, #tpu.memory_space<hbm>>, %arg6: memref<32x18x4x16xi32, #tpu.memory_space<hbm>>, %arg7: memref<16x576x768xf32, #tpu.memory_space<hbm>>, %arg8: memref<18x4x16xi32, #tpu.memory_space<vmem>>, %arg9: memref<16x768xf32, #tpu.memory_space<vmem>>, %arg10: memref<16x768xf32, #tpu.memory_space<vmem>>, %arg11: memref<16x768xf32, #tpu.memory_space<vmem>>, %arg12: memref<16x768xf32, #tpu.memory_space<vmem>>, %arg13: memref<16x768xf32, #tpu.memory_space<vmem>>, %arg14: memref<16x768xf32, #tpu.memory_space<vmem>>, %arg15: memref<16x768xf32, #tpu.memory_space<vmem>>, %arg16: memref<16x768xf32, #tpu.memory_space<vmem>>, %arg17: memref<!tpu.dma_semaphore, #tpu.memory_space<semaphore_mem>>, %arg18: memref<!tpu.dma_semaphore, #tpu.memory_space<semaphore_mem>>) attributes {dimension_semantics = [#tpu.dimension_semantics<core_parallel>, #tpu.dimension_semantics<subcore_parallel>], iteration_bounds = array<i64: 2, 16>, scalar_prefetch = 0 : i64, scratch_operands = 11 : i64, tpu.core_type = #tpu.core_type<sc_vector_subcore>, window_params = [{transform_indices = #map}, {transform_indices = #map}, {transform_indices = #map}, {transform_indices = #map}, {transform_indices = #map1}, {transform_indices = #map2}]} {
    %mul3A = arith.constant 2 : i32
    %mul3A_0 = arith.muli %arg1, %mul3A : i32
    %add3A = arith.addi %mul3A_0, %arg0 : i32
    %jit3A = arith.constant 2 : i32
    %div3A = arith.divsi %add3A, %jit3A : i32
    %sign3A = arith.constant 0 : i32
    %sign3A_1 = arith.cmpi sgt, %add3A, %sign3A : i32
    %sign3A_2 = arith.extui %sign3A_1 : i1 to i32
    %sign3A_3 = arith.constant 0 : i32
    %sign3A_4 = arith.cmpi slt, %add3A, %sign3A_3 : i32
    %sign3A_5 = arith.extui %sign3A_4 : i1 to i32
    %sign3A_6 = arith.subi %sign3A_2, %sign3A_5 : i32
    %sign3A_7 = arith.constant 0 : i32
    %sign3A_8 = arith.cmpi sgt, %jit3A, %sign3A_7 : i32
    %sign3A_9 = arith.extui %sign3A_8 : i1 to i32
    %sign3A_10 = arith.constant 0 : i32
    %sign3A_11 = arith.cmpi slt, %jit3A, %sign3A_10 : i32
    %sign3A_12 = arith.extui %sign3A_11 : i1 to i32
    %sign3A_13 = arith.subi %sign3A_9, %sign3A_12 : i32
    %ne3A = arith.cmpi ne, %sign3A_6, %sign3A_13 : i32
    %rem3A = arith.remsi %add3A, %jit3A : i32
    %ne3A_14 = arith.constant 0 : i32
    %ne3A_15 = arith.cmpi ne, %rem3A, %ne3A_14 : i32
    %and3A = arith.andi %ne3A, %ne3A_15 : i1
    %sub3A = arith.constant 1 : i32
    %sub3A_16 = arith.subi %div3A, %sub3A : i32
    %select_n3A = arith.select %and3A, %sub3A_16, %div3A : i32
    %jit3A_17 = arith.constant 2 : i32
    %eq3A = arith.constant 0 : i32
    %eq3A_18 = arith.cmpi eq, %jit3A_17, %eq3A : i32
    %jit3A_19 = arith.constant 1 : i32
    %select_n3A_20 = arith.select %eq3A_18, %jit3A_19, %jit3A_17 : i32
    %rem3A_21 = arith.remsi %add3A, %select_n3A_20 : i32
    %ne3A_22 = arith.constant 0 : i32
    %ne3A_23 = arith.cmpi ne, %rem3A_21, %ne3A_22 : i32
    %lt3A = arith.constant 0 : i32
    %lt3A_24 = arith.cmpi slt, %rem3A_21, %lt3A : i32
    %lt3A_25 = arith.constant 0 : i32
    %lt3A_26 = arith.cmpi slt, %select_n3A_20, %lt3A_25 : i32
    %ne3A_27 = arith.xori %lt3A_24, %lt3A_26 : i1
    %and3A_28 = arith.andi %ne3A_27, %ne3A_23 : i1
    %add3A_29 = arith.addi %rem3A_21, %select_n3A_20 : i32
    %select_n3A_30 = arith.select %and3A_28, %add3A_29, %rem3A_21 : i32
    %mul3A_31 = arith.constant 288 : i32
    %mul3A_32 = arith.muli %select_n3A_30, %mul3A_31 : i32
    "tpu.region"() ({
      %run_scoped3A = tpu.sem_alloc : memref<!tpu.dma_semaphore, #tpu.memory_space<semaphore_mem>>
      %dma_start3A_75 = arith.constant 0 : i32
      %dma_start3A_76 = arith.constant 0 : i32
      %dma_start3A_77 = arith.constant 0 : i32
      %dma_start3A_78 = tpu.memref_slice %arg6[%add3A, %dma_start3A_75, %dma_start3A_76, %dma_start3A_77] : memref<32x18x4x16xi32, #tpu.memory_space<hbm>> -> memref<1x18x4x16xi32, #tpu.memory_space<hbm>>
      %dma_start3A_79 = tpu.memref_squeeze %dma_start3A_78 : memref<1x18x4x16xi32, #tpu.memory_space<hbm>> -> memref<18x4x16xi32, #tpu.memory_space<hbm>>
      %dma_start3A_80 = arith.constant 0 : i32
      %dma_start3A_81 = arith.constant 0 : i32
      %dma_start3A_82 = arith.constant 0 : i32
      %dma_start3A_83 = tpu.memref_slice %arg6[%add3A, %dma_start3A_80, %dma_start3A_81, %dma_start3A_82] : memref<32x18x4x16xi32, #tpu.memory_space<hbm>> -> memref<1x18x4x16xi32, #tpu.memory_space<hbm>>
      %dma_start3A_84 = tpu.memref_squeeze %dma_start3A_83 : memref<1x18x4x16xi32, #tpu.memory_space<hbm>> -> memref<18x4x16xi32, #tpu.memory_space<hbm>>
      tpu.enqueue_dma source(%dma_start3A_84 : memref<18x4x16xi32, #tpu.memory_space<hbm>>) target(%arg8 : memref<18x4x16xi32, #tpu.memory_space<vmem>>) target_semaphore(%run_scoped3A : memref<!tpu.dma_semaphore, #tpu.memory_space<semaphore_mem>>)
      %dma_wait3A = arith.constant 0 : i32
      %dma_wait3A_85 = arith.constant 0 : i32
      %dma_wait3A_86 = arith.constant 0 : i32
      %dma_wait3A_87 = tpu.memref_slice %arg6[%add3A, %dma_wait3A, %dma_wait3A_85, %dma_wait3A_86] : memref<32x18x4x16xi32, #tpu.memory_space<hbm>> -> memref<1x18x4x16xi32, #tpu.memory_space<hbm>>
      %dma_wait3A_88 = tpu.memref_squeeze %dma_wait3A_87 : memref<1x18x4x16xi32, #tpu.memory_space<hbm>> -> memref<18x4x16xi32, #tpu.memory_space<hbm>>
      %dma_wait3A_89 = arith.constant 0 : i32
      %dma_wait3A_90 = arith.constant 0 : i32
      %dma_wait3A_91 = arith.constant 0 : i32
      %dma_wait3A_92 = tpu.memref_slice %arg6[%add3A, %dma_wait3A_89, %dma_wait3A_90, %dma_wait3A_91] : memref<32x18x4x16xi32, #tpu.memory_space<hbm>> -> memref<1x18x4x16xi32, #tpu.memory_space<hbm>>
      %dma_wait3A_93 = tpu.memref_squeeze %dma_wait3A_92 : memref<1x18x4x16xi32, #tpu.memory_space<hbm>> -> memref<18x4x16xi32, #tpu.memory_space<hbm>>
      tpu.wait_dma2 semaphore(%run_scoped3A : memref<!tpu.dma_semaphore, #tpu.memory_space<semaphore_mem>>) src(%dma_wait3A_93 : memref<18x4x16xi32, #tpu.memory_space<hbm>>) dst(%arg8 : memref<18x4x16xi32, #tpu.memory_space<vmem>>)
      tpu.yield
    }) : () -> ()
    %get3A = arith.constant 0 : i32
    %get3A_33 = arith.constant 0 : i32
    %get3A_34 = arith.index_cast %get3A : i32 to index
    %get3A_35 = arith.index_cast %get3A_33 : i32 to index
    %get3A_36 = arith.constant 0 : index
    %get3A_37 = tpu.vector_load %arg8[%get3A_34, %get3A_35, %get3A_36] {strides = array<i32>} : memref<18x4x16xi32, #tpu.memory_space<vmem>>, vector<1x1x16xi32>,
    %get3A_38 = vector.shape_cast %get3A_37 : vector<1x1x16xi32> to vector<16xi32>
    %dma_start3A = arith.constant 0 : i32
    %dma_start3A_39 = arith.constant 0 : i32
    %dma_start3A_40 = tpu.memref_slice %arg2[%dma_start3A, %dma_start3A_39] : memref<18432x768xf32, #tpu.memory_space<hbm>> -> memref<18432x768xf32, #tpu.memory_space<hbm>>
    tpu.enqueue_indirect_dma source(%dma_start3A_40 : memref<18432x768xf32, #tpu.memory_space<hbm>>) target(%arg9 : memref<16x768xf32, #tpu.memory_space<vmem>>) offsets(%get3A_38 : vector<16xi32>) semaphore(%arg17 : memref<!tpu.dma_semaphore, #tpu.memory_space<semaphore_mem>>)
    %get3A_41 = arith.constant 0 : i32
    %get3A_42 = arith.constant 1 : i32
    %get3A_43 = arith.index_cast %get3A_41 : i32 to index
    %get3A_44 = arith.index_cast %get3A_42 : i32 to index
    %get3A_45 = arith.constant 0 : index
    %get3A_46 = tpu.vector_load %arg8[%get3A_43, %get3A_44, %get3A_45] {strides = array<i32>} : memref<18x4x16xi32, #tpu.memory_space<vmem>>, vector<1x1x16xi32>,
    %get3A_47 = vector.shape_cast %get3A_46 : vector<1x1x16xi32> to vector<16xi32>
    %dma_start3A_48 = arith.constant 0 : i32
    %dma_start3A_49 = arith.constant 0 : i32
    %dma_start3A_50 = tpu.memref_slice %arg3[%dma_start3A_48, %dma_start3A_49] : memref<18432x768xf32, #tpu.memory_space<hbm>> -> memref<18432x768xf32, #tpu.memory_space<hbm>>
    tpu.enqueue_indirect_dma source(%dma_start3A_50 : memref<18432x768xf32, #tpu.memory_space<hbm>>) target(%arg10 : memref<16x768xf32, #tpu.memory_space<vmem>>) offsets(%get3A_47 : vector<16xi32>) semaphore(%arg17 : memref<!tpu.dma_semaphore, #tpu.memory_space<semaphore_mem>>)
    %get3A_51 = arith.constant 0 : i32
    %get3A_52 = arith.constant 2 : i32
    %get3A_53 = arith.index_cast %get3A_51 : i32 to index
    %get3A_54 = arith.index_cast %get3A_52 : i32 to index
    %get3A_55 = arith.constant 0 : index
    %get3A_56 = tpu.vector_load %arg8[%get3A_53, %get3A_54, %get3A_55] {strides = array<i32>} : memref<18x4x16xi32, #tpu.memory_space<vmem>>, vector<1x1x16xi32>,
    %get3A_57 = vector.shape_cast %get3A_56 : vector<1x1x16xi32> to vector<16xi32>
    %dma_start3A_58 = arith.constant 0 : i32
    %dma_start3A_59 = arith.constant 0 : i32
    %dma_start3A_60 = tpu.memref_slice %arg4[%dma_start3A_58, %dma_start3A_59] : memref<18432x768xf32, #tpu.memory_space<hbm>> -> memref<18432x768xf32, #tpu.memory_space<hbm>>
    tpu.enqueue_indirect_dma source(%dma_start3A_60 : memref<18432x768xf32, #tpu.memory_space<hbm>>) target(%arg11 : memref<16x768xf32, #tpu.memory_space<vmem>>) offsets(%get3A_57 : vector<16xi32>) semaphore(%arg17 : memref<!tpu.dma_semaphore, #tpu.memory_space<semaphore_mem>>)
    %get3A_61 = arith.constant 0 : i32
    %get3A_62 = arith.constant 3 : i32
    %get3A_63 = arith.index_cast %get3A_61 : i32 to index
    %get3A_64 = arith.index_cast %get3A_62 : i32 to index
    %get3A_65 = arith.constant 0 : index
    %get3A_66 = tpu.vector_load %arg8[%get3A_63, %get3A_64, %get3A_65] {strides = array<i32>} : memref<18x4x16xi32, #tpu.memory_space<vmem>>, vector<1x1x16xi32>,
    %get3A_67 = vector.shape_cast %get3A_66 : vector<1x1x16xi32> to vector<16xi32>
    %dma_start3A_68 = arith.constant 0 : i32
    %dma_start3A_69 = arith.constant 0 : i32
    %dma_start3A_70 = tpu.memref_slice %arg5[%dma_start3A_68, %dma_start3A_69] : memref<18432x768xf32, #tpu.memory_space<hbm>> -> memref<18432x768xf32, #tpu.memory_space<hbm>>
    tpu.enqueue_indirect_dma source(%dma_start3A_70 : memref<18432x768xf32, #tpu.memory_space<hbm>>) target(%arg12 : memref<16x768xf32, #tpu.memory_space<vmem>>) offsets(%get3A_67 : vector<16xi32>) semaphore(%arg17 : memref<!tpu.dma_semaphore, #tpu.memory_space<semaphore_mem>>)
    %scan3A = arith.constant 0 : i32
    %scan3A_71 = arith.constant 9 : i32
    %scan3A_72 = arith.addi %scan3A, %scan3A_71 : i32
    %scan3A_73 = arith.constant 1 : i32
    scf.for %scan3A_75 = %scan3A to %scan3A_72 step %scan3A_73  : i32 {
      %mul3A_76 = arith.constant 2 : i32
      %mul3A_77 = arith.muli %scan3A_75, %mul3A_76 : i32
      %add3A_78 = arith.constant 1 : i32
      %add3A_79 = arith.addi %mul3A_77, %add3A_78 : i32
      %get3A_80 = arith.constant 0 : i32
      %get3A_81 = arith.index_cast %add3A_79 : i32 to index
      %get3A_82 = arith.index_cast %get3A_80 : i32 to index
      %get3A_83 = arith.constant 0 : index
      %get3A_84 = tpu.vector_load %arg8[%get3A_81, %get3A_82, %get3A_83] {strides = array<i32>} : memref<18x4x16xi32, #tpu.memory_space<vmem>>, vector<1x1x16xi32>,
      %get3A_85 = vector.shape_cast %get3A_84 : vector<1x1x16xi32> to vector<16xi32>
      %dma_start3A_86 = arith.constant 0 : i32
      %dma_start3A_87 = arith.constant 0 : i32
      %dma_start3A_88 = tpu.memref_slice %arg2[%dma_start3A_86, %dma_start3A_87] : memref<18432x768xf32, #tpu.memory_space<hbm>> -> memref<18432x768xf32, #tpu.memory_space<hbm>>
      tpu.enqueue_indirect_dma source(%dma_start3A_88 : memref<18432x768xf32, #tpu.memory_space<hbm>>) target(%arg13 : memref<16x768xf32, #tpu.memory_space<vmem>>) offsets(%get3A_85 : vector<16xi32>) semaphore(%arg18 : memref<!tpu.dma_semaphore, #tpu.memory_space<semaphore_mem>>)
      %get3A_89 = arith.constant 1 : i32
      %get3A_90 = arith.index_cast %add3A_79 : i32 to index
      %get3A_91 = arith.index_cast %get3A_89 : i32 to index
      %get3A_92 = arith.constant 0 : index
      %get3A_93 = tpu.vector_load %arg8[%get3A_90, %get3A_91, %get3A_92] {strides = array<i32>} : memref<18x4x16xi32, #tpu.memory_space<vmem>>, vector<1x1x16xi32>,
      %get3A_94 = vector.shape_cast %get3A_93 : vector<1x1x16xi32> to vector<16xi32>
      %dma_start3A_95 = arith.constant 0 : i32
      %dma_start3A_96 = arith.constant 0 : i32
      %dma_start3A_97 = tpu.memref_slice %arg3[%dma_start3A_95, %dma_start3A_96] : memref<18432x768xf32, #tpu.memory_space<hbm>> -> memref<18432x768xf32, #tpu.memory_space<hbm>>
      tpu.enqueue_indirect_dma source(%dma_start3A_97 : memref<18432x768xf32, #tpu.memory_space<hbm>>) target(%arg14 : memref<16x768xf32, #tpu.memory_space<vmem>>) offsets(%get3A_94 : vector<16xi32>) semaphore(%arg18 : memref<!tpu.dma_semaphore, #tpu.memory_space<semaphore_mem>>)
      %get3A_98 = arith.constant 2 : i32
      %get3A_99 = arith.index_cast %add3A_79 : i32 to index
      %get3A_100 = arith.index_cast %get3A_98 : i32 to index
      %get3A_101 = arith.constant 0 : index
      %get3A_102 = tpu.vector_load %arg8[%get3A_99, %get3A_100, %get3A_101] {strides = array<i32>} : memref<18x4x16xi32, #tpu.memory_space<vmem>>, vector<1x1x16xi32>,
      %get3A_103 = vector.shape_cast %get3A_102 : vector<1x1x16xi32> to vector<16xi32>
      %dma_start3A_104 = arith.constant 0 : i32
      %dma_start3A_105 = arith.constant 0 : i32
      %dma_start3A_106 = tpu.memref_slice %arg4[%dma_start3A_104, %dma_start3A_105] : memref<18432x768xf32, #tpu.memory_space<hbm>> -> memref<18432x768xf32, #tpu.memory_space<hbm>>
      tpu.enqueue_indirect_dma source(%dma_start3A_106 : memref<18432x768xf32, #tpu.memory_space<hbm>>) target(%arg15 : memref<16x768xf32, #tpu.memory_space<vmem>>) offsets(%get3A_103 : vector<16xi32>) semaphore(%arg18 : memref<!tpu.dma_semaphore, #tpu.memory_space<semaphore_mem>>)
      %get3A_107 = arith.constant 3 : i32
      %get3A_108 = arith.index_cast %add3A_79 : i32 to index
      %get3A_109 = arith.index_cast %get3A_107 : i32 to index
      %get3A_110 = arith.constant 0 : index
      %get3A_111 = tpu.vector_load %arg8[%get3A_108, %get3A_109, %get3A_110] {strides = array<i32>} : memref<18x4x16xi32, #tpu.memory_space<vmem>>, vector<1x1x16xi32>,
      %get3A_112 = vector.shape_cast %get3A_111 : vector<1x1x16xi32> to vector<16xi32>
      %dma_start3A_113 = arith.constant 0 : i32
      %dma_start3A_114 = arith.constant 0 : i32
      %dma_start3A_115 = tpu.memref_slice %arg5[%dma_start3A_113, %dma_start3A_114] : memref<18432x768xf32, #tpu.memory_space<hbm>> -> memref<18432x768xf32, #tpu.memory_space<hbm>>
      tpu.enqueue_indirect_dma source(%dma_start3A_115 : memref<18432x768xf32, #tpu.memory_space<hbm>>) target(%arg16 : memref<16x768xf32, #tpu.memory_space<vmem>>) offsets(%get3A_112 : vector<16xi32>) semaphore(%arg18 : memref<!tpu.dma_semaphore, #tpu.memory_space<semaphore_mem>>)
      %get3A_116 = arith.constant 0 : i32
      %get3A_117 = arith.constant 0 : i32
      %get3A_118 = arith.index_cast %get3A_116 : i32 to index
      %get3A_119 = arith.index_cast %get3A_117 : i32 to index
      %get3A_120 = arith.constant 0 : index
      %get3A_121 = tpu.vector_load %arg8[%get3A_118, %get3A_119, %get3A_120] {strides = array<i32>} : memref<18x4x16xi32, #tpu.memory_space<vmem>>, vector<1x1x16xi32>,
      %get3A_122 = vector.shape_cast %get3A_121 : vector<1x1x16xi32> to vector<16xi32>
      %dma_wait3A = arith.constant 0 : i32
      %dma_wait3A_123 = arith.constant 0 : i32
      %dma_wait3A_124 = tpu.memref_slice %arg2[%dma_wait3A, %dma_wait3A_123] : memref<18432x768xf32, #tpu.memory_space<hbm>> -> memref<18432x768xf32, #tpu.memory_space<hbm>>
      tpu.wait_indirect_dma semaphore(%arg17 : memref<!tpu.dma_semaphore, #tpu.memory_space<semaphore_mem>>) src(%dma_wait3A_124 : memref<18432x768xf32, #tpu.memory_space<hbm>>) dst(%arg9 : memref<16x768xf32, #tpu.memory_space<vmem>>)
      %get3A_125 = arith.constant 0 : i32
      %get3A_126 = arith.constant 1 : i32
      %get3A_127 = arith.index_cast %get3A_125 : i32 to index
      %get3A_128 = arith.index_cast %get3A_126 : i32 to index
      %get3A_129 = arith.constant 0 : index
      %get3A_130 = tpu.vector_load %arg8[%get3A_127, %get3A_128, %get3A_129] {strides = array<i32>} : memref<18x4x16xi32, #tpu.memory_space<vmem>>, vector<1x1x16xi32>,
      %get3A_131 = vector.shape_cast %get3A_130 : vector<1x1x16xi32> to vector<16xi32>
      %dma_wait3A_132 = arith.constant 0 : i32
      %dma_wait3A_133 = arith.constant 0 : i32
      %dma_wait3A_134 = tpu.memref_slice %arg3[%dma_wait3A_132, %dma_wait3A_133] : memref<18432x768xf32, #tpu.memory_space<hbm>> -> memref<18432x768xf32, #tpu.memory_space<hbm>>
      tpu.wait_indirect_dma semaphore(%arg17 : memref<!tpu.dma_semaphore, #tpu.memory_space<semaphore_mem>>) src(%dma_wait3A_134 : memref<18432x768xf32, #tpu.memory_space<hbm>>) dst(%arg10 : memref<16x768xf32, #tpu.memory_space<vmem>>)
      %get3A_135 = arith.constant 0 : i32
      %get3A_136 = arith.constant 2 : i32
      %get3A_137 = arith.index_cast %get3A_135 : i32 to index
      %get3A_138 = arith.index_cast %get3A_136 : i32 to index
      %get3A_139 = arith.constant 0 : index
      %get3A_140 = tpu.vector_load %arg8[%get3A_137, %get3A_138, %get3A_139] {strides = array<i32>} : memref<18x4x16xi32, #tpu.memory_space<vmem>>, vector<1x1x16xi32>,
      %get3A_141 = vector.shape_cast %get3A_140 : vector<1x1x16xi32> to vector<16xi32>
      %dma_wait3A_142 = arith.constant 0 : i32
      %dma_wait3A_143 = arith.constant 0 : i32
      %dma_wait3A_144 = tpu.memref_slice %arg4[%dma_wait3A_142, %dma_wait3A_143] : memref<18432x768xf32, #tpu.memory_space<hbm>> -> memref<18432x768xf32, #tpu.memory_space<hbm>>
      tpu.wait_indirect_dma semaphore(%arg17 : memref<!tpu.dma_semaphore, #tpu.memory_space<semaphore_mem>>) src(%dma_wait3A_144 : memref<18432x768xf32, #tpu.memory_space<hbm>>) dst(%arg11 : memref<16x768xf32, #tpu.memory_space<vmem>>)
      %get3A_145 = arith.constant 0 : i32
      %get3A_146 = arith.constant 3 : i32
      %get3A_147 = arith.index_cast %get3A_145 : i32 to index
      %get3A_148 = arith.index_cast %get3A_146 : i32 to index
      %get3A_149 = arith.constant 0 : index
      %get3A_150 = tpu.vector_load %arg8[%get3A_147, %get3A_148, %get3A_149] {strides = array<i32>} : memref<18x4x16xi32, #tpu.memory_space<vmem>>, vector<1x1x16xi32>,
      %get3A_151 = vector.shape_cast %get3A_150 : vector<1x1x16xi32> to vector<16xi32>
      %dma_wait3A_152 = arith.constant 0 : i32
      %dma_wait3A_153 = arith.constant 0 : i32
      %dma_wait3A_154 = tpu.memref_slice %arg5[%dma_wait3A_152, %dma_wait3A_153] : memref<18432x768xf32, #tpu.memory_space<hbm>> -> memref<18432x768xf32, #tpu.memory_space<hbm>>
      tpu.wait_indirect_dma semaphore(%arg17 : memref<!tpu.dma_semaphore, #tpu.memory_space<semaphore_mem>>) src(%dma_wait3A_154 : memref<18432x768xf32, #tpu.memory_space<hbm>>) dst(%arg12 : memref<16x768xf32, #tpu.memory_space<vmem>>)
      %scan3A_155 = arith.constant 0 : i32
      %scan3A_156 = arith.constant 16 : i32
      %scan3A_157 = arith.addi %scan3A_155, %scan3A_156 : i32
      %scan3A_158 = arith.constant 1 : i32
      scf.for %scan3A_218 = %scan3A_155 to %scan3A_157 step %scan3A_158  : i32 {
        %scan3A_219 = arith.constant 0 : i32
        %scan3A_220 = arith.constant 12 : i32
        %scan3A_221 = arith.addi %scan3A_219, %scan3A_220 : i32
        %scan3A_222 = arith.constant 1 : i32
        scf.for %scan3A_224 = %scan3A_219 to %scan3A_221 step %scan3A_222  : i32 {
          %mul3A_225 = arith.constant 4 : i32
          %mul3A_226 = arith.muli %scan3A_224, %mul3A_225 : i32
          %add3A_227 = arith.constant 0 : i32
          %add3A_228 = arith.addi %mul3A_226, %add3A_227 : i32
          %mul3A_229 = arith.constant 16 : i32
          %mul3A_230 = arith.muli %add3A_228, %mul3A_229 : i32
          %get3A_231 = arith.index_cast %scan3A_218 : i32 to index
          %get3A_232 = arith.index_cast %mul3A_230 : i32 to index
          %get3A_233 = tpu.vector_load %arg9[%get3A_231, %get3A_232] {strides = array<i32>} : memref<16x768xf32, #tpu.memory_space<vmem>>, vector<1x16xf32>,
          %get3A_234 = vector.shape_cast %get3A_233 : vector<1x16xf32> to vector<16xf32>
          %get3A_235 = arith.index_cast %scan3A_218 : i32 to index
          %get3A_236 = arith.index_cast %mul3A_230 : i32 to index
          %get3A_237 = tpu.vector_load %arg10[%get3A_235, %get3A_236] {strides = array<i32>} : memref<16x768xf32, #tpu.memory_space<vmem>>, vector<1x16xf32>,
          %get3A_238 = vector.shape_cast %get3A_237 : vector<1x16xf32> to vector<16xf32>
          %add3A_239 = arith.addf %get3A_234, %get3A_238 : vector<16xf32>
          %get3A_240 = arith.index_cast %scan3A_218 : i32 to index
          %get3A_241 = arith.index_cast %mul3A_230 : i32 to index
          %get3A_242 = tpu.vector_load %arg11[%get3A_240, %get3A_241] {strides = array<i32>} : memref<16x768xf32, #tpu.memory_space<vmem>>, vector<1x16xf32>,
          %get3A_243 = vector.shape_cast %get3A_242 : vector<1x16xf32> to vector<16xf32>
          %add3A_244 = arith.addf %add3A_239, %get3A_243 : vector<16xf32>
          %get3A_245 = arith.index_cast %scan3A_218 : i32 to index
          %get3A_246 = arith.index_cast %mul3A_230 : i32 to index
          %get3A_247 = tpu.vector_load %arg12[%get3A_245, %get3A_246] {strides = array<i32>} : memref<16x768xf32, #tpu.memory_space<vmem>>, vector<1x16xf32>,
          %get3A_248 = vector.shape_cast %get3A_247 : vector<1x16xf32> to vector<16xf32>
          %add3A_249 = arith.addf %add3A_244, %get3A_248 : vector<16xf32>
          %swap3A = arith.index_cast %scan3A_218 : i32 to index
          %swap3A_250 = arith.index_cast %mul3A_230 : i32 to index
          %swap3A_251 = tpu.vector_load %arg9[%swap3A, %swap3A_250] {strides = array<i32>} : memref<16x768xf32, #tpu.memory_space<vmem>>, vector<1x16xf32>,
          %swap3A_252 = vector.shape_cast %swap3A_251 : vector<1x16xf32> to vector<16xf32>
          %swap3A_253 = vector.shape_cast %add3A_249 : vector<16xf32> to vector<1x16xf32>
          tpu.vector_store %arg9[%swap3A, %swap3A_250], %swap3A_253 {strides = array<i32>} : memref<16x768xf32, #tpu.memory_space<vmem>>, vector<1x16xf32>,
          %mul3A_254 = arith.constant 4 : i32
          %mul3A_255 = arith.muli %scan3A_224, %mul3A_254 : i32
          %add3A_256 = arith.constant 1 : i32
          %add3A_257 = arith.addi %mul3A_255, %add3A_256 : i32
          %mul3A_258 = arith.constant 16 : i32
          %mul3A_259 = arith.muli %add3A_257, %mul3A_258 : i32
          %get3A_260 = arith.index_cast %scan3A_218 : i32 to index
          %get3A_261 = arith.index_cast %mul3A_259 : i32 to index
          %get3A_262 = tpu.vector_load %arg9[%get3A_260, %get3A_261] {strides = array<i32>} : memref<16x768xf32, #tpu.memory_space<vmem>>, vector<1x16xf32>,
          %get3A_263 = vector.shape_cast %get3A_262 : vector<1x16xf32> to vector<16xf32>
          %get3A_264 = arith.index_cast %scan3A_218 : i32 to index
          %get3A_265 = arith.index_cast %mul3A_259 : i32 to index
          %get3A_266 = tpu.vector_load %arg10[%get3A_264, %get3A_265] {strides = array<i32>} : memref<16x768xf32, #tpu.memory_space<vmem>>, vector<1x16xf32>,
          %get3A_267 = vector.shape_cast %get3A_266 : vector<1x16xf32> to vector<16xf32>
          %add3A_268 = arith.addf %get3A_263, %get3A_267 : vector<16xf32>
          %get3A_269 = arith.index_cast %scan3A_218 : i32 to index
          %get3A_270 = arith.index_cast %mul3A_259 : i32 to index
          %get3A_271 = tpu.vector_load %arg11[%get3A_269, %get3A_270] {strides = array<i32>} : memref<16x768xf32, #tpu.memory_space<vmem>>, vector<1x16xf32>,
          %get3A_272 = vector.shape_cast %get3A_271 : vector<1x16xf32> to vector<16xf32>
          %add3A_273 = arith.addf %add3A_268, %get3A_272 : vector<16xf32>
          %get3A_274 = arith.index_cast %scan3A_218 : i32 to index
          %get3A_275 = arith.index_cast %mul3A_259 : i32 to index
          %get3A_276 = tpu.vector_load %arg12[%get3A_274, %get3A_275] {strides = array<i32>} : memref<16x768xf32, #tpu.memory_space<vmem>>, vector<1x16xf32>,
          %get3A_277 = vector.shape_cast %get3A_276 : vector<1x16xf32> to vector<16xf32>
          %add3A_278 = arith.addf %add3A_273, %get3A_277 : vector<16xf32>
          %swap3A_279 = arith.index_cast %scan3A_218 : i32 to index
          %swap3A_280 = arith.index_cast %mul3A_259 : i32 to index
          %swap3A_281 = tpu.vector_load %arg9[%swap3A_279, %swap3A_280] {strides = array<i32>} : memref<16x768xf32, #tpu.memory_space<vmem>>, vector<1x16xf32>,
          %swap3A_282 = vector.shape_cast %swap3A_281 : vector<1x16xf32> to vector<16xf32>
          %swap3A_283 = vector.shape_cast %add3A_278 : vector<16xf32> to vector<1x16xf32>
          tpu.vector_store %arg9[%swap3A_279, %swap3A_280], %swap3A_283 {strides = array<i32>} : memref<16x768xf32, #tpu.memory_space<vmem>>, vector<1x16xf32>,
          %mul3A_284 = arith.constant 4 : i32
          %mul3A_285 = arith.muli %scan3A_224, %mul3A_284 : i32
          %add3A_286 = arith.constant 2 : i32
          %add3A_287 = arith.addi %mul3A_285, %add3A_286 : i32
          %mul3A_288 = arith.constant 16 : i32
          %mul3A_289 = arith.muli %add3A_287, %mul3A_288 : i32
          %get3A_290 = arith.index_cast %scan3A_218 : i32 to index
          %get3A_291 = arith.index_cast %mul3A_289 : i32 to index
          %get3A_292 = tpu.vector_load %arg9[%get3A_290, %get3A_291] {strides = array<i32>} : memref<16x768xf32, #tpu.memory_space<vmem>>, vector<1x16xf32>,
          %get3A_293 = vector.shape_cast %get3A_292 : vector<1x16xf32> to vector<16xf32>
          %get3A_294 = arith.index_cast %scan3A_218 : i32 to index
          %get3A_295 = arith.index_cast %mul3A_289 : i32 to index
          %get3A_296 = tpu.vector_load %arg10[%get3A_294, %get3A_295] {strides = array<i32>} : memref<16x768xf32, #tpu.memory_space<vmem>>, vector<1x16xf32>,
          %get3A_297 = vector.shape_cast %get3A_296 : vector<1x16xf32> to vector<16xf32>
          %add3A_298 = arith.addf %get3A_293, %get3A_297 : vector<16xf32>
          %get3A_299 = arith.index_cast %scan3A_218 : i32 to index
          %get3A_300 = arith.index_cast %mul3A_289 : i32 to index
          %get3A_301 = tpu.vector_load %arg11[%get3A_299, %get3A_300] {strides = array<i32>} : memref<16x768xf32, #tpu.memory_space<vmem>>, vector<1x16xf32>,
          %get3A_302 = vector.shape_cast %get3A_301 : vector<1x16xf32> to vector<16xf32>
          %add3A_303 = arith.addf %add3A_298, %get3A_302 : vector<16xf32>
          %get3A_304 = arith.index_cast %scan3A_218 : i32 to index
          %get3A_305 = arith.index_cast %mul3A_289 : i32 to index
          %get3A_306 = tpu.vector_load %arg12[%get3A_304, %get3A_305] {strides = array<i32>} : memref<16x768xf32, #tpu.memory_space<vmem>>, vector<1x16xf32>,
          %get3A_307 = vector.shape_cast %get3A_306 : vector<1x16xf32> to vector<16xf32>
          %add3A_308 = arith.addf %add3A_303, %get3A_307 : vector<16xf32>
          %swap3A_309 = arith.index_cast %scan3A_218 : i32 to index
          %swap3A_310 = arith.index_cast %mul3A_289 : i32 to index
          %swap3A_311 = tpu.vector_load %arg9[%swap3A_309, %swap3A_310] {strides = array<i32>} : memref<16x768xf32, #tpu.memory_space<vmem>>, vector<1x16xf32>,
          %swap3A_312 = vector.shape_cast %swap3A_311 : vector<1x16xf32> to vector<16xf32>
          %swap3A_313 = vector.shape_cast %add3A_308 : vector<16xf32> to vector<1x16xf32>
          tpu.vector_store %arg9[%swap3A_309, %swap3A_310], %swap3A_313 {strides = array<i32>} : memref<16x768xf32, #tpu.memory_space<vmem>>, vector<1x16xf32>,
          %mul3A_314 = arith.constant 4 : i32
          %mul3A_315 = arith.muli %scan3A_224, %mul3A_314 : i32
          %add3A_316 = arith.constant 3 : i32
          %add3A_317 = arith.addi %mul3A_315, %add3A_316 : i32
          %mul3A_318 = arith.constant 16 : i32
          %mul3A_319 = arith.muli %add3A_317, %mul3A_318 : i32
          %get3A_320 = arith.index_cast %scan3A_218 : i32 to index
          %get3A_321 = arith.index_cast %mul3A_319 : i32 to index
          %get3A_322 = tpu.vector_load %arg9[%get3A_320, %get3A_321] {strides = array<i32>} : memref<16x768xf32, #tpu.memory_space<vmem>>, vector<1x16xf32>,
          %get3A_323 = vector.shape_cast %get3A_322 : vector<1x16xf32> to vector<16xf32>
          %get3A_324 = arith.index_cast %scan3A_218 : i32 to index
          %get3A_325 = arith.index_cast %mul3A_319 : i32 to index
          %get3A_326 = tpu.vector_load %arg10[%get3A_324, %get3A_325] {strides = array<i32>} : memref<16x768xf32, #tpu.memory_space<vmem>>, vector<1x16xf32>,
          %get3A_327 = vector.shape_cast %get3A_326 : vector<1x16xf32> to vector<16xf32>
          %add3A_328 = arith.addf %get3A_323, %get3A_327 : vector<16xf32>
          %get3A_329 = arith.index_cast %scan3A_218 : i32 to index
          %get3A_330 = arith.index_cast %mul3A_319 : i32 to index
          %get3A_331 = tpu.vector_load %arg11[%get3A_329, %get3A_330] {strides = array<i32>} : memref<16x768xf32, #tpu.memory_space<vmem>>, vector<1x16xf32>,
          %get3A_332 = vector.shape_cast %get3A_331 : vector<1x16xf32> to vector<16xf32>
          %add3A_333 = arith.addf %add3A_328, %get3A_332 : vector<16xf32>
          %get3A_334 = arith.index_cast %scan3A_218 : i32 to index
          %get3A_335 = arith.index_cast %mul3A_319 : i32 to index
          %get3A_336 = tpu.vector_load %arg12[%get3A_334, %get3A_335] {strides = array<i32>} : memref<16x768xf32, #tpu.memory_space<vmem>>, vector<1x16xf32>,
          %get3A_337 = vector.shape_cast %get3A_336 : vector<1x16xf32> to vector<16xf32>
          %add3A_338 = arith.addf %add3A_333, %get3A_337 : vector<16xf32>
          %swap3A_339 = arith.index_cast %scan3A_218 : i32 to index
          %swap3A_340 = arith.index_cast %mul3A_319 : i32 to index
          %swap3A_341 = tpu.vector_load %arg9[%swap3A_339, %swap3A_340] {strides = array<i32>} : memref<16x768xf32, #tpu.memory_space<vmem>>, vector<1x16xf32>,
          %swap3A_342 = vector.shape_cast %swap3A_341 : vector<1x16xf32> to vector<16xf32>
          %swap3A_343 = vector.shape_cast %add3A_338 : vector<16xf32> to vector<1x16xf32>
          tpu.vector_store %arg9[%swap3A_339, %swap3A_340], %swap3A_343 {strides = array<i32>} : memref<16x768xf32, #tpu.memory_space<vmem>>, vector<1x16xf32>,
        }
        %scan3A_223 = arith.constant 12 : i32
      }
      %scan3A_159 = arith.constant 16 : i32
      %mul3A_160 = arith.constant 16 : i32
      %mul3A_161 = arith.muli %mul3A_77, %mul3A_160 : i32
      %add3A_162 = arith.addi %mul3A_32, %mul3A_161 : i32
      "tpu.region"() ({
        %run_scoped3A = tpu.sem_alloc : memref<!tpu.dma_semaphore, #tpu.memory_space<semaphore_mem>>
        %dma_start3A_218 = arith.constant 0 : i32
        %dma_start3A_219 = tpu.memref_slice %arg7[%select_n3A, %add3A_162, %dma_start3A_218] : memref<16x576x768xf32, #tpu.memory_space<hbm>> -> memref<1x16x768xf32, #tpu.memory_space<hbm>>
        %dma_start3A_220 = tpu.memref_squeeze %dma_start3A_219 : memref<1x16x768xf32, #tpu.memory_space<hbm>> -> memref<16x768xf32, #tpu.memory_space<hbm>>
        %dma_start3A_221 = arith.constant 0 : i32
        %dma_start3A_222 = tpu.memref_slice %arg7[%select_n3A, %add3A_162, %dma_start3A_221] : memref<16x576x768xf32, #tpu.memory_space<hbm>> -> memref<1x16x768xf32, #tpu.memory_space<hbm>>
        %dma_start3A_223 = tpu.memref_squeeze %dma_start3A_222 : memref<1x16x768xf32, #tpu.memory_space<hbm>> -> memref<16x768xf32, #tpu.memory_space<hbm>>
        tpu.enqueue_dma source(%arg9 : memref<16x768xf32, #tpu.memory_space<vmem>>) target(%dma_start3A_223 : memref<16x768xf32, #tpu.memory_space<hbm>>) target_semaphore(%run_scoped3A : memref<!tpu.dma_semaphore, #tpu.memory_space<semaphore_mem>>)
        %dma_wait3A_224 = arith.constant 0 : i32
        %dma_wait3A_225 = tpu.memref_slice %arg7[%select_n3A, %add3A_162, %dma_wait3A_224] : memref<16x576x768xf32, #tpu.memory_space<hbm>> -> memref<1x16x768xf32, #tpu.memory_space<hbm>>
        %dma_wait3A_226 = tpu.memref_squeeze %dma_wait3A_225 : memref<1x16x768xf32, #tpu.memory_space<hbm>> -> memref<16x768xf32, #tpu.memory_space<hbm>>
        %dma_wait3A_227 = arith.constant 0 : i32
        %dma_wait3A_228 = tpu.memref_slice %arg7[%select_n3A, %add3A_162, %dma_wait3A_227] : memref<16x576x768xf32, #tpu.memory_space<hbm>> -> memref<1x16x768xf32, #tpu.memory_space<hbm>>
        %dma_wait3A_229 = tpu.memref_squeeze %dma_wait3A_228 : memref<1x16x768xf32, #tpu.memory_space<hbm>> -> memref<16x768xf32, #tpu.memory_space<hbm>>
        tpu.wait_dma2 semaphore(%run_scoped3A : memref<!tpu.dma_semaphore, #tpu.memory_space<semaphore_mem>>) src(%arg9 : memref<16x768xf32, #tpu.memory_space<vmem>>) dst(%dma_wait3A_229 : memref<16x768xf32, #tpu.memory_space<hbm>>)
        tpu.yield
      }) : () -> ()
      %add3A_163 = arith.constant 1 : i32
      %add3A_164 = arith.addi %scan3A_75, %add3A_163 : i32
      %lt3A_165 = arith.constant 9 : i32
      %lt3A_166 = arith.cmpi slt, %add3A_164, %lt3A_165 : i32
      %convert_element_type3A = arith.extui %lt3A_166 : i1 to i32
      %cond3A = arith.constant 0 : i32
      %cond3A_167 = arith.cmpi ne, %convert_element_type3A, %cond3A : i32
      scf.if %cond3A_167 {
        %add3A_218 = arith.constant 2 : i32
        %add3A_219 = arith.addi %mul3A_77, %add3A_218 : i32
        %get3A_220 = arith.constant 0 : i32
        %get3A_221 = arith.index_cast %add3A_219 : i32 to index
        %get3A_222 = arith.index_cast %get3A_220 : i32 to index
        %get3A_223 = arith.constant 0 : index
        %get3A_224 = tpu.vector_load %arg8[%get3A_221, %get3A_222, %get3A_223] {strides = array<i32>} : memref<18x4x16xi32, #tpu.memory_space<vmem>>, vector<1x1x16xi32>,
        %get3A_225 = vector.shape_cast %get3A_224 : vector<1x1x16xi32> to vector<16xi32>
        %dma_start3A_226 = arith.constant 0 : i32
        %dma_start3A_227 = arith.constant 0 : i32
        %dma_start3A_228 = tpu.memref_slice %arg2[%dma_start3A_226, %dma_start3A_227] : memref<18432x768xf32, #tpu.memory_space<hbm>> -> memref<18432x768xf32, #tpu.memory_space<hbm>>
        tpu.enqueue_indirect_dma source(%dma_start3A_228 : memref<18432x768xf32, #tpu.memory_space<hbm>>) target(%arg9 : memref<16x768xf32, #tpu.memory_space<vmem>>) offsets(%get3A_225 : vector<16xi32>) semaphore(%arg17 : memref<!tpu.dma_semaphore, #tpu.memory_space<semaphore_mem>>)
        %get3A_229 = arith.constant 1 : i32
        %get3A_230 = arith.index_cast %add3A_219 : i32 to index
        %get3A_231 = arith.index_cast %get3A_229 : i32 to index
        %get3A_232 = arith.constant 0 : index
        %get3A_233 = tpu.vector_load %arg8[%get3A_230, %get3A_231, %get3A_232] {strides = array<i32>} : memref<18x4x16xi32, #tpu.memory_space<vmem>>, vector<1x1x16xi32>,
        %get3A_234 = vector.shape_cast %get3A_233 : vector<1x1x16xi32> to vector<16xi32>
        %dma_start3A_235 = arith.constant 0 : i32
        %dma_start3A_236 = arith.constant 0 : i32
        %dma_start3A_237 = tpu.memref_slice %arg3[%dma_start3A_235, %dma_start3A_236] : memref<18432x768xf32, #tpu.memory_space<hbm>> -> memref<18432x768xf32, #tpu.memory_space<hbm>>
        tpu.enqueue_indirect_dma source(%dma_start3A_237 : memref<18432x768xf32, #tpu.memory_space<hbm>>) target(%arg10 : memref<16x768xf32, #tpu.memory_space<vmem>>) offsets(%get3A_234 : vector<16xi32>) semaphore(%arg17 : memref<!tpu.dma_semaphore, #tpu.memory_space<semaphore_mem>>)
        %get3A_238 = arith.constant 2 : i32
        %get3A_239 = arith.index_cast %add3A_219 : i32 to index
        %get3A_240 = arith.index_cast %get3A_238 : i32 to index
        %get3A_241 = arith.constant 0 : index
        %get3A_242 = tpu.vector_load %arg8[%get3A_239, %get3A_240, %get3A_241] {strides = array<i32>} : memref<18x4x16xi32, #tpu.memory_space<vmem>>, vector<1x1x16xi32>,
        %get3A_243 = vector.shape_cast %get3A_242 : vector<1x1x16xi32> to vector<16xi32>
        %dma_start3A_244 = arith.constant 0 : i32
        %dma_start3A_245 = arith.constant 0 : i32
        %dma_start3A_246 = tpu.memref_slice %arg4[%dma_start3A_244, %dma_start3A_245] : memref<18432x768xf32, #tpu.memory_space<hbm>> -> memref<18432x768xf32, #tpu.memory_space<hbm>>
        tpu.enqueue_indirect_dma source(%dma_start3A_246 : memref<18432x768xf32, #tpu.memory_space<hbm>>) target(%arg11 : memref<16x768xf32, #tpu.memory_space<vmem>>) offsets(%get3A_243 : vector<16xi32>) semaphore(%arg17 : memref<!tpu.dma_semaphore, #tpu.memory_space<semaphore_mem>>)
        %get3A_247 = arith.constant 3 : i32
        %get3A_248 = arith.index_cast %add3A_219 : i32 to index
        %get3A_249 = arith.index_cast %get3A_247 : i32 to index
        %get3A_250 = arith.constant 0 : index
        %get3A_251 = tpu.vector_load %arg8[%get3A_248, %get3A_249, %get3A_250] {strides = array<i32>} : memref<18x4x16xi32, #tpu.memory_space<vmem>>, vector<1x1x16xi32>,
        %get3A_252 = vector.shape_cast %get3A_251 : vector<1x1x16xi32> to vector<16xi32>
        %dma_start3A_253 = arith.constant 0 : i32
        %dma_start3A_254 = arith.constant 0 : i32
        %dma_start3A_255 = tpu.memref_slice %arg5[%dma_start3A_253, %dma_start3A_254] : memref<18432x768xf32, #tpu.memory_space<hbm>> -> memref<18432x768xf32, #tpu.memory_space<hbm>>
        tpu.enqueue_indirect_dma source(%dma_start3A_255 : memref<18432x768xf32, #tpu.memory_space<hbm>>) target(%arg12 : memref<16x768xf32, #tpu.memory_space<vmem>>) offsets(%get3A_252 : vector<16xi32>) semaphore(%arg17 : memref<!tpu.dma_semaphore, #tpu.memory_space<semaphore_mem>>)
      } else {
      }
      %get3A_168 = arith.constant 0 : i32
      %get3A_169 = arith.constant 0 : i32
      %get3A_170 = arith.index_cast %get3A_168 : i32 to index
      %get3A_171 = arith.index_cast %get3A_169 : i32 to index
      %get3A_172 = arith.constant 0 : index
      %get3A_173 = tpu.vector_load %arg8[%get3A_170, %get3A_171, %get3A_172] {strides = array<i32>} : memref<18x4x16xi32, #tpu.memory_space<vmem>>, vector<1x1x16xi32>,
      %get3A_174 = vector.shape_cast %get3A_173 : vector<1x1x16xi32> to vector<16xi32>
      %dma_wait3A_175 = arith.constant 0 : i32
      %dma_wait3A_176 = arith.constant 0 : i32
      %dma_wait3A_177 = tpu.memref_slice %arg2[%dma_wait3A_175, %dma_wait3A_176] : memref<18432x768xf32, #tpu.memory_space<hbm>> -> memref<18432x768xf32, #tpu.memory_space<hbm>>
      tpu.wait_indirect_dma semaphore(%arg18 : memref<!tpu.dma_semaphore, #tpu.memory_space<semaphore_mem>>) src(%dma_wait3A_177 : memref<18432x768xf32, #tpu.memory_space<hbm>>) dst(%arg13 : memref<16x768xf32, #tpu.memory_space<vmem>>)
      %get3A_178 = arith.constant 0 : i32
      %get3A_179 = arith.constant 1 : i32
      %get3A_180 = arith.index_cast %get3A_178 : i32 to index
      %get3A_181 = arith.index_cast %get3A_179 : i32 to index
      %get3A_182 = arith.constant 0 : index
      %get3A_183 = tpu.vector_load %arg8[%get3A_180, %get3A_181, %get3A_182] {strides = array<i32>} : memref<18x4x16xi32, #tpu.memory_space<vmem>>, vector<1x1x16xi32>,
      %get3A_184 = vector.shape_cast %get3A_183 : vector<1x1x16xi32> to vector<16xi32>
      %dma_wait3A_185 = arith.constant 0 : i32
      %dma_wait3A_186 = arith.constant 0 : i32
      %dma_wait3A_187 = tpu.memref_slice %arg3[%dma_wait3A_185, %dma_wait3A_186] : memref<18432x768xf32, #tpu.memory_space<hbm>> -> memref<18432x768xf32, #tpu.memory_space<hbm>>
      tpu.wait_indirect_dma semaphore(%arg18 : memref<!tpu.dma_semaphore, #tpu.memory_space<semaphore_mem>>) src(%dma_wait3A_187 : memref<18432x768xf32, #tpu.memory_space<hbm>>) dst(%arg14 : memref<16x768xf32, #tpu.memory_space<vmem>>)
      %get3A_188 = arith.constant 0 : i32
      %get3A_189 = arith.constant 2 : i32
      %get3A_190 = arith.index_cast %get3A_188 : i32 to index
      %get3A_191 = arith.index_cast %get3A_189 : i32 to index
      %get3A_192 = arith.constant 0 : index
      %get3A_193 = tpu.vector_load %arg8[%get3A_190, %get3A_191, %get3A_192] {strides = array<i32>} : memref<18x4x16xi32, #tpu.memory_space<vmem>>, vector<1x1x16xi32>,
      %get3A_194 = vector.shape_cast %get3A_193 : vector<1x1x16xi32> to vector<16xi32>
      %dma_wait3A_195 = arith.constant 0 : i32
      %dma_wait3A_196 = arith.constant 0 : i32
      %dma_wait3A_197 = tpu.memref_slice %arg4[%dma_wait3A_195, %dma_wait3A_196] : memref<18432x768xf32, #tpu.memory_space<hbm>> -> memref<18432x768xf32, #tpu.memory_space<hbm>>
      tpu.wait_indirect_dma semaphore(%arg18 : memref<!tpu.dma_semaphore, #tpu.memory_space<semaphore_mem>>) src(%dma_wait3A_197 : memref<18432x768xf32, #tpu.memory_space<hbm>>) dst(%arg15 : memref<16x768xf32, #tpu.memory_space<vmem>>)
      %get3A_198 = arith.constant 0 : i32
      %get3A_199 = arith.constant 3 : i32
      %get3A_200 = arith.index_cast %get3A_198 : i32 to index
      %get3A_201 = arith.index_cast %get3A_199 : i32 to index
      %get3A_202 = arith.constant 0 : index
      %get3A_203 = tpu.vector_load %arg8[%get3A_200, %get3A_201, %get3A_202] {strides = array<i32>} : memref<18x4x16xi32, #tpu.memory_space<vmem>>, vector<1x1x16xi32>,
      %get3A_204 = vector.shape_cast %get3A_203 : vector<1x1x16xi32> to vector<16xi32>
      %dma_wait3A_205 = arith.constant 0 : i32
      %dma_wait3A_206 = arith.constant 0 : i32
      %dma_wait3A_207 = tpu.memref_slice %arg5[%dma_wait3A_205, %dma_wait3A_206] : memref<18432x768xf32, #tpu.memory_space<hbm>> -> memref<18432x768xf32, #tpu.memory_space<hbm>>
      tpu.wait_indirect_dma semaphore(%arg18 : memref<!tpu.dma_semaphore, #tpu.memory_space<semaphore_mem>>) src(%dma_wait3A_207 : memref<18432x768xf32, #tpu.memory_space<hbm>>) dst(%arg16 : memref<16x768xf32, #tpu.memory_space<vmem>>)
      %add3A_208 = arith.constant 1 : i32
      %add3A_209 = arith.addi %mul3A_77, %add3A_208 : i32
      %scan3A_210 = arith.constant 0 : i32
      %scan3A_211 = arith.constant 16 : i32
      %scan3A_212 = arith.addi %scan3A_210, %scan3A_211 : i32
      %scan3A_213 = arith.constant 1 : i32
      scf.for %scan3A_218 = %scan3A_210 to %scan3A_212 step %scan3A_213  : i32 {
        %scan3A_219 = arith.constant 0 : i32
        %scan3A_220 = arith.constant 12 : i32
        %scan3A_221 = arith.addi %scan3A_219, %scan3A_220 : i32
        %scan3A_222 = arith.constant 1 : i32
        scf.for %scan3A_224 = %scan3A_219 to %scan3A_221 step %scan3A_222  : i32 {
          %mul3A_225 = arith.constant 4 : i32
          %mul3A_226 = arith.muli %scan3A_224, %mul3A_225 : i32
          %add3A_227 = arith.constant 0 : i32
          %add3A_228 = arith.addi %mul3A_226, %add3A_227 : i32
          %mul3A_229 = arith.constant 16 : i32
          %mul3A_230 = arith.muli %add3A_228, %mul3A_229 : i32
          %get3A_231 = arith.index_cast %scan3A_218 : i32 to index
          %get3A_232 = arith.index_cast %mul3A_230 : i32 to index
          %get3A_233 = tpu.vector_load %arg13[%get3A_231, %get3A_232] {strides = array<i32>} : memref<16x768xf32, #tpu.memory_space<vmem>>, vector<1x16xf32>,
          %get3A_234 = vector.shape_cast %get3A_233 : vector<1x16xf32> to vector<16xf32>
          %get3A_235 = arith.index_cast %scan3A_218 : i32 to index
          %get3A_236 = arith.index_cast %mul3A_230 : i32 to index
          %get3A_237 = tpu.vector_load %arg14[%get3A_235, %get3A_236] {strides = array<i32>} : memref<16x768xf32, #tpu.memory_space<vmem>>, vector<1x16xf32>,
          %get3A_238 = vector.shape_cast %get3A_237 : vector<1x16xf32> to vector<16xf32>
          %add3A_239 = arith.addf %get3A_234, %get3A_238 : vector<16xf32>
          %get3A_240 = arith.index_cast %scan3A_218 : i32 to index
          %get3A_241 = arith.index_cast %mul3A_230 : i32 to index
          %get3A_242 = tpu.vector_load %arg15[%get3A_240, %get3A_241] {strides = array<i32>} : memref<16x768xf32, #tpu.memory_space<vmem>>, vector<1x16xf32>,
          %get3A_243 = vector.shape_cast %get3A_242 : vector<1x16xf32> to vector<16xf32>
          %add3A_244 = arith.addf %add3A_239, %get3A_243 : vector<16xf32>
          %get3A_245 = arith.index_cast %scan3A_218 : i32 to index
          %get3A_246 = arith.index_cast %mul3A_230 : i32 to index
          %get3A_247 = tpu.vector_load %arg16[%get3A_245, %get3A_246] {strides = array<i32>} : memref<16x768xf32, #tpu.memory_space<vmem>>, vector<1x16xf32>,
          %get3A_248 = vector.shape_cast %get3A_247 : vector<1x16xf32> to vector<16xf32>
          %add3A_249 = arith.addf %add3A_244, %get3A_248 : vector<16xf32>
          %swap3A = arith.index_cast %scan3A_218 : i32 to index
          %swap3A_250 = arith.index_cast %mul3A_230 : i32 to index
          %swap3A_251 = tpu.vector_load %arg13[%swap3A, %swap3A_250] {strides = array<i32>} : memref<16x768xf32, #tpu.memory_space<vmem>>, vector<1x16xf32>,
          %swap3A_252 = vector.shape_cast %swap3A_251 : vector<1x16xf32> to vector<16xf32>
          %swap3A_253 = vector.shape_cast %add3A_249 : vector<16xf32> to vector<1x16xf32>
          tpu.vector_store %arg13[%swap3A, %swap3A_250], %swap3A_253 {strides = array<i32>} : memref<16x768xf32, #tpu.memory_space<vmem>>, vector<1x16xf32>,
          %mul3A_254 = arith.constant 4 : i32
          %mul3A_255 = arith.muli %scan3A_224, %mul3A_254 : i32
          %add3A_256 = arith.constant 1 : i32
          %add3A_257 = arith.addi %mul3A_255, %add3A_256 : i32
          %mul3A_258 = arith.constant 16 : i32
          %mul3A_259 = arith.muli %add3A_257, %mul3A_258 : i32
          %get3A_260 = arith.index_cast %scan3A_218 : i32 to index
          %get3A_261 = arith.index_cast %mul3A_259 : i32 to index
          %get3A_262 = tpu.vector_load %arg13[%get3A_260, %get3A_261] {strides = array<i32>} : memref<16x768xf32, #tpu.memory_space<vmem>>, vector<1x16xf32>,
          %get3A_263 = vector.shape_cast %get3A_262 : vector<1x16xf32> to vector<16xf32>
          %get3A_264 = arith.index_cast %scan3A_218 : i32 to index
          %get3A_265 = arith.index_cast %mul3A_259 : i32 to index
          %get3A_266 = tpu.vector_load %arg14[%get3A_264, %get3A_265] {strides = array<i32>} : memref<16x768xf32, #tpu.memory_space<vmem>>, vector<1x16xf32>,
          %get3A_267 = vector.shape_cast %get3A_266 : vector<1x16xf32> to vector<16xf32>
          %add3A_268 = arith.addf %get3A_263, %get3A_267 : vector<16xf32>
          %get3A_269 = arith.index_cast %scan3A_218 : i32 to index
          %get3A_270 = arith.index_cast %mul3A_259 : i32 to index
          %get3A_271 = tpu.vector_load %arg15[%get3A_269, %get3A_270] {strides = array<i32>} : memref<16x768xf32, #tpu.memory_space<vmem>>, vector<1x16xf32>,
          %get3A_272 = vector.shape_cast %get3A_271 : vector<1x16xf32> to vector<16xf32>
          %add3A_273 = arith.addf %add3A_268, %get3A_272 : vector<16xf32>
          %get3A_274 = arith.index_cast %scan3A_218 : i32 to index
          %get3A_275 = arith.index_cast %mul3A_259 : i32 to index
          %get3A_276 = tpu.vector_load %arg16[%get3A_274, %get3A_275] {strides = array<i32>} : memref<16x768xf32, #tpu.memory_space<vmem>>, vector<1x16xf32>,
          %get3A_277 = vector.shape_cast %get3A_276 : vector<1x16xf32> to vector<16xf32>
          %add3A_278 = arith.addf %add3A_273, %get3A_277 : vector<16xf32>
          %swap3A_279 = arith.index_cast %scan3A_218 : i32 to index
          %swap3A_280 = arith.index_cast %mul3A_259 : i32 to index
          %swap3A_281 = tpu.vector_load %arg13[%swap3A_279, %swap3A_280] {strides = array<i32>} : memref<16x768xf32, #tpu.memory_space<vmem>>, vector<1x16xf32>,
          %swap3A_282 = vector.shape_cast %swap3A_281 : vector<1x16xf32> to vector<16xf32>
          %swap3A_283 = vector.shape_cast %add3A_278 : vector<16xf32> to vector<1x16xf32>
          tpu.vector_store %arg13[%swap3A_279, %swap3A_280], %swap3A_283 {strides = array<i32>} : memref<16x768xf32, #tpu.memory_space<vmem>>, vector<1x16xf32>,
          %mul3A_284 = arith.constant 4 : i32
          %mul3A_285 = arith.muli %scan3A_224, %mul3A_284 : i32
          %add3A_286 = arith.constant 2 : i32
          %add3A_287 = arith.addi %mul3A_285, %add3A_286 : i32
          %mul3A_288 = arith.constant 16 : i32
          %mul3A_289 = arith.muli %add3A_287, %mul3A_288 : i32
          %get3A_290 = arith.index_cast %scan3A_218 : i32 to index
          %get3A_291 = arith.index_cast %mul3A_289 : i32 to index
          %get3A_292 = tpu.vector_load %arg13[%get3A_290, %get3A_291] {strides = array<i32>} : memref<16x768xf32, #tpu.memory_space<vmem>>, vector<1x16xf32>,
          %get3A_293 = vector.shape_cast %get3A_292 : vector<1x16xf32> to vector<16xf32>
          %get3A_294 = arith.index_cast %scan3A_218 : i32 to index
          %get3A_295 = arith.index_cast %mul3A_289 : i32 to index
          %get3A_296 = tpu.vector_load %arg14[%get3A_294, %get3A_295] {strides = array<i32>} : memref<16x768xf32, #tpu.memory_space<vmem>>, vector<1x16xf32>,
          %get3A_297 = vector.shape_cast %get3A_296 : vector<1x16xf32> to vector<16xf32>
          %add3A_298 = arith.addf %get3A_293, %get3A_297 : vector<16xf32>
          %get3A_299 = arith.index_cast %scan3A_218 : i32 to index
          %get3A_300 = arith.index_cast %mul3A_289 : i32 to index
          %get3A_301 = tpu.vector_load %arg15[%get3A_299, %get3A_300] {strides = array<i32>} : memref<16x768xf32, #tpu.memory_space<vmem>>, vector<1x16xf32>,
          %get3A_302 = vector.shape_cast %get3A_301 : vector<1x16xf32> to vector<16xf32>
          %add3A_303 = arith.addf %add3A_298, %get3A_302 : vector<16xf32>
          %get3A_304 = arith.index_cast %scan3A_218 : i32 to index
          %get3A_305 = arith.index_cast %mul3A_289 : i32 to index
          %get3A_306 = tpu.vector_load %arg16[%get3A_304, %get3A_305] {strides = array<i32>} : memref<16x768xf32, #tpu.memory_space<vmem>>, vector<1x16xf32>,
          %get3A_307 = vector.shape_cast %get3A_306 : vector<1x16xf32> to vector<16xf32>
          %add3A_308 = arith.addf %add3A_303, %get3A_307 : vector<16xf32>
          %swap3A_309 = arith.index_cast %scan3A_218 : i32 to index
          %swap3A_310 = arith.index_cast %mul3A_289 : i32 to index
          %swap3A_311 = tpu.vector_load %arg13[%swap3A_309, %swap3A_310] {strides = array<i32>} : memref<16x768xf32, #tpu.memory_space<vmem>>, vector<1x16xf32>,
          %swap3A_312 = vector.shape_cast %swap3A_311 : vector<1x16xf32> to vector<16xf32>
          %swap3A_313 = vector.shape_cast %add3A_308 : vector<16xf32> to vector<1x16xf32>
          tpu.vector_store %arg13[%swap3A_309, %swap3A_310], %swap3A_313 {strides = array<i32>} : memref<16x768xf32, #tpu.memory_space<vmem>>, vector<1x16xf32>,
          %mul3A_314 = arith.constant 4 : i32
          %mul3A_315 = arith.muli %scan3A_224, %mul3A_314 : i32
          %add3A_316 = arith.constant 3 : i32
          %add3A_317 = arith.addi %mul3A_315, %add3A_316 : i32
          %mul3A_318 = arith.constant 16 : i32
          %mul3A_319 = arith.muli %add3A_317, %mul3A_318 : i32
          %get3A_320 = arith.index_cast %scan3A_218 : i32 to index
          %get3A_321 = arith.index_cast %mul3A_319 : i32 to index
          %get3A_322 = tpu.vector_load %arg13[%get3A_320, %get3A_321] {strides = array<i32>} : memref<16x768xf32, #tpu.memory_space<vmem>>, vector<1x16xf32>,
          %get3A_323 = vector.shape_cast %get3A_322 : vector<1x16xf32> to vector<16xf32>
          %get3A_324 = arith.index_cast %scan3A_218 : i32 to index
          %get3A_325 = arith.index_cast %mul3A_319 : i32 to index
          %get3A_326 = tpu.vector_load %arg14[%get3A_324, %get3A_325] {strides = array<i32>} : memref<16x768xf32, #tpu.memory_space<vmem>>, vector<1x16xf32>,
          %get3A_327 = vector.shape_cast %get3A_326 : vector<1x16xf32> to vector<16xf32>
          %add3A_328 = arith.addf %get3A_323, %get3A_327 : vector<16xf32>
          %get3A_329 = arith.index_cast %scan3A_218 : i32 to index
          %get3A_330 = arith.index_cast %mul3A_319 : i32 to index
          %get3A_331 = tpu.vector_load %arg15[%get3A_329, %get3A_330] {strides = array<i32>} : memref<16x768xf32, #tpu.memory_space<vmem>>, vector<1x16xf32>,
          %get3A_332 = vector.shape_cast %get3A_331 : vector<1x16xf32> to vector<16xf32>
          %add3A_333 = arith.addf %add3A_328, %get3A_332 : vector<16xf32>
          %get3A_334 = arith.index_cast %scan3A_218 : i32 to index
          %get3A_335 = arith.index_cast %mul3A_319 : i32 to index
          %get3A_336 = tpu.vector_load %arg16[%get3A_334, %get3A_335] {strides = array<i32>} : memref<16x768xf32, #tpu.memory_space<vmem>>, vector<1x16xf32>,
          %get3A_337 = vector.shape_cast %get3A_336 : vector<1x16xf32> to vector<16xf32>
          %add3A_338 = arith.addf %add3A_333, %get3A_337 : vector<16xf32>
          %swap3A_339 = arith.index_cast %scan3A_218 : i32 to index
          %swap3A_340 = arith.index_cast %mul3A_319 : i32 to index
          %swap3A_341 = tpu.vector_load %arg13[%swap3A_339, %swap3A_340] {strides = array<i32>} : memref<16x768xf32, #tpu.memory_space<vmem>>, vector<1x16xf32>,
          %swap3A_342 = vector.shape_cast %swap3A_341 : vector<1x16xf32> to vector<16xf32>
          %swap3A_343 = vector.shape_cast %add3A_338 : vector<16xf32> to vector<1x16xf32>
          tpu.vector_store %arg13[%swap3A_339, %swap3A_340], %swap3A_343 {strides = array<i32>} : memref<16x768xf32, #tpu.memory_space<vmem>>, vector<1x16xf32>,
        }
        %scan3A_223 = arith.constant 12 : i32
      }
      %scan3A_214 = arith.constant 16 : i32
      %mul3A_215 = arith.constant 16 : i32
      %mul3A_216 = arith.muli %add3A_209, %mul3A_215 : i32
      %add3A_217 = arith.addi %mul3A_32, %mul3A_216 : i32
      "tpu.region"() ({
        %run_scoped3A = tpu.sem_alloc : memref<!tpu.dma_semaphore, #tpu.memory_space<semaphore_mem>>
        %dma_start3A_218 = arith.constant 0 : i32
        %dma_start3A_219 = tpu.memref_slice %arg7[%select_n3A, %add3A_217, %dma_start3A_218] : memref<16x576x768xf32, #tpu.memory_space<hbm>> -> memref<1x16x768xf32, #tpu.memory_space<hbm>>
        %dma_start3A_220 = tpu.memref_squeeze %dma_start3A_219 : memref<1x16x768xf32, #tpu.memory_space<hbm>> -> memref<16x768xf32, #tpu.memory_space<hbm>>
        %dma_start3A_221 = arith.constant 0 : i32
        %dma_start3A_222 = tpu.memref_slice %arg7[%select_n3A, %add3A_217, %dma_start3A_221] : memref<16x576x768xf32, #tpu.memory_space<hbm>> -> memref<1x16x768xf32, #tpu.memory_space<hbm>>
        %dma_start3A_223 = tpu.memref_squeeze %dma_start3A_222 : memref<1x16x768xf32, #tpu.memory_space<hbm>> -> memref<16x768xf32, #tpu.memory_space<hbm>>
        tpu.enqueue_dma source(%arg13 : memref<16x768xf32, #tpu.memory_space<vmem>>) target(%dma_start3A_223 : memref<16x768xf32, #tpu.memory_space<hbm>>) target_semaphore(%run_scoped3A : memref<!tpu.dma_semaphore, #tpu.memory_space<semaphore_mem>>)
        %dma_wait3A_224 = arith.constant 0 : i32
        %dma_wait3A_225 = tpu.memref_slice %arg7[%select_n3A, %add3A_217, %dma_wait3A_224] : memref<16x576x768xf32, #tpu.memory_space<hbm>> -> memref<1x16x768xf32, #tpu.memory_space<hbm>>
        %dma_wait3A_226 = tpu.memref_squeeze %dma_wait3A_225 : memref<1x16x768xf32, #tpu.memory_space<hbm>> -> memref<16x768xf32, #tpu.memory_space<hbm>>
        %dma_wait3A_227 = arith.constant 0 : i32
        %dma_wait3A_228 = tpu.memref_slice %arg7[%select_n3A, %add3A_217, %dma_wait3A_227] : memref<16x576x768xf32, #tpu.memory_space<hbm>> -> memref<1x16x768xf32, #tpu.memory_space<hbm>>
        %dma_wait3A_229 = tpu.memref_squeeze %dma_wait3A_228 : memref<1x16x768xf32, #tpu.memory_space<hbm>> -> memref<16x768xf32, #tpu.memory_space<hbm>>
        tpu.wait_dma2 semaphore(%run_scoped3A : memref<!tpu.dma_semaphore, #tpu.memory_space<semaphore_mem>>) src(%arg13 : memref<16x768xf32, #tpu.memory_space<vmem>>) dst(%dma_wait3A_229 : memref<16x768xf32, #tpu.memory_space<hbm>>)
        tpu.yield
      }) : () -> ()
    }
    %scan3A_74 = arith.constant 9 : i32
    return
  }
}

module attributes {stable_mosaic.version = 14 : i64} {
  func.func @_tc_body(%arg0: i32, %arg1: memref<768x768xbf16, #tpu.memory_space<vmem>>, %arg2: memref<576x576xbf16, #tpu.memory_space<vmem>>, %arg3: memref<1x576x768xf32, #tpu.memory_space<vmem>>, %arg4: memref<1x576x768xf32, #tpu.memory_space<vmem>>, %arg5: memref<1x576x768xf32, #tpu.memory_space<vmem>>, %arg6: memref<1x576x768xf32, #tpu.memory_space<vmem>>, %arg7: memref<1x576x768xf32, #tpu.memory_space<vmem>>, %arg8: memref<1x576x768xf32, #tpu.memory_space<vmem>>) attributes {dimension_semantics = [#tpu.dimension_semantics<arbitrary>], iteration_bounds = array<i64: 16>, scalar_prefetch = 0 : i64, scratch_operands = 0 : i64, tpu.core_type = #tpu.core_type<tc>, window_params = [{pipeline_mode = #tpu.pipeline_mode<synchronous>, transform_indices = @transform_0, window_bounds = array<i64: 768, 768>}, {pipeline_mode = #tpu.pipeline_mode<synchronous>, transform_indices = @transform_1, window_bounds = array<i64: 576, 576>}, {transform_indices = @transform_2, window_bounds = array<i64: 1, 576, 768>}, {transform_indices = @transform_3, window_bounds = array<i64: 1, 576, 768>}, {transform_indices = @transform_4, window_bounds = array<i64: 1, 576, 768>}, {transform_indices = @transform_5, window_bounds = array<i64: 1, 576, 768>}, {transform_indices = @transform_6, window_bounds = array<i64: 1, 576, 768>}, {transform_indices = @transform_7, window_bounds = array<i64: 1, 576, 768>}]} {
    %get3A = arith.constant 0 : index
    %get3A_0 = arith.constant 0 : index
    %get3A_1 = arith.constant 0 : index
    %get3A_2 = vector.load %arg6[%get3A, %get3A_0, %get3A_1] : memref<1x576x768xf32, #tpu.memory_space<vmem>>, vector<1x576x768xf32>
    %get3A_3 = vector.shape_cast %get3A_2 : vector<1x576x768xf32> to vector<576x768xf32>
    %convert_element_type3A = arith.truncf %get3A_3 : vector<576x768xf32> to vector<576x768xbf16>
    %get3A_4 = arith.constant 0 : index
    %get3A_5 = arith.constant 0 : index
    %get3A_6 = arith.constant 0 : index
    %get3A_7 = vector.load %arg7[%get3A_4, %get3A_5, %get3A_6] : memref<1x576x768xf32, #tpu.memory_space<vmem>>, vector<1x576x768xf32>
    %get3A_8 = vector.shape_cast %get3A_7 : vector<1x576x768xf32> to vector<576x768xf32>
    %convert_element_type3A_9 = arith.truncf %get3A_8 : vector<576x768xf32> to vector<576x768xbf16>
    %get3A_10 = arith.constant 0 : index
    %get3A_11 = arith.constant 0 : index
    %get3A_12 = vector.load %arg2[%get3A_10, %get3A_11] : memref<576x576xbf16, #tpu.memory_space<vmem>>, vector<576x576xbf16>
    %dot_general3A = arith.constant dense<0.000000e+00> : vector<576x768xf32>
    %dot_general3A_13 = tpu.matmul %get3A_12, %convert_element_type3A_9, %dot_general3A {dimension_numbers = #tpu.dot_dimension_numbers<[1], [0], [0], [1], [0, 0, 1, 1], [], []>, transpose_lhs_hint = false} : vector<576x576xbf16>, vector<576x768xbf16>, vector<576x768xf32> -> vector<576x768xf32>
    %convert_element_type3A_14 = arith.truncf %dot_general3A_13 : vector<576x768xf32> to vector<576x768xbf16>
    %get3A_15 = arith.constant 0 : index
    %get3A_16 = arith.constant 0 : index
    %get3A_17 = vector.load %arg2[%get3A_15, %get3A_16] : memref<576x576xbf16, #tpu.memory_space<vmem>>, vector<576x576xbf16>
    %get3A_18 = arith.constant 0 : index
    %get3A_19 = arith.constant 0 : index
    %get3A_20 = arith.constant 0 : index
    %get3A_21 = vector.load %arg5[%get3A_18, %get3A_19, %get3A_20] : memref<1x576x768xf32, #tpu.memory_space<vmem>>, vector<1x576x768xf32>
    %get3A_22 = vector.shape_cast %get3A_21 : vector<1x576x768xf32> to vector<576x768xf32>
    %convert_element_type3A_23 = arith.truncf %get3A_22 : vector<576x768xf32> to vector<576x768xbf16>
    %dot_general3A_24 = arith.constant dense<0.000000e+00> : vector<576x768xf32>
    %dot_general3A_25 = tpu.matmul %get3A_17, %convert_element_type3A_23, %dot_general3A_24 {dimension_numbers = #tpu.dot_dimension_numbers<[1], [0], [0], [1], [0, 0, 1, 1], [], []>, transpose_lhs_hint = false} : vector<576x576xbf16>, vector<576x768xbf16>, vector<576x768xf32> -> vector<576x768xf32>
    %reshape3A = vector.shape_cast %convert_element_type3A : vector<576x768xbf16> to vector<24x24x768xbf16>
    %transpose3A = tpu.transpose %reshape3A, [0, 2, 1] : vector<24x24x768xbf16> -> vector<24x768x24xbf16>
    %reshape3A_26 = vector.shape_cast %transpose3A : vector<24x768x24xbf16> to vector<24x32x24x24xbf16>
    %transpose3A_27 = tpu.transpose %reshape3A_26, [0, 1, 3, 2] : vector<24x32x24x24xbf16> -> vector<24x32x24x24xbf16>
    %reshape3A_28 = vector.shape_cast %transpose3A_27 : vector<24x32x24x24xbf16> to vector<24x768x24xbf16>
    %transpose3A_29 = tpu.transpose %reshape3A_28, [0, 2, 1] : vector<24x768x24xbf16> -> vector<24x24x768xbf16>
    %transpose3A_30 = tpu.transpose %transpose3A_29, [1, 0, 2] : vector<24x24x768xbf16> -> vector<24x24x768xbf16>
    %reshape3A_31 = vector.shape_cast %transpose3A_30 : vector<24x24x768xbf16> to vector<576x768xbf16>
    %reshape3A_32 = vector.shape_cast %convert_element_type3A_14 : vector<576x768xbf16> to vector<24x24x768xbf16>
    %transpose3A_33 = tpu.transpose %reshape3A_32, [0, 2, 1] : vector<24x24x768xbf16> -> vector<24x768x24xbf16>
    %reshape3A_34 = vector.shape_cast %transpose3A_33 : vector<24x768x24xbf16> to vector<24x32x24x24xbf16>
    %transpose3A_35 = tpu.transpose %reshape3A_34, [0, 1, 3, 2] : vector<24x32x24x24xbf16> -> vector<24x32x24x24xbf16>
    %reshape3A_36 = vector.shape_cast %transpose3A_35 : vector<24x32x24x24xbf16> to vector<24x768x24xbf16>
    %transpose3A_37 = tpu.transpose %reshape3A_36, [0, 2, 1] : vector<24x768x24xbf16> -> vector<24x24x768xbf16>
    %transpose3A_38 = tpu.transpose %transpose3A_37, [1, 0, 2] : vector<24x24x768xbf16> -> vector<24x24x768xbf16>
    %reshape3A_39 = vector.shape_cast %transpose3A_38 : vector<24x24x768xbf16> to vector<576x768xbf16>
    %concatenate3A = tpu.concatenate %reshape3A_31, %reshape3A_39 in 1 : vector<576x768xbf16>, vector<576x768xbf16> -> vector<576x1536xbf16>
    %get3A_40 = arith.constant 0 : index
    %get3A_41 = arith.constant 0 : index
    %get3A_42 = vector.load %arg1[%get3A_40, %get3A_41] : memref<768x768xbf16, #tpu.memory_space<vmem>>, vector<768x768xbf16>
    %get3A_43 = arith.constant 0 : index
    %get3A_44 = arith.constant 0 : index
    %get3A_45 = vector.load %arg1[%get3A_43, %get3A_44] : memref<768x768xbf16, #tpu.memory_space<vmem>>, vector<768x768xbf16>
    %concatenate3A_46 = tpu.concatenate %get3A_42, %get3A_45 in 0 : vector<768x768xbf16>, vector<768x768xbf16> -> vector<1536x768xbf16>
    %dot_general3A_47 = arith.constant dense<0.000000e+00> : vector<576x768xf32>
    %dot_general3A_48 = tpu.matmul %concatenate3A, %concatenate3A_46, %dot_general3A_47 {dimension_numbers = #tpu.dot_dimension_numbers<[1], [0], [0], [1], [0, 0, 1, 1], [], []>, transpose_lhs_hint = false} : vector<576x1536xbf16>, vector<1536x768xbf16>, vector<576x768xf32> -> vector<576x768xf32>
    %get3A_49 = arith.constant 0 : index
    %get3A_50 = arith.constant 0 : index
    %get3A_51 = arith.constant 0 : index
    %get3A_52 = vector.load %arg3[%get3A_49, %get3A_50, %get3A_51] : memref<1x576x768xf32, #tpu.memory_space<vmem>>, vector<1x576x768xf32>
    %get3A_53 = vector.shape_cast %get3A_52 : vector<1x576x768xf32> to vector<576x768xf32>
    %get3A_54 = arith.constant 0 : index
    %get3A_55 = arith.constant 0 : index
    %get3A_56 = arith.constant 0 : index
    %get3A_57 = vector.load %arg4[%get3A_54, %get3A_55, %get3A_56] : memref<1x576x768xf32, #tpu.memory_space<vmem>>, vector<1x576x768xf32>
    %get3A_58 = vector.shape_cast %get3A_57 : vector<1x576x768xf32> to vector<576x768xf32>
    %add3A = arith.addf %get3A_53, %get3A_58 : vector<576x768xf32>
    %add3A_59 = arith.addf %add3A, %dot_general3A_25 : vector<576x768xf32>
    %add3A_60 = arith.addf %add3A_59, %dot_general3A_48 : vector<576x768xf32>
    %swap3A = arith.constant 0 : index
    %swap3A_61 = arith.constant 0 : index
    %swap3A_62 = arith.constant 0 : index
    %swap3A_63 = vector.load %arg8[%swap3A, %swap3A_61, %swap3A_62] : memref<1x576x768xf32, #tpu.memory_space<vmem>>, vector<1x576x768xf32>
    %swap3A_64 = vector.shape_cast %swap3A_63 : vector<1x576x768xf32> to vector<576x768xf32>
    %swap3A_65 = vector.shape_cast %add3A_60 : vector<576x768xf32> to vector<1x576x768xf32>
    tpu.vector_store %arg8[%swap3A, %swap3A_61, %swap3A_62], %swap3A_65 {strides = array<i32>} : memref<1x576x768xf32, #tpu.memory_space<vmem>>, vector<1x576x768xf32>,
    return
  }
  func.func @transform_0(%arg0: i32) -> (i32, i32) {
    %c0_i32 = arith.constant 0 : i32
    %c0_i32_0 = arith.constant 0 : i32
    %c0_i32_1 = arith.constant 0 : i32
    return %c0_i32, %c0_i32_0 : i32, i32
  }
  func.func @transform_1(%arg0: i32) -> (i32, i32) {
    %c0_i32 = arith.constant 0 : i32
    %c0_i32_0 = arith.constant 0 : i32
    %c0_i32_1 = arith.constant 0 : i32
    return %c0_i32, %c0_i32_0 : i32, i32
  }
  func.func @transform_2(%arg0: i32) -> (i32, i32, i32) {
    %c0_i32 = arith.constant 0 : i32
    %c0_i32_0 = arith.constant 0 : i32
    %c0_i32_1 = arith.constant 0 : i32
    return %arg0, %c0_i32, %c0_i32_0 : i32, i32, i32
  }
  func.func @transform_3(%arg0: i32) -> (i32, i32, i32) {
    %add3A = arith.constant 0 : i32
    %add3A_0 = arith.addi %arg0, %add3A : i32
    %c0_i32 = arith.constant 0 : i32
    %c0_i32_1 = arith.constant 0 : i32
    %c0_i32_2 = arith.constant 0 : i32
    return %add3A_0, %c0_i32, %c0_i32_1 : i32, i32, i32
  }
  func.func @transform_4(%arg0: i32) -> (i32, i32, i32) {
    %add3A = arith.constant 0 : i32
    %add3A_0 = arith.addi %arg0, %add3A : i32
    %c0_i32 = arith.constant 0 : i32
    %c0_i32_1 = arith.constant 0 : i32
    %c0_i32_2 = arith.constant 0 : i32
    return %add3A_0, %c0_i32, %c0_i32_1 : i32, i32, i32
  }
  func.func @transform_5(%arg0: i32) -> (i32, i32, i32) {
    %add3A = arith.constant 0 : i32
    %add3A_0 = arith.addi %arg0, %add3A : i32
    %c0_i32 = arith.constant 0 : i32
    %c0_i32_1 = arith.constant 0 : i32
    %c0_i32_2 = arith.constant 0 : i32
    return %add3A_0, %c0_i32, %c0_i32_1 : i32, i32, i32
  }
  func.func @transform_6(%arg0: i32) -> (i32, i32, i32) {
    %add3A = arith.constant 0 : i32
    %add3A_0 = arith.addi %arg0, %add3A : i32
    %c0_i32 = arith.constant 0 : i32
    %c0_i32_1 = arith.constant 0 : i32
    %c0_i32_2 = arith.constant 0 : i32
    return %add3A_0, %c0_i32, %c0_i32_1 : i32, i32, i32
  }
  func.func @transform_7(%arg0: i32) -> (i32, i32, i32) {
    %add3A = arith.constant 0 : i32
    %add3A_0 = arith.addi %arg0, %add3A : i32
    %c0_i32 = arith.constant 0 : i32
    %c0_i32_1 = arith.constant 0 : i32
    %c0_i32_2 = arith.constant 0 : i32
    return %add3A_0, %c0_i32, %c0_i32_1 : i32, i32, i32
  }
}

module attributes {stable_mosaic.version = 14 : i64} {
  func.func @_tc_body_alias(%arg0: i32, %arg1: memref<768x768xbf16, #tpu.memory_space<vmem>>, %arg2: memref<576x576xbf16, #tpu.memory_space<vmem>>, %arg3: memref<1x576x768xf32, #tpu.memory_space<vmem>>, %arg4: memref<1x576x768xf32, #tpu.memory_space<vmem>>, %arg5: memref<1x576x768xf32, #tpu.memory_space<vmem>>, %arg6: memref<1x576x768xf32, #tpu.memory_space<vmem>>, %arg7: memref<1x576x768xf32, #tpu.memory_space<vmem>>, %arg8: memref<32x576x768xf32, #tpu.memory_space<hbm>>, %arg9: memref<1x576x768xf32, #tpu.memory_space<vmem>>) attributes {dimension_semantics = [#tpu.dimension_semantics<arbitrary>], iteration_bounds = array<i64: 16>, scalar_prefetch = 0 : i64, scratch_operands = 0 : i64, tpu.core_type = #tpu.core_type<tc>, window_params = [{pipeline_mode = #tpu.pipeline_mode<synchronous>, transform_indices = @transform_0, window_bounds = array<i64: 768, 768>}, {pipeline_mode = #tpu.pipeline_mode<synchronous>, transform_indices = @transform_1, window_bounds = array<i64: 576, 576>}, {transform_indices = @transform_2, window_bounds = array<i64: 1, 576, 768>}, {transform_indices = @transform_3, window_bounds = array<i64: 1, 576, 768>}, {transform_indices = @transform_4, window_bounds = array<i64: 1, 576, 768>}, {transform_indices = @transform_5, window_bounds = array<i64: 1, 576, 768>}, {transform_indices = @transform_6, window_bounds = array<i64: 1, 576, 768>}, {}, {transform_indices = @transform_8, window_bounds = array<i64: 1, 576, 768>}]} {
    %get3A = arith.constant 0 : index
    %get3A_0 = arith.constant 0 : index
    %get3A_1 = arith.constant 0 : index
    %get3A_2 = vector.load %arg6[%get3A, %get3A_0, %get3A_1] : memref<1x576x768xf32, #tpu.memory_space<vmem>>, vector<1x576x768xf32>
    %get3A_3 = vector.shape_cast %get3A_2 : vector<1x576x768xf32> to vector<576x768xf32>
    %convert_element_type3A = arith.truncf %get3A_3 : vector<576x768xf32> to vector<576x768xbf16>
    %get3A_4 = arith.constant 0 : index
    %get3A_5 = arith.constant 0 : index
    %get3A_6 = arith.constant 0 : index
    %get3A_7 = vector.load %arg7[%get3A_4, %get3A_5, %get3A_6] : memref<1x576x768xf32, #tpu.memory_space<vmem>>, vector<1x576x768xf32>
    %get3A_8 = vector.shape_cast %get3A_7 : vector<1x576x768xf32> to vector<576x768xf32>
    %convert_element_type3A_9 = arith.truncf %get3A_8 : vector<576x768xf32> to vector<576x768xbf16>
    %get3A_10 = arith.constant 0 : index
    %get3A_11 = arith.constant 0 : index
    %get3A_12 = vector.load %arg2[%get3A_10, %get3A_11] : memref<576x576xbf16, #tpu.memory_space<vmem>>, vector<576x576xbf16>
    %dot_general3A = arith.constant dense<0.000000e+00> : vector<576x768xf32>
    %dot_general3A_13 = tpu.matmul %get3A_12, %convert_element_type3A_9, %dot_general3A {dimension_numbers = #tpu.dot_dimension_numbers<[1], [0], [0], [1], [0, 0, 1, 1], [], []>, transpose_lhs_hint = false} : vector<576x576xbf16>, vector<576x768xbf16>, vector<576x768xf32> -> vector<576x768xf32>
    %convert_element_type3A_14 = arith.truncf %dot_general3A_13 : vector<576x768xf32> to vector<576x768xbf16>
    %get3A_15 = arith.constant 0 : index
    %get3A_16 = arith.constant 0 : index
    %get3A_17 = vector.load %arg2[%get3A_15, %get3A_16] : memref<576x576xbf16, #tpu.memory_space<vmem>>, vector<576x576xbf16>
    %get3A_18 = arith.constant 0 : index
    %get3A_19 = arith.constant 0 : index
    %get3A_20 = arith.constant 0 : index
    %get3A_21 = vector.load %arg5[%get3A_18, %get3A_19, %get3A_20] : memref<1x576x768xf32, #tpu.memory_space<vmem>>, vector<1x576x768xf32>
    %get3A_22 = vector.shape_cast %get3A_21 : vector<1x576x768xf32> to vector<576x768xf32>
    %convert_element_type3A_23 = arith.truncf %get3A_22 : vector<576x768xf32> to vector<576x768xbf16>
    %dot_general3A_24 = arith.constant dense<0.000000e+00> : vector<576x768xf32>
    %dot_general3A_25 = tpu.matmul %get3A_17, %convert_element_type3A_23, %dot_general3A_24 {dimension_numbers = #tpu.dot_dimension_numbers<[1], [0], [0], [1], [0, 0, 1, 1], [], []>, transpose_lhs_hint = false} : vector<576x576xbf16>, vector<576x768xbf16>, vector<576x768xf32> -> vector<576x768xf32>
    %reshape3A = vector.shape_cast %convert_element_type3A : vector<576x768xbf16> to vector<24x24x768xbf16>
    %transpose3A = tpu.transpose %reshape3A, [0, 2, 1] : vector<24x24x768xbf16> -> vector<24x768x24xbf16>
    %reshape3A_26 = vector.shape_cast %transpose3A : vector<24x768x24xbf16> to vector<24x32x24x24xbf16>
    %transpose3A_27 = tpu.transpose %reshape3A_26, [0, 1, 3, 2] : vector<24x32x24x24xbf16> -> vector<24x32x24x24xbf16>
    %reshape3A_28 = vector.shape_cast %transpose3A_27 : vector<24x32x24x24xbf16> to vector<24x768x24xbf16>
    %transpose3A_29 = tpu.transpose %reshape3A_28, [0, 2, 1] : vector<24x768x24xbf16> -> vector<24x24x768xbf16>
    %transpose3A_30 = tpu.transpose %transpose3A_29, [1, 0, 2] : vector<24x24x768xbf16> -> vector<24x24x768xbf16>
    %reshape3A_31 = vector.shape_cast %transpose3A_30 : vector<24x24x768xbf16> to vector<576x768xbf16>
    %reshape3A_32 = vector.shape_cast %convert_element_type3A_14 : vector<576x768xbf16> to vector<24x24x768xbf16>
    %transpose3A_33 = tpu.transpose %reshape3A_32, [0, 2, 1] : vector<24x24x768xbf16> -> vector<24x768x24xbf16>
    %reshape3A_34 = vector.shape_cast %transpose3A_33 : vector<24x768x24xbf16> to vector<24x32x24x24xbf16>
    %transpose3A_35 = tpu.transpose %reshape3A_34, [0, 1, 3, 2] : vector<24x32x24x24xbf16> -> vector<24x32x24x24xbf16>
    %reshape3A_36 = vector.shape_cast %transpose3A_35 : vector<24x32x24x24xbf16> to vector<24x768x24xbf16>
    %transpose3A_37 = tpu.transpose %reshape3A_36, [0, 2, 1] : vector<24x768x24xbf16> -> vector<24x24x768xbf16>
    %transpose3A_38 = tpu.transpose %transpose3A_37, [1, 0, 2] : vector<24x24x768xbf16> -> vector<24x24x768xbf16>
    %reshape3A_39 = vector.shape_cast %transpose3A_38 : vector<24x24x768xbf16> to vector<576x768xbf16>
    %concatenate3A = tpu.concatenate %reshape3A_31, %reshape3A_39 in 1 : vector<576x768xbf16>, vector<576x768xbf16> -> vector<576x1536xbf16>
    %get3A_40 = arith.constant 0 : index
    %get3A_41 = arith.constant 0 : index
    %get3A_42 = vector.load %arg1[%get3A_40, %get3A_41] : memref<768x768xbf16, #tpu.memory_space<vmem>>, vector<768x768xbf16>
    %get3A_43 = arith.constant 0 : index
    %get3A_44 = arith.constant 0 : index
    %get3A_45 = vector.load %arg1[%get3A_43, %get3A_44] : memref<768x768xbf16, #tpu.memory_space<vmem>>, vector<768x768xbf16>
    %concatenate3A_46 = tpu.concatenate %get3A_42, %get3A_45 in 0 : vector<768x768xbf16>, vector<768x768xbf16> -> vector<1536x768xbf16>
    %dot_general3A_47 = arith.constant dense<0.000000e+00> : vector<576x768xf32>
    %dot_general3A_48 = tpu.matmul %concatenate3A, %concatenate3A_46, %dot_general3A_47 {dimension_numbers = #tpu.dot_dimension_numbers<[1], [0], [0], [1], [0, 0, 1, 1], [], []>, transpose_lhs_hint = false} : vector<576x1536xbf16>, vector<1536x768xbf16>, vector<576x768xf32> -> vector<576x768xf32>
    %get3A_49 = arith.constant 0 : index
    %get3A_50 = arith.constant 0 : index
    %get3A_51 = arith.constant 0 : index
    %get3A_52 = vector.load %arg3[%get3A_49, %get3A_50, %get3A_51] : memref<1x576x768xf32, #tpu.memory_space<vmem>>, vector<1x576x768xf32>
    %get3A_53 = vector.shape_cast %get3A_52 : vector<1x576x768xf32> to vector<576x768xf32>
    %get3A_54 = arith.constant 0 : index
    %get3A_55 = arith.constant 0 : index
    %get3A_56 = arith.constant 0 : index
    %get3A_57 = vector.load %arg4[%get3A_54, %get3A_55, %get3A_56] : memref<1x576x768xf32, #tpu.memory_space<vmem>>, vector<1x576x768xf32>
    %get3A_58 = vector.shape_cast %get3A_57 : vector<1x576x768xf32> to vector<576x768xf32>
    %add3A = arith.addf %get3A_53, %get3A_58 : vector<576x768xf32>
    %add3A_59 = arith.addf %add3A, %dot_general3A_25 : vector<576x768xf32>
    %add3A_60 = arith.addf %add3A_59, %dot_general3A_48 : vector<576x768xf32>
    %swap3A = arith.constant 0 : index
    %swap3A_61 = arith.constant 0 : index
    %swap3A_62 = arith.constant 0 : index
    %swap3A_63 = vector.load %arg9[%swap3A, %swap3A_61, %swap3A_62] : memref<1x576x768xf32, #tpu.memory_space<vmem>>, vector<1x576x768xf32>
    %swap3A_64 = vector.shape_cast %swap3A_63 : vector<1x576x768xf32> to vector<576x768xf32>
    %swap3A_65 = vector.shape_cast %add3A_60 : vector<576x768xf32> to vector<1x576x768xf32>
    tpu.vector_store %arg9[%swap3A, %swap3A_61, %swap3A_62], %swap3A_65 {strides = array<i32>} : memref<1x576x768xf32, #tpu.memory_space<vmem>>, vector<1x576x768xf32>,
    return
  }
  func.func @transform_0(%arg0: i32) -> (i32, i32) {
    %c0_i32 = arith.constant 0 : i32
    %c0_i32_0 = arith.constant 0 : i32
    %c0_i32_1 = arith.constant 0 : i32
    return %c0_i32, %c0_i32_0 : i32, i32
  }
  func.func @transform_1(%arg0: i32) -> (i32, i32) {
    %c0_i32 = arith.constant 0 : i32
    %c0_i32_0 = arith.constant 0 : i32
    %c0_i32_1 = arith.constant 0 : i32
    return %c0_i32, %c0_i32_0 : i32, i32
  }
  func.func @transform_2(%arg0: i32) -> (i32, i32, i32) {
    %c0_i32 = arith.constant 0 : i32
    %c0_i32_0 = arith.constant 0 : i32
    %c0_i32_1 = arith.constant 0 : i32
    return %arg0, %c0_i32, %c0_i32_0 : i32, i32, i32
  }
  func.func @transform_3(%arg0: i32) -> (i32, i32, i32) {
    %add3A = arith.constant 16 : i32
    %add3A_0 = arith.addi %arg0, %add3A : i32
    %c0_i32 = arith.constant 0 : i32
    %c0_i32_1 = arith.constant 0 : i32
    %c0_i32_2 = arith.constant 0 : i32
    return %add3A_0, %c0_i32, %c0_i32_1 : i32, i32, i32
  }
  func.func @transform_4(%arg0: i32) -> (i32, i32, i32) {
    %add3A = arith.constant 16 : i32
    %add3A_0 = arith.addi %arg0, %add3A : i32
    %c0_i32 = arith.constant 0 : i32
    %c0_i32_1 = arith.constant 0 : i32
    %c0_i32_2 = arith.constant 0 : i32
    return %add3A_0, %c0_i32, %c0_i32_1 : i32, i32, i32
  }
  func.func @transform_5(%arg0: i32) -> (i32, i32, i32) {
    %add3A = arith.constant 16 : i32
    %add3A_0 = arith.addi %arg0, %add3A : i32
    %c0_i32 = arith.constant 0 : i32
    %c0_i32_1 = arith.constant 0 : i32
    %c0_i32_2 = arith.constant 0 : i32
    return %add3A_0, %c0_i32, %c0_i32_1 : i32, i32, i32
  }
  func.func @transform_6(%arg0: i32) -> (i32, i32, i32) {
    %add3A = arith.constant 16 : i32
    %add3A_0 = arith.addi %arg0, %add3A : i32
    %c0_i32 = arith.constant 0 : i32
    %c0_i32_1 = arith.constant 0 : i32
    %c0_i32_2 = arith.constant 0 : i32
    return %add3A_0, %c0_i32, %c0_i32_1 : i32, i32, i32
  }
  func.func @transform_8(%arg0: i32) -> (i32, i32, i32) {
    %add3A = arith.constant 16 : i32
    %add3A_0 = arith.addi %arg0, %add3A : i32
    %c0_i32 = arith.constant 0 : i32
    %c0_i32_1 = arith.constant 0 : i32
    %c0_i32_2 = arith.constant 0 : i32
    return %add3A_0, %c0_i32, %c0_i32_1 : i32, i32, i32
  }
}

</mosaic_0001>

<sc_bundles>
// kernel: kernel.6.cloned.1.call-start
scs
__scs_entry_jumppad:
0x0: {  	(pc) =	sbr.rel $0x88, $3  }
0x1: {  	(tag) =	ssettag $0x0;
	lr =	simm.s32 $0x1  }
0x2: {  	[smem:$0x3F99] =	sst lr;
	_ =	strace $0xD0000000  }
0x3: {  	_ = 	snop  }
0x4: {  	_ = 	snop  }
0x5: {  	_ = 	snop  }
0x6: {  	_ = 	snop  }
0x7: {  	_ = 	snop  }
__scs_overlays_trampoline_lowered:
0x8: {  	[smem:$0x3FA8] =	sst s0  }
0x9: {  	[smem:$0x3FA9] =	sst s1  }
0xa: {  	[smem:$0x3FAA] =	sst s2  }
0xb: {  	[smem:$0x3FAB] =	sst s3  }
0xc: {  	[smem:$0x3FAC] =	sst s4  }
0xd: {  	[smem:$0x3FAD] =	sst s5  }
0xe: {  	[smem:$0x3FAE] =	sst s6  }
0xf: {  	[smem:$0x3FAF] =	sst s7  }
0x10: {  	[smem:$0x3FB0] =	sst s8  }
0x11: {  	[smem:$0x3FB1] =	sst s9;
	s0 =	simm.s32 @!p0 $0x0  }
0x12: {  	s1 =	sld [smem:$0x3F97];
	s0 =	simm.s32 @p0 $0x1  }
0x13: {  	[smem:$0x3FB2] =	sst s0;
	s0 =	simm.s32 @!p1 $0x0  }
0x14: {  	s2 =	sld [smem:$0x3F96];
	s0 =	simm.s32 @p1 $0x1  }
0x15: {  	[smem:$0x3FB3] =	sst s0;
	s0 =	simm.s32 @!p2 $0x0  }
0x16: {  	s3 =	sld [smem:$0x3FDB];
	s0 =	simm.s32 @p2 $0x1  }
0x17: {  	s4 =	simm.s32 $0x1BF5;
	[smem:$0x3FB5] =	sst s0  }
0x18: {  	s0 =	sld [smem:$0x3F98];
	_ =	swait.ge [sflag:s4], $0x0  }
0x19: {  	s7 =	sld [smem:$0x3F99]  }
0x1a: {  	s8 =	sadd.s32 $0xFFFFE003, lr  }
0x1b: {  	s9 =	sadd.s32 $0xFFFFFEF7, lr;
	s5 =	simm.s32 $0xFFFFFFFF;
	p2 =	slt.u32 s8, $0xFFFFF086  }
0x1c: {  	p1 =	slt.u32 s9, $0xF7A;
	s5 =	simm.s32 @!p2 $0x0  }
0x1d: {  	s5 =	simm.s32 @p1 $0x1;
	p0 =	seq.s32 s7, s2  }
0x1e: {  	s7 =	smul.u32 @!p0 $0xF7A, s2;
	p2 =	seq.s32 @!p0 s5, $0x0  }
0x1f: {  	s9 =	smul.u32 $0xF7A, s1;
	s8 =	simm.s32 @!p0 $0x1BF5;
	p2 =	por !p2, p0  }
0x20: {  	[sflag:s8] =	ssyncset.s32 @!p0 $0xFFFFF086;
	s6 =	sadd.s32 @!p0 s3, s7;
	s7 =	simm.s32 @!p0 $0x108  }
0x21: {  	s3 =	sadd.s32 s3, s9;
	s6 =	sadd.s32 @!p0 $0x88, s6;
	s7 =	simm.s32 @p2 $0x1082  }
0x22: {  	[simem:s7], [sflag:s8] =	dma.local @!p0 [hbm:s6], $0xF7A  }
0x23: {  	s9 =	sor.u32 $0xD0000000, s2;
	s6 =	simm.s32 $0x108;
	_ =	swait.ge @!p0 [sflag:s8], $0x0  }
0x24: {  	s3 =	sadd.s32 $0x88, s3;
	s6 =	simm.s32 @!p1 $0x1082;
	[sflag:s4] =	ssyncset.s32 $0xFFFFF086  }
0x25: {  	[simem:s6], [sflag:s4] =	dma.local [hbm:s3], $0xF7A  }
0x26: {  	[smem:$0x3F99] =	sst s1;
	(tag) =	ssettag s2;
	_ =	strace s9  }
0x27: {  	s1 =	sld [smem:$0x3FA9]  }
0x28: {  	s2 =	sld [smem:$0x3FAA]  }
0x29: {  	s4 =	sld [smem:$0x3FAC]  }
0x2a: {  	p0 =	seq.s32 s5, $0x0;
	s5 =	sld [smem:$0x3FAD]  }
0x2b: {  	s6 =	sld [smem:$0x3FAE]  }
0x2c: {  	s7 =	sld [smem:$0x3FAF]  }
0x2d: {  	s3 =	simm.s32 $0x108;
	s8 =	sld [smem:$0x3FB0]  }
0x2e: {  	s3 =	simm.s32 @!p0 $0x1082;
	s9 =	sld [smem:$0x3FB1]  }
0x2f: {  	lr =	sadd.s32 s0, s3;
	s0 =	sld [smem:$0x3FA8]  }
0x30: {  	s3 =	sld [smem:$0x3FAB]  }
0x31: {  	[smem:$0x3FB4] =	sst s10  }
0x32: {  	s10 =	sld [smem:$0x3FB2];
	_ =	sdelay $0x3  }
0x33: {  	p0 =	seq.s32 s10, $0x1;
	s10 =	sld [smem:$0x3FB4];
	_ =	sdelay $0x3  }
0x34: {  	[smem:$0x3FB4] =	sst s10  }
0x35: {  	s10 =	sld [smem:$0x3FB3];
	_ =	sdelay $0x3  }
0x36: {  	p1 =	seq.s32 s10, $0x1;
	s10 =	sld [smem:$0x3FB4];
	_ =	sdelay $0x3  }
0x37: {  	[smem:$0x3FB4] =	sst s10  }
0x38: {  	s10 =	sld [smem:$0x3FB5]  }
0x39: {  	_ = 	snop;
	(pc) =	sbr.ind lr, $3  }
0x3a: {  	_ = 	snop  }
0x3b: {  	_ = 	snop  }
0x3c: {  	p2 =	seq.s32 s10, $0x1;
	s10 =	sld [smem:$0x3FB4]  }
0x3d: {  	_ =	shalt  }
0x3e: {  	_ =	shalt  }
0x3f: {  	_ =	shalt  }
0x40: {  	_ =	shalt  }
0x41: {  	_ =	shalt  }
0x42: {  	_ =	shalt  }
0x43: {  	_ =	shalt  }
0x44: {  	_ =	shalt  }
0x45: {  	_ =	shalt  }
0x46: {  	_ =	shalt  }
0x47: {  	_ =	shalt  }
0x48: {  	_ =	shalt  }
0x49: {  	_ =	shalt  }
0x4a: {  	_ =	shalt  }
0x4b: {  	_ =	shalt  }
0x4c: {  	_ =	shalt  }
0x4d: {  	_ =	shalt  }
0x4e: {  	_ =	shalt  }
0x4f: {  	_ =	shalt  }
0x50: {  	_ =	shalt  }
0x51: {  	_ =	shalt  }
0x52: {  	_ =	shalt  }
0x53: {  	_ =	shalt  }
0x54: {  	_ =	shalt  }
0x55: {  	_ =	shalt  }
0x56: {  	_ =	shalt  }
0x57: {  	_ =	shalt  }
0x58: {  	_ =	shalt  }
0x59: {  	_ =	shalt  }
0x5a: {  	_ =	shalt  }
0x5b: {  	_ =	shalt  }
0x5c: {  	_ =	shalt  }
0x5d: {  	_ =	shalt  }
0x5e: {  	_ =	shalt  }
0x5f: {  	_ =	shalt  }
0x60: {  	_ =	shalt  }
0x61: {  	_ =	shalt  }
0x62: {  	_ =	shalt  }
0x63: {  	_ =	shalt  }
0x64: {  	_ =	shalt  }
0x65: {  	_ =	shalt  }
0x66: {  	_ =	shalt  }
0x67: {  	_ =	shalt  }
0x68: {  	_ =	shalt  }
0x69: {  	_ =	shalt  }
0x6a: {  	_ =	shalt  }
0x6b: {  	_ =	shalt  }
0x6c: {  	_ =	shalt  }
0x6d: {  	_ =	shalt  }
0x6e: {  	_ =	shalt  }
0x6f: {  	_ =	shalt  }
0x70: {  	_ =	shalt  }
0x71: {  	_ =	shalt  }
0x72: {  	_ =	shalt  }
0x73: {  	_ =	shalt  }
0x74: {  	_ =	shalt  }
0x75: {  	_ =	shalt  }
0x76: {  	_ =	shalt  }
0x77: {  	_ =	shalt  }
0x78: {  	_ =	shalt  }
0x79: {  	_ =	shalt  }
0x7a: {  	_ =	shalt  }
0x7b: {  	_ =	shalt  }
0x7c: {  	_ =	shalt  }
0x7d: {  	_ =	shalt  }
0x7e: {  	_ =	shalt  }
0x7f: {  	_ =	shalt  }
0x80: {  	_ =	shalt  }
0x81: {  	_ =	shalt  }
0x82: {  	_ =	shalt  }
0x83: {  	_ =	shalt  }
0x84: {  	_ =	shalt  }
0x85: {  	_ =	shalt  }
0x86: {  	_ =	shalt  }
0x87: {  	_ =	shalt  }
.Lfunc_end0:
.L_simem_size_0:
called_computation_lowered:
.L_overlay_start_0:
0x88: {  	s2 =	sld [smem:$0x3FD9]  }
0x89: {  	s3 =	sld [smem:$0x3FFE];
	_ =	sdelay $0x1  }
0x8a: {  	s1 =	srdreg.scid  }
0x8b: {  	s0 =	sand.u32 $0x1, s1  }
0x8c: {  	s17 =	sshll.u32 s0, $0xA;
	s2 =	sadd.s32 s3, s2  }
0x8d: {  	s2 =	sadd.s32 s2, s17  }
0x8e: {  	[smem:$0x3FC0] =	sst s2  }
0x8f: {  	_ = 	snop  }
0x90: {  	s2 =	sld [smem:$0x3FC5]  }
0x91: {  	s18 =	sld [smem:$0x3FC4]  }
0x92: {  	s4 =	sld [smem:$0x3FC3]  }
0x93: {  	s5 =	sld [smem:$0x3FC2]  }
0x94: {  	s6 =	sld [smem:$0x3FD0];
	(tm) =	ssettm $0x1  }
0x95: {  	s7 =	sld [smem:$0x3FFB];
	_ =	sdelay $0x3  }
0x96: {  	_ =	strace s7  }
0x97: {  	s7 =	sld [smem:$0x3FFC];
	_ =	sdelay $0x3  }
0x98: {  	_ =	strace s7  }
0x99: {  	s7 =	sld [smem:$0x3FFD];
	_ =	sdelay $0x3  }
0x9a: {  	_ =	strace s7  }
0x9b: {  	_ =	strace $0x8FFFFFFF  }
0x9c: {  	s19 =	sld [smem:$0x3FDB];
	_ =	sdelay $0x1  }
0x9d: {  	s8 =	simm.s32 $_scs_section_size  }
0x9e: {  	s9 =	simm.s32 $_size__tile_overlayer_lowered;
	s10 =	simm.s32 $_tile_overlayer_lowered  }
0x9f: {  	s22 =	simm.s32 $0x1BFF;
	s21 =	sshll.u32 s10, $0x1;
	s7 =	sadd.s32 s8, s19  }
0xa0: {  	s11 =	simm.s32 $0x0;
	s20 =	sshll.u32 s9, $0x1;
	s9 =	sadd.s32 s21, s7  }
0xa1: {  	[timem:s11], [sflag:s22] =	dma.local [hbm:s9], s20  }
0xa2: {  	_ =	swait.ge [sflag:s22], s20  }
0xa3: {  	s8 =	ssub.s32 $0x0, s20;
	[sflag:s22] =	ssyncset.done $0x0  }
0xa4: {  	[sflag:s22] =	ssyncadd.s32 s8;
	_ =	sdelay $0x1  }
0xa5: {  	s23 =	simm.s32 $0x1B8B  }
0xa6: {  	_ =	swait.ge [sflag:s23], $0x1  }
0xa7: {  	[sflag:s23] =	ssyncset.done $0x0  }
0xa8: {  	s25 =	simm.s32 $0x1B8E;
	s24 =	sld [smem:$0x3FFE];
	[sflag:s23] =	ssyncadd.s32 $0xFFFFFFFF  }
0xa9: {  	s26 =	simm.s32 $execute0_lowered;
	[smem:$0x3FD2] =	sst s25  }
0xaa: {  	s9 =	sshll.u32 s26, $0x1;
	_ =	strace $0x80000046;
	[dreg:$0x1] =	wrdreg $0xFFFFFFFF  }
0xab: {  	s28 =	simm.s32 $_size_execute0_lowered;
	s7 =	sadd.s32 s7, s9;
	[dreg:$0x0] =	wrdreg $0x0  }
0xac: {  	s9 =	sshll.u32 s28, $0x1;
	[dreg:$0x2] =	wrdreg s7  }
0xad: {  	[dreg:$0x3] =	wrdreg s9  }
0xae: {  	[dreg:$0x4] =	wrdreg $0xC0  }
0xaf: {  	_ =	task [dreg:s11], $0x5FFFF  }
0xb0: {  	[dreg:$0x1] =	wrdreg $0xFFFFFFFF  }
0xb1: {  	[dreg:$0x0] =	wrdreg $0x60  }
0xb2: {  	[dreg:$0x2] =	wrdreg s2  }
0xb3: {  	[dreg:$0x3] =	wrdreg s18  }
0xb4: {  	[dreg:$0x4] =	wrdreg s4  }
0xb5: {  	[dreg:$0x5] =	wrdreg s5  }
0xb6: {  	[dreg:$0x6] =	wrdreg s6  }
0xb7: {  	[dreg:$0x7] =	wrdreg s24  }
0xb8: {  	[dreg:$0x8] =	wrdreg $0x9  }
0xb9: {  	_ =	task.clear_ibuf [dreg:s11], $0x9FFFF;
	_ =	strace $0x90000046  }
0xba: {  	s29 =	simm.s32 $0x9;
	_ =	strace $0x80000048  }
0xbb: {  	_ =	swait.ge [sflag:s29], $0x1  }
0xbc: {  	[sflag:s29] =	ssyncadd.s32 $0xFFFFFFFF  }
0xbd: {  	_ =	strace $0x90000048  }
0xbe: {  	_ =	sfence  }
0xbf: {  	s30 =	sld [smem:$0x0];
	_ =	sdelay $0x2  }
0xc0: {  	s31 =	sshll.u32 s1, $0xD;
	s1 =	sshrl.u32 s1, $0x2  }
0xc1: {  	s3 =	sand.u32 $0x4000, s31;
	s1 =	sadd.s32 s1, s30  }
0xc2: {  	s0 =	sor.u32 s3, s0;
	s1 =	sshll.u32 s1, $0x11  }
0xc3: {  	s0 =	sor.u32 s1, s0  }
0xc4: {  	s0 =	sadd.s32 $0x8F2B, s0  }
0xc5: {  	[sflag:s0] =	ssyncadd.remote.s32 $0x1  }
0xc6: {  	_ =	sfence.sel $0xFFFF  }
0xc7: {  	[dreg:$0x0] =	wrdreg $0xFFFFFFFF;
	(pc) =	sbr.abs _section_cstart, $3  }
0xc8: {  	[dreg:$0x1] =	wrdreg $0xFFFFFFFF  }
0xc9: {  	_ =	task.clear_ibuf [dreg:s11], $0x2FFFF;
	_ =	strace $0x9FFFFFFF  }
0xca: {  	(tm) =	ssettm $0x7FFFFFFF  }
0xcb: {  	_ =	shalt  }
tec
execute0_lowered:
.L_overlay_start_1:
0x0: {  	(tag) =	ssettag $0x1  }
0x1: {  	s3 =	rddreg [dreg:$0x0]  }
0x2: {  	s4 =	rddreg [dreg:$0x1]  }
0x3: {  	s7 =	rddreg [dreg:$0x2]  }
0x4: {  	s10 =	rddreg [dreg:$0x3]  }
0x5: {  	s0 =	rddreg [dreg:$0x4]  }
0x6: {  	s1 =	rddreg [dreg:$0x5]  }
0x7: {  	s2 =	srdreg.scid;
	s11 =	stileid.u32  }
0x8: {  	s6 =	simm.s32 $0x0;
	s9 =	simm.s32 $0x1;
	s8 =	simm.s32 $0x1  }
0x9: {  	s21 =	simm.s32 $0x3;
	s24 =	simm.s32 $0x2;
	s2 =	sand.u32 $0x1, s2  }
0xa: {  	s5 =	sshll.u32 s11, $0x1;
	[smem:$0x7FF] =	sst s6;
	s1 =	sadd.s32 $0xE00, s1  }
0xb: {  	s12 =	sadd.s32 $0x200, s3;
	s13 =	sadd.s32 $0x100, s4;
	s14 =	sadd.s32 $0x200, s4  }
0xc: {  	s15 =	sadd.s32 $0x100, s7;
	s16 =	sadd.s32 $0x200, s7;
	s17 =	sadd.s32 $0x100, s10  }
0xd: {  	s18 =	sadd.s32 $0x200, s10;
	s5 =	sor.u32 s2, s5;
	_ =	strace $0x80000047  }
0xe: {  	p1 =	seq.s32 s2, $0x1;
	[dreg:$0x7] =	wrdreg s1;
	s28 =	ssub.s32 $0x2, s2  }
0xf: {  	p0 =	seq.s32 s5, $0x0;
	s2 =	sshrl.u32 s28, $0x1;
	s29 =	smul.u32 $0x480, s5  }
0x10: {  	p0 =	por !p0, !p1;
	s1 =	ssub.s32 s28, s2;
	s2 =	simm.s32 $0xE400  }
0x11: {  	p0 =	por !p0, !p0;
	s0 =	sadd.s32 s0, s29;
	s31 =	smax.u32 s1, $0x1  }
0x12: {  	v2 =	vlaneseq.u32;
	s1 =	simm.s32 $0x0;
	s9 =	simm.s32 @!p0 $0x0;
	[dreg:$0x8] =	wrdreg s0  }
0x13: {  	vm0 =	vmmov $0xffff;
	v1 =	vshrl.u32 v2, $0x3;
	[dreg:$0x9] =	wrdreg s31;
	s30 =	ssub.s32 s11, s9;
	s9 =	simm.s32 $0x120  }
0x14: {  	v0 =	vand.u32 $0x7, v2;
	v2 =	vor.u32 $0x8, v2;
	v1 =	vmul.u32 $0x8, v1;
	s11 =	sadd.s32 $0x100, s3;
	s9 =	simm.s32 @!p1 $0x0;
	s19 =	smul.u32 $0x6C000, s30  }
.LBB2_1:
0x15: {  	[dreg:$0xa] =	wrdreg s1  }
0x16: {  	s0 =	rddreg [dreg:$0x8]  }
0x17: {  	[tilespmem:s6], [sflag:$0x3] =	stream.linear.gather [hbm4b:s0+s6], $0x2400, $0x38;
	[tilespmem:$0x1A400] =	vst v63  }
0x18: {  	_ =	swait.ge [sflag:s21], $0x2400  }
0x19: {  	[sflag:s21] =	ssyncset.done $0x0  }
0x1a: {  	[sflag:s21] =	ssyncadd.s32 $0xFFFFDC00  }
0x1b: {  	v3 =	vld [tilespmem:$0x0];
	_ =	sdelay $0x4  }
0x1c: {  	v4 =	vshrl.u32 v3, $0x3  }
0x1d: {  	v4 =	vmul.u32 $0x30, v4  }
0x1e: {  	v3 =	vand.u32 $0x7, v3  }
0x1f: {  	v3 =	vor.u32 v3, v4  }
0x20: {  	v4 =	vperm.xlane v3, v0;
	_ =	sdelay $0x1  }
0x21: {  	v4 =	vadd.s32 v1, v4;
	_ =	sdelay $0x3  }
0x22: {  	s5 =	simm.s32 $0x2400;
	s4 =	rddreg [dreg:$0x0];
	v3 =	vperm.xlane v3, v2  }
0x23: {  	[tilespmem:s5], [sflag:$0x1] =	stream.indirect_vreg.gather [hbm4b:s4+s6], $0x80, v4, vm0, $0xb8;
	[tilespmem:$0x1A400] =	vst v63  }
0x24: {  	s7 =	simm.s32 $0x2C00;
	v3 =	vadd.s32 v1, v3  }
0x25: {  	[tilespmem:s7], [sflag:$0x1] =	stream.indirect_vreg.gather [hbm4b:s11+s6], $0x80, v4, vm0, $0xb8;
	[tilespmem:$0x1A400] =	vst v63  }
0x26: {  	s10 =	simm.s32 $0x3400  }
0x27: {  	[tilespmem:s10], [sflag:$0x1] =	stream.indirect_vreg.gather [hbm4b:s12+s6], $0x80, v4, vm0, $0xb8;
	[tilespmem:$0x1A400] =	vst v63  }
0x28: {  	s20 =	simm.s32 $0x3C00  }
0x29: {  	[tilespmem:s20], [sflag:$0x1] =	stream.indirect_vreg.gather [hbm4b:s4+s6], $0x80, v3, vm0, $0xb8;
	[tilespmem:$0x1A400] =	vst v63  }
0x2a: {  	s22 =	simm.s32 $0x4400  }
0x2b: {  	[tilespmem:s22], [sflag:$0x1] =	stream.indirect_vreg.gather [hbm4b:s11+s6], $0x80, v3, vm0, $0xb8;
	[tilespmem:$0x1A400] =	vst v63  }
0x2c: {  	s23 =	simm.s32 $0x4C00  }
0x2d: {  	[tilespmem:s23], [sflag:$0x1] =	stream.indirect_vreg.gather [hbm4b:s12+s6], $0x80, v3, vm0, $0xb8;
	[tilespmem:$0x1A400] =	vst v63  }
0x2e: {  	v3 =	vld [tilespmem:$0x80];
	_ =	sdelay $0x4  }
0x2f: {  	v61 =	vshrl.u32 v3, $0x3  }
0x30: {  	v4 =	vmul.u32 $0x30, v61  }
0x31: {  	v3 =	vand.u32 $0x7, v3  }
0x32: {  	v3 =	vor.u32 v3, v4  }
0x33: {  	v4 =	vperm.xlane v3, v0;
	_ =	sdelay $0x1  }
0x34: {  	v4 =	vadd.s32 v1, v4;
	_ =	sdelay $0x3  }
0x35: {  	s26 =	simm.s32 $0x5400;
	s25 =	rddreg [dreg:$0x1];
	v3 =	vperm.xlane v3, v2  }
0x36: {  	[tilespmem:s26], [sflag:$0x1] =	stream.indirect_vreg.gather [hbm4b:s25+s6], $0x80, v4, vm0, $0xb8;
	[tilespmem:$0x1A400] =	vst v63  }
0x37: {  	s28 =	simm.s32 $0x5C00;
	v3 =	vadd.s32 v1, v3  }
0x38: {  	[tilespmem:s28], [sflag:$0x1] =	stream.indirect_vreg.gather [hbm4b:s13+s6], $0x80, v4, vm0, $0xb8;
	[tilespmem:$0x1A400] =	vst v63  }
0x39: {  	s29 =	simm.s32 $0x6400  }
0x3a: {  	[tilespmem:s29], [sflag:$0x1] =	stream.indirect_vreg.gather [hbm4b:s14+s6], $0x80, v4, vm0, $0xb8;
	[tilespmem:$0x1A400] =	vst v63  }
0x3b: {  	s30 =	simm.s32 $0x6C00  }
0x3c: {  	[tilespmem:s30], [sflag:$0x1] =	stream.indirect_vreg.gather [hbm4b:s25+s6], $0x80, v3, vm0, $0xb8;
	[tilespmem:$0x1A400] =	vst v63  }
0x3d: {  	s31 =	simm.s32 $0x7400  }
0x3e: {  	[tilespmem:s31], [sflag:$0x1] =	stream.indirect_vreg.gather [hbm4b:s13+s6], $0x80, v3, vm0, $0xb8;
	[tilespmem:$0x1A400] =	vst v63  }
0x3f: {  	s1 =	simm.s32 $0x7C00  }
0x40: {  	[tilespmem:s1], [sflag:$0x1] =	stream.indirect_vreg.gather [hbm4b:s14+s6], $0x80, v3, vm0, $0xb8;
	[tilespmem:$0x1A400] =	vst v63  }
0x41: {  	v3 =	vld [tilespmem:$0x100];
	_ =	sdelay $0x4  }
0x42: {  	v62 =	vshrl.u32 v3, $0x3  }
0x43: {  	v4 =	vmul.u32 $0x30, v62  }
0x44: {  	v3 =	vand.u32 $0x7, v3  }
0x45: {  	v3 =	vor.u32 v3, v4  }
0x46: {  	v4 =	vperm.xlane v3, v0;
	_ =	sdelay $0x1  }
0x47: {  	v4 =	vadd.s32 v1, v4;
	_ =	sdelay $0x3  }
0x48: {  	s3 =	rddreg [dreg:$0x2];
	s4 =	simm.s32 $0x8400;
	v3 =	vperm.xlane v3, v2  }
0x49: {  	[tilespmem:s4], [sflag:$0x1] =	stream.indirect_vreg.gather [hbm4b:s3+s6], $0x80, v4, vm0, $0xb8;
	[tilespmem:$0x1A400] =	vst v63  }
0x4a: {  	s5 =	simm.s32 $0x8C00;
	v3 =	vadd.s32 v1, v3  }
0x4b: {  	[tilespmem:s5], [sflag:$0x1] =	stream.indirect_vreg.gather [hbm4b:s15+s6], $0x80, v4, vm0, $0xb8;
	[tilespmem:$0x1A400] =	vst v63  }
0x4c: {  	s7 =	simm.s32 $0x9400  }
0x4d: {  	[tilespmem:s7], [sflag:$0x1] =	stream.indirect_vreg.gather [hbm4b:s16+s6], $0x80, v4, vm0, $0xb8;
	[tilespmem:$0x1A400] =	vst v63  }
0x4e: {  	s10 =	simm.s32 $0x9C00  }
0x4f: {  	[tilespmem:s10], [sflag:$0x1] =	stream.indirect_vreg.gather [hbm4b:s3+s6], $0x80, v3, vm0, $0xb8;
	[tilespmem:$0x1A400] =	vst v63  }
0x50: {  	s20 =	simm.s32 $0xA400  }
0x51: {  	[tilespmem:s20], [sflag:$0x1] =	stream.indirect_vreg.gather [hbm4b:s15+s6], $0x80, v3, vm0, $0xb8;
	[tilespmem:$0x1A400] =	vst v63  }
0x52: {  	s22 =	simm.s32 $0xAC00  }
0x53: {  	[tilespmem:s22], [sflag:$0x1] =	stream.indirect_vreg.gather [hbm4b:s16+s6], $0x80, v3, vm0, $0xb8;
	[tilespmem:$0x1A400] =	vst v63  }
0x54: {  	v3 =	vld [tilespmem:$0x180];
	_ =	sdelay $0x4  }
0x55: {  	v63 =	vshrl.u32 v3, $0x3  }
0x56: {  	v4 =	vmul.u32 $0x30, v63  }
0x57: {  	v3 =	vand.u32 $0x7, v3  }
0x58: {  	v3 =	vor.u32 v3, v4  }
0x59: {  	v4 =	vperm.xlane v3, v0;
	_ =	sdelay $0x1  }
0x5a: {  	v4 =	vadd.s32 v1, v4;
	_ =	sdelay $0x3  }
0x5b: {  	s23 =	rddreg [dreg:$0x3];
	s25 =	simm.s32 $0xB400;
	v3 =	vperm.xlane v3, v2  }
0x5c: {  	[tilespmem:s25], [sflag:$0x1] =	stream.indirect_vreg.gather [hbm4b:s23+s6], $0x80, v4, vm0, $0xb8;
	[tilespmem:$0x1A400] =	vst v63  }
0x5d: {  	s26 =	simm.s32 $0xBC00;
	v3 =	vadd.s32 v1, v3  }
0x5e: {  	[tilespmem:s26], [sflag:$0x1] =	stream.indirect_vreg.gather [hbm4b:s17+s6], $0x80, v4, vm0, $0xb8;
	[tilespmem:$0x1A400] =	vst v63  }
0x5f: {  	s28 =	simm.s32 $0xC400  }
0x60: {  	[tilespmem:s28], [sflag:$0x1] =	stream.indirect_vreg.gather [hbm4b:s18+s6], $0x80, v4, vm0, $0xb8;
	[tilespmem:$0x1A400] =	vst v63  }
0x61: {  	s29 =	simm.s32 $0xCC00  }
0x62: {  	[tilespmem:s29], [sflag:$0x1] =	stream.indirect_vreg.gather [hbm4b:s23+s6], $0x80, v3, vm0, $0xb8;
	[tilespmem:$0x1A400] =	vst v63  }
0x63: {  	s30 =	simm.s32 $0xD400  }
0x64: {  	[tilespmem:s30], [sflag:$0x1] =	stream.indirect_vreg.gather [hbm4b:s17+s6], $0x80, v3, vm0, $0xb8;
	[tilespmem:$0x1A400] =	vst v63  }
0x65: {  	s31 =	simm.s32 $0xDC00;
	s25 =	simm.s32 $0x0  }
0x66: {  	[tilespmem:s31], [sflag:$0x1] =	stream.indirect_vreg.gather [hbm4b:s18+s6], $0x80, v3, vm0, $0xb8;
	[tilespmem:$0x1A400] =	vst v63  }
.LBB2_2:
0x67: {  	s26 =	sshllo.u32 s25, $0x1  }
0x68: {  	s0 =	sshll.u32 s26, $0x9  }
0x69: {  	s0 =	sand.u32 $0x3FFFFE00, s0  }
0x6a: {  	v3 =	vld [tilespmem:s0+$0x0];
	_ =	sdelay $0x4  }
0x6b: {  	v4 =	vshrl.u32 v3, $0x3  }
0x6c: {  	v4 =	vmul.u32 $0x30, v4  }
0x6d: {  	v3 =	vand.u32 $0x7, v3  }
0x6e: {  	v3 =	vor.u32 v3, v4  }
0x6f: {  	v4 =	vperm.xlane v3, v0;
	_ =	sdelay $0x1  }
0x70: {  	v4 =	vadd.s32 v1, v4;
	_ =	sdelay $0x3  }
0x71: {  	s28 =	simm.s32 $0x0;
	s1 =	rddreg [dreg:$0x0];
	v3 =	vperm.xlane v3, v2  }
0x72: {  	[tilespmem:s2], [sflag:$0x2] =	stream.indirect_vreg.gather [hbm4b:s1+s28], $0x80, v4, vm0, $0xb8;
	[tilespmem:$0x1A400] =	vst v63  }
0x73: {  	s10 =	simm.s32 $0xEC00;
	v3 =	vadd.s32 v1, v3  }
0x74: {  	[tilespmem:s10], [sflag:$0x2] =	stream.indirect_vreg.gather [hbm4b:s11+s28], $0x80, v4, vm0, $0xb8;
	[tilespmem:$0x1A400] =	vst v63  }
0x75: {  	s20 =	simm.s32 $0xF400  }
0x76: {  	[tilespmem:s20], [sflag:$0x2] =	stream.indirect_vreg.gather [hbm4b:s12+s28], $0x80, v4, vm0, $0xb8;
	[tilespmem:$0x1A400] =	vst v63  }
0x77: {  	s22 =	simm.s32 $0xFC00  }
0x78: {  	[tilespmem:s22], [sflag:$0x2] =	stream.indirect_vreg.gather [hbm4b:s1+s28], $0x80, v3, vm0, $0xb8;
	[tilespmem:$0x1A400] =	vst v63  }
0x79: {  	s23 =	simm.s32 $0x10400  }
0x7a: {  	[tilespmem:s23], [sflag:$0x2] =	stream.indirect_vreg.gather [hbm4b:s11+s28], $0x80, v3, vm0, $0xb8;
	[tilespmem:$0x1A400] =	vst v63  }
0x7b: {  	s30 =	simm.s32 $0x10C00  }
0x7c: {  	[tilespmem:s30], [sflag:$0x2] =	stream.indirect_vreg.gather [hbm4b:s12+s28], $0x80, v3, vm0, $0xb8;
	[tilespmem:$0x1A400] =	vst v63  }
0x7d: {  	v3 =	vld [tilespmem:s0+$0x80];
	_ =	sdelay $0x4  }
0x7e: {  	v61 =	vshrl.u32 v3, $0x3  }
0x7f: {  	v4 =	vmul.u32 $0x30, v61  }
0x80: {  	v3 =	vand.u32 $0x7, v3  }
0x81: {  	v3 =	vor.u32 v3, v4  }
0x82: {  	v4 =	vperm.xlane v3, v0;
	_ =	sdelay $0x1  }
0x83: {  	v4 =	vadd.s32 v1, v4;
	_ =	sdelay $0x3  }
0x84: {  	s31 =	rddreg [dreg:$0x1];
	s3 =	simm.s32 $0x11400;
	v3 =	vperm.xlane v3, v2  }
0x85: {  	[tilespmem:s3], [sflag:$0x2] =	stream.indirect_vreg.gather [hbm4b:s31+s28], $0x80, v4, vm0, $0xb8;
	[tilespmem:$0x1A400] =	vst v63  }
0x86: {  	s4 =	simm.s32 $0x11C00;
	v3 =	vadd.s32 v1, v3  }
0x87: {  	[tilespmem:s4], [sflag:$0x2] =	stream.indirect_vreg.gather [hbm4b:s13+s28], $0x80, v4, vm0, $0xb8;
	[tilespmem:$0x1A400] =	vst v63  }
0x88: {  	s5 =	simm.s32 $0x12400  }
0x89: {  	[tilespmem:s5], [sflag:$0x2] =	stream.indirect_vreg.gather [hbm4b:s14+s28], $0x80, v4, vm0, $0xb8;
	[tilespmem:$0x1A400] =	vst v63  }
0x8a: {  	s7 =	simm.s32 $0x12C00  }
0x8b: {  	[tilespmem:s7], [sflag:$0x2] =	stream.indirect_vreg.gather [hbm4b:s31+s28], $0x80, v3, vm0, $0xb8;
	[tilespmem:$0x1A400] =	vst v63  }
0x8c: {  	s10 =	simm.s32 $0x13400  }
0x8d: {  	[tilespmem:s10], [sflag:$0x2] =	stream.indirect_vreg.gather [hbm4b:s13+s28], $0x80, v3, vm0, $0xb8;
	[tilespmem:$0x1A400] =	vst v63  }
0x8e: {  	s20 =	simm.s32 $0x13C00  }
0x8f: {  	[tilespmem:s20], [sflag:$0x2] =	stream.indirect_vreg.gather [hbm4b:s14+s28], $0x80, v3, vm0, $0xb8;
	[tilespmem:$0x1A400] =	vst v63  }
0x90: {  	v3 =	vld [tilespmem:s0+$0x100];
	_ =	sdelay $0x4  }
0x91: {  	v62 =	vshrl.u32 v3, $0x3  }
0x92: {  	v4 =	vmul.u32 $0x30, v62  }
0x93: {  	v3 =	vand.u32 $0x7, v3  }
0x94: {  	v3 =	vor.u32 v3, v4  }
0x95: {  	v4 =	vperm.xlane v3, v0;
	_ =	sdelay $0x1  }
0x96: {  	v4 =	vadd.s32 v1, v4;
	_ =	sdelay $0x3  }
0x97: {  	s22 =	rddreg [dreg:$0x2];
	s23 =	simm.s32 $0x14400;
	v3 =	vperm.xlane v3, v2  }
0x98: {  	[tilespmem:s23], [sflag:$0x2] =	stream.indirect_vreg.gather [hbm4b:s22+s28], $0x80, v4, vm0, $0xb8;
	[tilespmem:$0x1A400] =	vst v63  }
0x99: {  	s30 =	simm.s32 $0x14C00;
	v3 =	vadd.s32 v1, v3  }
0x9a: {  	[tilespmem:s30], [sflag:$0x2] =	stream.indirect_vreg.gather [hbm4b:s15+s28], $0x80, v4, vm0, $0xb8;
	[tilespmem:$0x1A400] =	vst v63  }
0x9b: {  	s31 =	simm.s32 $0x15400  }
0x9c: {  	[tilespmem:s31], [sflag:$0x2] =	stream.indirect_vreg.gather [hbm4b:s16+s28], $0x80, v4, vm0, $0xb8;
	[tilespmem:$0x1A400] =	vst v63  }
0x9d: {  	s3 =	simm.s32 $0x15C00  }
0x9e: {  	[tilespmem:s3], [sflag:$0x2] =	stream.indirect_vreg.gather [hbm4b:s22+s28], $0x80, v3, vm0, $0xb8;
	[tilespmem:$0x1A400] =	vst v63  }
0x9f: {  	s4 =	simm.s32 $0x16400  }
0xa0: {  	[tilespmem:s4], [sflag:$0x2] =	stream.indirect_vreg.gather [hbm4b:s15+s28], $0x80, v3, vm0, $0xb8;
	[tilespmem:$0x1A400] =	vst v63  }
0xa1: {  	s5 =	simm.s32 $0x16C00  }
0xa2: {  	[tilespmem:s5], [sflag:$0x2] =	stream.indirect_vreg.gather [hbm4b:s16+s28], $0x80, v3, vm0, $0xb8;
	[tilespmem:$0x1A400] =	vst v63  }
0xa3: {  	v3 =	vld [tilespmem:s0+$0x180];
	_ =	sdelay $0x4  }
0xa4: {  	v63 =	vshrl.u32 v3, $0x3  }
0xa5: {  	v4 =	vmul.u32 $0x30, v63  }
0xa6: {  	v3 =	vand.u32 $0x7, v3  }
0xa7: {  	v3 =	vor.u32 v3, v4  }
0xa8: {  	v4 =	vperm.xlane v3, v0;
	_ =	sdelay $0x1  }
0xa9: {  	v4 =	vadd.s32 v1, v4;
	_ =	sdelay $0x3  }
0xaa: {  	s7 =	rddreg [dreg:$0x3];
	s10 =	simm.s32 $0x17400;
	v3 =	vperm.xlane v3, v2  }
0xab: {  	[tilespmem:s10], [sflag:$0x2] =	stream.indirect_vreg.gather [hbm4b:s7+s28], $0x80, v4, vm0, $0xb8;
	[tilespmem:$0x1A400] =	vst v63  }
0xac: {  	s20 =	simm.s32 $0x17C00;
	v3 =	vadd.s32 v1, v3  }
0xad: {  	[tilespmem:s20], [sflag:$0x2] =	stream.indirect_vreg.gather [hbm4b:s17+s28], $0x80, v4, vm0, $0xb8;
	[tilespmem:$0x1A400] =	vst v63  }
0xae: {  	s22 =	simm.s32 $0x18400  }
0xaf: {  	[tilespmem:s22], [sflag:$0x2] =	stream.indirect_vreg.gather [hbm4b:s18+s28], $0x80, v4, vm0, $0xb8;
	[tilespmem:$0x1A400] =	vst v63  }
0xb0: {  	s23 =	simm.s32 $0x18C00  }
0xb1: {  	[tilespmem:s23], [sflag:$0x2] =	stream.indirect_vreg.gather [hbm4b:s7+s28], $0x80, v3, vm0, $0xb8;
	[tilespmem:$0x1A400] =	vst v63  }
0xb2: {  	s30 =	simm.s32 $0x19400  }
0xb3: {  	[tilespmem:s30], [sflag:$0x2] =	stream.indirect_vreg.gather [hbm4b:s17+s28], $0x80, v3, vm0, $0xb8;
	[tilespmem:$0x1A400] =	vst v63  }
0xb4: {  	s31 =	simm.s32 $0x19C00  }
0xb5: {  	[tilespmem:s31], [sflag:$0x2] =	stream.indirect_vreg.gather [hbm4b:s18+s28], $0x80, v3, vm0, $0xb8;
	[tilespmem:$0x1A400] =	vst v63  }
0xb6: {  	_ =	swait.ge [sflag:s8], $0x3000  }
0xb7: {  	[sflag:s8] =	ssyncset.done $0x0  }
0xb8: {  	[sflag:s8] =	ssyncadd.s32 $0xFFFFD000  }
0xb9: {  	_ =	swait.ge [sflag:s8], $0x3000  }
0xba: {  	[sflag:s8] =	ssyncset.done $0x0  }
0xbb: {  	[sflag:s8] =	ssyncadd.s32 $0xFFFFD000  }
0xbc: {  	_ =	swait.ge [sflag:s8], $0x3000  }
0xbd: {  	[sflag:s8] =	ssyncset.done $0x0  }
0xbe: {  	[sflag:s8] =	ssyncadd.s32 $0xFFFFD000  }
0xbf: {  	_ =	swait.ge [sflag:s8], $0x3000  }
0xc0: {  	[sflag:s8] =	ssyncset.done $0x0  }
0xc1: {  	s29 =	simm.s32 $0x0;
	[sflag:s8] =	ssyncadd.s32 $0xFFFFD000  }
.LBB2_3:
0xc2: {  	s0 =	sshrl.u32 s29, $0x3  }
0xc3: {  	s20 =	sshll.u32 s29, $0x7;
	s30 =	smul.u32 $0x1800, s0  }
0xc4: {  	s1 =	sand.u32 $0x40, s28;
	s22 =	sand.u32 $0x1C00, s28;
	s31 =	sand.u32 $0x380, s20  }
0xc5: {  	s23 =	sor.u32 s31, s1;
	s2 =	sadd.s32 s30, s22  }
0xc6: {  	s5 =	sor.u32 s2, s23  }
0xc7: {  	v3 =	vld [tilespmem:s5+$0x2400]  }
0xc8: {  	v4 =	vld [tilespmem:s5+$0x5400];
	_ =	sdelay $0x1  }
0xc9: {  	v5 =	vld [tilespmem:s5+$0x8400];
	_ =	sdelay $0x1  }
0xca: {  	v6 =	vld [tilespmem:s5+$0xB400]  }
0xcb: {  	v3 =	vadd.f32 v4, v3;
	_ =	sdelay $0x1  }
0xcc: {  	v3 =	vadd.f32 v5, v3;
	_ =	sdelay $0x1  }
0xcd: {  	s0 =	sor.u32 $0x10, s31;
	v3 =	vadd.f32 v6, v3  }
0xce: {  	s10 =	sor.u32 s0, s1  }
0xcf: {  	s10 =	sor.u32 s2, s10;
	[tilespmem:s5+$0x2400] =	vst v3  }
0xd0: {  	v3 =	vld [tilespmem:s10+$0x2400]  }
0xd1: {  	v4 =	vld [tilespmem:s10+$0x5400];
	_ =	sdelay $0x1  }
0xd2: {  	v5 =	vld [tilespmem:s10+$0x8400];
	_ =	sdelay $0x1  }
0xd3: {  	v6 =	vld [tilespmem:s10+$0xB400]  }
0xd4: {  	v3 =	vadd.f32 v4, v3;
	_ =	sdelay $0x1  }
0xd5: {  	v3 =	vadd.f32 v5, v3;
	_ =	sdelay $0x1  }
0xd6: {  	s5 =	sor.u32 $0x20, s31;
	v3 =	vadd.f32 v6, v3  }
0xd7: {  	s20 =	sor.u32 s5, s1  }
0xd8: {  	s20 =	sor.u32 s2, s20;
	[tilespmem:s10+$0x2400] =	vst v3  }
0xd9: {  	v3 =	vld [tilespmem:s20+$0x2400]  }
0xda: {  	v4 =	vld [tilespmem:s20+$0x5400];
	_ =	sdelay $0x1  }
0xdb: {  	v5 =	vld [tilespmem:s20+$0x8400];
	_ =	sdelay $0x1  }
0xdc: {  	v6 =	vld [tilespmem:s20+$0xB400]  }
0xdd: {  	v3 =	vadd.f32 v4, v3;
	_ =	sdelay $0x1  }
0xde: {  	v3 =	vadd.f32 v5, v3;
	_ =	sdelay $0x1  }
0xdf: {  	s10 =	sor.u32 $0x30, s31;
	v3 =	vadd.f32 v6, v3  }
0xe0: {  	s1 =	sor.u32 s10, s1  }
0xe1: {  	s2 =	sor.u32 s2, s1;
	[tilespmem:s20+$0x2400] =	vst v3  }
0xe2: {  	v5 =	vld [tilespmem:s2+$0x2400]  }
0xe3: {  	v6 =	vld [tilespmem:s2+$0x5400];
	_ =	sdelay $0x2  }
0xe4: {  	v4 =	vld [tilespmem:s2+$0x8400];
	_ =	sdelay $0x1  }
0xe5: {  	s22 =	simm.s32 $0x0;
	s23 =	simm.s32 $0x40;
	v3 =	vld [tilespmem:s2+$0xB400];
	v5 =	vadd.f32 v6, v5  }
.LBB2_4:
0xe6: {  	p0 =	sne.s32 s23, $0x2C0  }
0xe7: {  	s22 =	sadd.s32 $0x200, s22;
	s1 =	smov.u32 s23;
	s23 =	sadd.s32 $0x40, s23  }
0xe8: {  	v4 =	vadd.f32 v4, v5  }
0xe9: {  	s1 =	sand.u32 $0x40, s1;
	s20 =	sand.u32 $0x1C00, s22  }
0xea: {  	s20 =	sadd.s32 s30, s20;
	s3 =	sor.u32 s31, s1;
	s4 =	sor.u32 s0, s1;
	v3 =	vadd.f32 v3, v4  }
0xeb: {  	s7 =	sor.u32 s5, s1;
	s1 =	sor.u32 s10, s1;
	s3 =	sor.u32 s20, s3  }
0xec: {  	[tilespmem:s2+$0x2400] =	vst v3  }
0xed: {  	v3 =	vld [tilespmem:s3+$0x2400]  }
0xee: {  	v4 =	vld [tilespmem:s3+$0x5400];
	_ =	sdelay $0x1  }
0xef: {  	v5 =	vld [tilespmem:s3+$0x8400];
	_ =	sdelay $0x1  }
0xf0: {  	v6 =	vld [tilespmem:s3+$0xB400]  }
0xf1: {  	v3 =	vadd.f32 v4, v3;
	_ =	sdelay $0x1  }
0xf2: {  	v3 =	vadd.f32 v5, v3;
	_ =	sdelay $0x1  }
0xf3: {  	v3 =	vadd.f32 v6, v3;
	_ =	sdelay $0x1  }
0xf4: {  	s2 =	sor.u32 s20, s4;
	[tilespmem:s3+$0x2400] =	vst v3  }
0xf5: {  	v3 =	vld [tilespmem:s2+$0x2400]  }
0xf6: {  	v4 =	vld [tilespmem:s2+$0x5400];
	_ =	sdelay $0x1  }
0xf7: {  	v5 =	vld [tilespmem:s2+$0x8400];
	_ =	sdelay $0x1  }
0xf8: {  	v6 =	vld [tilespmem:s2+$0xB400]  }
0xf9: {  	v3 =	vadd.f32 v4, v3;
	_ =	sdelay $0x1  }
0xfa: {  	v3 =	vadd.f32 v5, v3;
	_ =	sdelay $0x1  }
0xfb: {  	v3 =	vadd.f32 v6, v3;
	_ =	sdelay $0x1  }
0xfc: {  	[tilespmem:s2+$0x2400] =	vst v3;
	s2 =	sor.u32 s20, s7  }
0xfd: {  	v3 =	vld [tilespmem:s2+$0x2400]  }
0xfe: {  	v4 =	vld [tilespmem:s2+$0x5400];
	_ =	sdelay $0x1  }
0xff: {  	v5 =	vld [tilespmem:s2+$0x8400];
	_ =	sdelay $0x1  }
0x100: {  	v6 =	vld [tilespmem:s2+$0xB400]  }
0x101: {  	v3 =	vadd.f32 v4, v3;
	_ =	sdelay $0x1  }
0x102: {  	v3 =	vadd.f32 v5, v3;
	_ =	sdelay $0x1  }
0x103: {  	v3 =	vadd.f32 v6, v3;
	_ =	sdelay $0x1  }
0x104: {  	[tilespmem:s2+$0x2400] =	vst v3;
	s2 =	sor.u32 s20, s1  }
0x105: {  	v5 =	vld [tilespmem:s2+$0x2400]  }
0x106: {  	v6 =	vld [tilespmem:s2+$0x5400]  }
.Ltmp0:
0x107: {  	v4 =	vld [tilespmem:s2+$0x8400];
	(pc) =	sbr.rel @p0 .LBB2_4-.Ltmp0, $2  }
0x108: {  	v3 =	vld [tilespmem:s2+$0xB400];
	_ =	sdelay $0x2  }
0x109: {  	v5 =	vadd.f32 v6, v5  }
0x10a: {  	s29 =	sadd.s32 $0x1, s29  }
0x10b: {  	p0 =	sne.s32 s29, $0x10  }
.Ltmp1:
0x10c: {  	v4 =	vadd.f32 v4, v5;
	(pc) =	sbr.rel @p0 .LBB2_3-.Ltmp1, $3  }
0x10d: {  	_ = 	snop  }
0x10e: {  	v3 =	vadd.f32 v3, v4;
	_ =	sdelay $0x1  }
0x10f: {  	[tilespmem:s2+$0x2400] =	vst v3  }
0x110: {  	s0 =	sshll.u32 s25, $0x5  }
0x111: {  	s0 =	sadd.s32 s9, s0  }
0x112: {  	s0 =	sshrl.u32 s0, $0x3  }
0x113: {  	s0 =	smul.u32 $0x1800, s0;
	_ =	sdelay $0x1  }
0x114: {  	s0 =	sadd.s32 s19, s0  }
0x115: {  	s1 =	rddreg [dreg:$0x7];
	p0 =	seq.s32 s25, $0x8;
	s0 =	sshrl.u32 s0, $0x3  }
.Ltmp2:
0x116: {  	s31 =	simm.s32 $0x2400;
	s0 =	sadd.s32 s1, s0;
	(pc) =	sbr.rel @p0 .LBB2_8-.Ltmp2, $4  }
0x117: {  	[hbm4b:s0+s6] =	stream.linear.scatter [tilespmem:s31], [sflag:$0x3], $0x3000, $0x38;
	[tilespmem:$0x1A400] =	vst v63  }
0x118: {  	_ =	swait.ge [sflag:s21], $0x3000  }
0x119: {  	[sflag:s21] =	ssyncset.done $0x0  }
0x11a: {  	[sflag:s21] =	ssyncadd.s32 $0xFFFFD000  }
0x11b: {  	s0 =	sshll.u32 s25, $0xA  }
0x11c: {  	s0 =	sand.u32 $0x3FFFFC00, s0  }
0x11d: {  	v3 =	vld [tilespmem:s0+$0x400];
	_ =	sdelay $0x4  }
0x11e: {  	v4 =	vshrl.u32 v3, $0x3  }
0x11f: {  	v4 =	vmul.u32 $0x30, v4  }
0x120: {  	v3 =	vand.u32 $0x7, v3  }
0x121: {  	v3 =	vor.u32 v3, v4  }
0x122: {  	v4 =	vperm.xlane v3, v0;
	_ =	sdelay $0x1  }
0x123: {  	v4 =	vadd.s32 v1, v4;
	_ =	sdelay $0x3  }
0x124: {  	s1 =	rddreg [dreg:$0x0];
	s2 =	simm.s32 $0x2400;
	v3 =	vperm.xlane v3, v2  }
0x125: {  	[tilespmem:s2], [sflag:$0x1] =	stream.indirect_vreg.gather [hbm4b:s1+s6], $0x80, v4, vm0, $0xb8;
	[tilespmem:$0x1A400] =	vst v63  }
0x126: {  	s30 =	simm.s32 $0x2C00;
	v3 =	vadd.s32 v1, v3  }
0x127: {  	[tilespmem:s30], [sflag:$0x1] =	stream.indirect_vreg.gather [hbm4b:s11+s6], $0x80, v4, vm0, $0xb8;
	[tilespmem:$0x1A400] =	vst v63  }
0x128: {  	s31 =	simm.s32 $0x3400  }
0x129: {  	[tilespmem:s31], [sflag:$0x1] =	stream.indirect_vreg.gather [hbm4b:s12+s6], $0x80, v4, vm0, $0xb8;
	[tilespmem:$0x1A400] =	vst v63  }
0x12a: {  	s3 =	simm.s32 $0x3C00  }
0x12b: {  	[tilespmem:s3], [sflag:$0x1] =	stream.indirect_vreg.gather [hbm4b:s1+s6], $0x80, v3, vm0, $0xb8;
	[tilespmem:$0x1A400] =	vst v63  }
0x12c: {  	s4 =	simm.s32 $0x4400  }
0x12d: {  	[tilespmem:s4], [sflag:$0x1] =	stream.indirect_vreg.gather [hbm4b:s11+s6], $0x80, v3, vm0, $0xb8;
	[tilespmem:$0x1A400] =	vst v63  }
0x12e: {  	s5 =	simm.s32 $0x4C00  }
0x12f: {  	[tilespmem:s5], [sflag:$0x1] =	stream.indirect_vreg.gather [hbm4b:s12+s6], $0x80, v3, vm0, $0xb8;
	[tilespmem:$0x1A400] =	vst v63  }
0x130: {  	v3 =	vld [tilespmem:s0+$0x480];
	_ =	sdelay $0x4  }
0x131: {  	v61 =	vshrl.u32 v3, $0x3  }
0x132: {  	v4 =	vmul.u32 $0x30, v61  }
0x133: {  	v3 =	vand.u32 $0x7, v3  }
0x134: {  	v3 =	vor.u32 v3, v4  }
0x135: {  	v4 =	vperm.xlane v3, v0;
	_ =	sdelay $0x1  }
0x136: {  	v4 =	vadd.s32 v1, v4;
	_ =	sdelay $0x3  }
0x137: {  	s7 =	rddreg [dreg:$0x1];
	s10 =	simm.s32 $0x5400;
	v3 =	vperm.xlane v3, v2  }
0x138: {  	[tilespmem:s10], [sflag:$0x1] =	stream.indirect_vreg.gather [hbm4b:s7+s6], $0x80, v4, vm0, $0xb8;
	[tilespmem:$0x1A400] =	vst v63  }
0x139: {  	s20 =	simm.s32 $0x5C00;
	v3 =	vadd.s32 v1, v3  }
0x13a: {  	[tilespmem:s20], [sflag:$0x1] =	stream.indirect_vreg.gather [hbm4b:s13+s6], $0x80, v4, vm0, $0xb8;
	[tilespmem:$0x1A400] =	vst v63  }
0x13b: {  	s22 =	simm.s32 $0x6400  }
0x13c: {  	[tilespmem:s22], [sflag:$0x1] =	stream.indirect_vreg.gather [hbm4b:s14+s6], $0x80, v4, vm0, $0xb8;
	[tilespmem:$0x1A400] =	vst v63  }
0x13d: {  	s23 =	simm.s32 $0x6C00  }
0x13e: {  	[tilespmem:s23], [sflag:$0x1] =	stream.indirect_vreg.gather [hbm4b:s7+s6], $0x80, v3, vm0, $0xb8;
	[tilespmem:$0x1A400] =	vst v63  }
0x13f: {  	s28 =	simm.s32 $0x7400  }
0x140: {  	[tilespmem:s28], [sflag:$0x1] =	stream.indirect_vreg.gather [hbm4b:s13+s6], $0x80, v3, vm0, $0xb8;
	[tilespmem:$0x1A400] =	vst v63  }
0x141: {  	s29 =	simm.s32 $0x7C00  }
0x142: {  	[tilespmem:s29], [sflag:$0x1] =	stream.indirect_vreg.gather [hbm4b:s14+s6], $0x80, v3, vm0, $0xb8;
	[tilespmem:$0x1A400] =	vst v63  }
0x143: {  	v3 =	vld [tilespmem:s0+$0x500];
	_ =	sdelay $0x4  }
0x144: {  	v62 =	vshrl.u32 v3, $0x3  }
0x145: {  	v4 =	vmul.u32 $0x30, v62  }
0x146: {  	v3 =	vand.u32 $0x7, v3  }
0x147: {  	v3 =	vor.u32 v3, v4  }
0x148: {  	v4 =	vperm.xlane v3, v0;
	_ =	sdelay $0x1  }
0x149: {  	v4 =	vadd.s32 v1, v4;
	_ =	sdelay $0x3  }
0x14a: {  	s30 =	rddreg [dreg:$0x2];
	s31 =	simm.s32 $0x8400;
	v3 =	vperm.xlane v3, v2  }
0x14b: {  	[tilespmem:s31], [sflag:$0x1] =	stream.indirect_vreg.gather [hbm4b:s30+s6], $0x80, v4, vm0, $0xb8;
	[tilespmem:$0x1A400] =	vst v63  }
0x14c: {  	s3 =	simm.s32 $0x8C00;
	v3 =	vadd.s32 v1, v3  }
0x14d: {  	[tilespmem:s3], [sflag:$0x1] =	stream.indirect_vreg.gather [hbm4b:s15+s6], $0x80, v4, vm0, $0xb8;
	[tilespmem:$0x1A400] =	vst v63  }
0x14e: {  	s4 =	simm.s32 $0x9400  }
0x14f: {  	[tilespmem:s4], [sflag:$0x1] =	stream.indirect_vreg.gather [hbm4b:s16+s6], $0x80, v4, vm0, $0xb8;
	[tilespmem:$0x1A400] =	vst v63  }
0x150: {  	s5 =	simm.s32 $0x9C00  }
0x151: {  	[tilespmem:s5], [sflag:$0x1] =	stream.indirect_vreg.gather [hbm4b:s30+s6], $0x80, v3, vm0, $0xb8;
	[tilespmem:$0x1A400] =	vst v63  }
0x152: {  	s7 =	simm.s32 $0xA400  }
0x153: {  	[tilespmem:s7], [sflag:$0x1] =	stream.indirect_vreg.gather [hbm4b:s15+s6], $0x80, v3, vm0, $0xb8;
	[tilespmem:$0x1A400] =	vst v63  }
0x154: {  	s10 =	simm.s32 $0xAC00  }
0x155: {  	[tilespmem:s10], [sflag:$0x1] =	stream.indirect_vreg.gather [hbm4b:s16+s6], $0x80, v3, vm0, $0xb8;
	[tilespmem:$0x1A400] =	vst v63  }
0x156: {  	v3 =	vld [tilespmem:s0+$0x580];
	_ =	sdelay $0x4  }
0x157: {  	v63 =	vshrl.u32 v3, $0x3  }
0x158: {  	v4 =	vmul.u32 $0x30, v63  }
0x159: {  	v3 =	vand.u32 $0x7, v3  }
0x15a: {  	v3 =	vor.u32 v3, v4  }
0x15b: {  	v4 =	vperm.xlane v3, v0;
	_ =	sdelay $0x1  }
0x15c: {  	v4 =	vadd.s32 v1, v4;
	_ =	sdelay $0x3  }
0x15d: {  	s20 =	rddreg [dreg:$0x3];
	s22 =	simm.s32 $0xB400;
	v3 =	vperm.xlane v3, v2  }
0x15e: {  	[tilespmem:s22], [sflag:$0x1] =	stream.indirect_vreg.gather [hbm4b:s20+s6], $0x80, v4, vm0, $0xb8;
	[tilespmem:$0x1A400] =	vst v63  }
0x15f: {  	s23 =	simm.s32 $0xBC00;
	v3 =	vadd.s32 v1, v3  }
0x160: {  	[tilespmem:s23], [sflag:$0x1] =	stream.indirect_vreg.gather [hbm4b:s17+s6], $0x80, v4, vm0, $0xb8;
	[tilespmem:$0x1A400] =	vst v63  }
0x161: {  	s28 =	simm.s32 $0xC400  }
0x162: {  	[tilespmem:s28], [sflag:$0x1] =	stream.indirect_vreg.gather [hbm4b:s18+s6], $0x80, v4, vm0, $0xb8;
	[tilespmem:$0x1A400] =	vst v63  }
0x163: {  	s29 =	simm.s32 $0xCC00  }
0x164: {  	[tilespmem:s29], [sflag:$0x1] =	stream.indirect_vreg.gather [hbm4b:s20+s6], $0x80, v3, vm0, $0xb8;
	[tilespmem:$0x1A400] =	vst v63  }
0x165: {  	s30 =	simm.s32 $0xD400  }
0x166: {  	[tilespmem:s30], [sflag:$0x1] =	stream.indirect_vreg.gather [hbm4b:s17+s6], $0x80, v3, vm0, $0xb8;
	[tilespmem:$0x1A400] =	vst v63  }
0x167: {  	s31 =	simm.s32 $0xDC00  }
0x168: {  	[tilespmem:s31], [sflag:$0x1] =	stream.indirect_vreg.gather [hbm4b:s18+s6], $0x80, v3, vm0, $0xb8;
	[tilespmem:$0x1A400] =	vst v63  }
.LBB2_8:
0x169: {  	_ =	swait.ge [sflag:s24], $0x3000  }
0x16a: {  	[sflag:s24] =	ssyncset.done $0x0  }
0x16b: {  	[sflag:s24] =	ssyncadd.s32 $0xFFFFD000  }
0x16c: {  	_ =	swait.ge [sflag:s24], $0x3000  }
0x16d: {  	[sflag:s24] =	ssyncset.done $0x0  }
0x16e: {  	[sflag:s24] =	ssyncadd.s32 $0xFFFFD000  }
0x16f: {  	_ =	swait.ge [sflag:s24], $0x3000  }
0x170: {  	[sflag:s24] =	ssyncset.done $0x0  }
0x171: {  	[sflag:s24] =	ssyncadd.s32 $0xFFFFD000  }
0x172: {  	_ =	swait.ge [sflag:s24], $0x3000  }
0x173: {  	s25 =	sadd.s32 $0x1, s25;
	[sflag:s24] =	ssyncset.done $0x0  }
0x174: {  	s28 =	simm.s32 $0x0;
	s29 =	simm.s32 $0x0;
	[sflag:s24] =	ssyncadd.s32 $0xFFFFD000  }
.LBB2_9:
0x175: {  	s0 =	sshrl.u32 s29, $0x3  }
0x176: {  	s5 =	sshll.u32 s29, $0x7;
	s30 =	smul.u32 $0x1800, s0  }
0x177: {  	s1 =	sand.u32 $0x40, s28;
	s7 =	sand.u32 $0x1C00, s28;
	s31 =	sand.u32 $0x380, s5  }
0x178: {  	s10 =	sor.u32 s31, s1;
	s2 =	sadd.s32 s30, s7  }
0x179: {  	s3 =	sor.u32 s2, s10  }
0x17a: {  	v3 =	vld [tilespmem:s3+$0xE400]  }
0x17b: {  	v4 =	vld [tilespmem:s3+$0x11400];
	_ =	sdelay $0x1  }
0x17c: {  	v5 =	vld [tilespmem:s3+$0x14400];
	_ =	sdelay $0x1  }
0x17d: {  	v6 =	vld [tilespmem:s3+$0x17400]  }
0x17e: {  	v3 =	vadd.f32 v4, v3;
	_ =	sdelay $0x1  }
0x17f: {  	v3 =	vadd.f32 v5, v3;
	_ =	sdelay $0x1  }
0x180: {  	s0 =	sor.u32 $0x10, s31;
	v3 =	vadd.f32 v6, v3  }
0x181: {  	s4 =	sor.u32 s0, s1  }
0x182: {  	s20 =	sor.u32 s2, s4;
	[tilespmem:s3+$0xE400] =	vst v3  }
0x183: {  	v3 =	vld [tilespmem:s20+$0xE400]  }
0x184: {  	v4 =	vld [tilespmem:s20+$0x11400];
	_ =	sdelay $0x1  }
0x185: {  	v5 =	vld [tilespmem:s20+$0x14400];
	_ =	sdelay $0x1  }
0x186: {  	v6 =	vld [tilespmem:s20+$0x17400]  }
0x187: {  	v3 =	vadd.f32 v4, v3;
	_ =	sdelay $0x1  }
0x188: {  	v3 =	vadd.f32 v5, v3;
	_ =	sdelay $0x1  }
0x189: {  	s5 =	sor.u32 $0x20, s31;
	v3 =	vadd.f32 v6, v3  }
0x18a: {  	s22 =	sor.u32 s5, s1  }
0x18b: {  	s23 =	sor.u32 s2, s22;
	[tilespmem:s20+$0xE400] =	vst v3  }
0x18c: {  	v3 =	vld [tilespmem:s23+$0xE400]  }
0x18d: {  	v4 =	vld [tilespmem:s23+$0x11400];
	_ =	sdelay $0x1  }
0x18e: {  	v5 =	vld [tilespmem:s23+$0x14400];
	_ =	sdelay $0x1  }
0x18f: {  	v6 =	vld [tilespmem:s23+$0x17400]  }
0x190: {  	v3 =	vadd.f32 v4, v3;
	_ =	sdelay $0x1  }
0x191: {  	v3 =	vadd.f32 v5, v3;
	_ =	sdelay $0x1  }
0x192: {  	s10 =	sor.u32 $0x30, s31;
	v3 =	vadd.f32 v6, v3  }
0x193: {  	s1 =	sor.u32 s10, s1  }
0x194: {  	s2 =	sor.u32 s2, s1;
	[tilespmem:s23+$0xE400] =	vst v3  }
0x195: {  	v5 =	vld [tilespmem:s2+$0xE400]  }
0x196: {  	v6 =	vld [tilespmem:s2+$0x11400];
	_ =	sdelay $0x2  }
0x197: {  	v4 =	vld [tilespmem:s2+$0x14400];
	_ =	sdelay $0x1  }
0x198: {  	s22 =	simm.s32 $0x0;
	s23 =	simm.s32 $0x40;
	v3 =	vld [tilespmem:s2+$0x17400];
	v5 =	vadd.f32 v6, v5  }
.LBB2_10:
0x199: {  	p0 =	sne.s32 s23, $0x2C0  }
0x19a: {  	s22 =	sadd.s32 $0x200, s22;
	s1 =	smov.u32 s23;
	s23 =	sadd.s32 $0x40, s23  }
0x19b: {  	v4 =	vadd.f32 v4, v5  }
0x19c: {  	s1 =	sand.u32 $0x40, s1;
	s3 =	sand.u32 $0x1C00, s22  }
0x19d: {  	s20 =	sadd.s32 s30, s3;
	s3 =	sor.u32 s31, s1;
	s4 =	sor.u32 s0, s1;
	v3 =	vadd.f32 v3, v4  }
0x19e: {  	s7 =	sor.u32 s5, s1;
	s1 =	sor.u32 s10, s1;
	s3 =	sor.u32 s20, s3  }
0x19f: {  	[tilespmem:s2+$0xE400] =	vst v3  }
0x1a0: {  	v3 =	vld [tilespmem:s3+$0xE400]  }
0x1a1: {  	v4 =	vld [tilespmem:s3+$0x11400];
	_ =	sdelay $0x1  }
0x1a2: {  	v5 =	vld [tilespmem:s3+$0x14400];
	_ =	sdelay $0x1  }
0x1a3: {  	v6 =	vld [tilespmem:s3+$0x17400]  }
0x1a4: {  	v3 =	vadd.f32 v4, v3;
	_ =	sdelay $0x1  }
0x1a5: {  	v3 =	vadd.f32 v5, v3;
	_ =	sdelay $0x1  }
0x1a6: {  	v3 =	vadd.f32 v6, v3;
	_ =	sdelay $0x1  }
0x1a7: {  	s2 =	sor.u32 s20, s4;
	[tilespmem:s3+$0xE400] =	vst v3  }
0x1a8: {  	v3 =	vld [tilespmem:s2+$0xE400]  }
0x1a9: {  	v4 =	vld [tilespmem:s2+$0x11400];
	_ =	sdelay $0x1  }
0x1aa: {  	v5 =	vld [tilespmem:s2+$0x14400];
	_ =	sdelay $0x1  }
0x1ab: {  	v6 =	vld [tilespmem:s2+$0x17400]  }
0x1ac: {  	v3 =	vadd.f32 v4, v3;
	_ =	sdelay $0x1  }
0x1ad: {  	v3 =	vadd.f32 v5, v3;
	_ =	sdelay $0x1  }
0x1ae: {  	v3 =	vadd.f32 v6, v3;
	_ =	sdelay $0x1  }
0x1af: {  	[tilespmem:s2+$0xE400] =	vst v3;
	s2 =	sor.u32 s20, s7  }
0x1b0: {  	v3 =	vld [tilespmem:s2+$0xE400]  }
0x1b1: {  	v4 =	vld [tilespmem:s2+$0x11400];
	_ =	sdelay $0x1  }
0x1b2: {  	v5 =	vld [tilespmem:s2+$0x14400];
	_ =	sdelay $0x1  }
0x1b3: {  	v6 =	vld [tilespmem:s2+$0x17400]  }
0x1b4: {  	v3 =	vadd.f32 v4, v3;
	_ =	sdelay $0x1  }
0x1b5: {  	v3 =	vadd.f32 v5, v3;
	_ =	sdelay $0x1  }
0x1b6: {  	v3 =	vadd.f32 v6, v3;
	_ =	sdelay $0x1  }
0x1b7: {  	[tilespmem:s2+$0xE400] =	vst v3;
	s2 =	sor.u32 s20, s1  }
0x1b8: {  	v5 =	vld [tilespmem:s2+$0xE400]  }
0x1b9: {  	v6 =	vld [tilespmem:s2+$0x11400]  }
.Ltmp3:
0x1ba: {  	v4 =	vld [tilespmem:s2+$0x14400];
	(pc) =	sbr.rel @p0 .LBB2_10-.Ltmp3, $2  }
0x1bb: {  	v3 =	vld [tilespmem:s2+$0x17400];
	_ =	sdelay $0x2  }
0x1bc: {  	v5 =	vadd.f32 v6, v5  }
0x1bd: {  	s29 =	sadd.s32 $0x1, s29  }
0x1be: {  	p0 =	sne.s32 s29, $0x10  }
.Ltmp4:
0x1bf: {  	v4 =	vadd.f32 v4, v5;
	(pc) =	sbr.rel @p0 .LBB2_9-.Ltmp4, $3  }
0x1c0: {  	_ = 	snop  }
0x1c1: {  	v3 =	vadd.f32 v3, v4;
	_ =	sdelay $0x1  }
0x1c2: {  	[tilespmem:s2+$0xE400] =	vst v3  }
0x1c3: {  	s0 =	sshll.u32 s26, $0x4  }
0x1c4: {  	s0 =	sadd.s32 s9, s0  }
0x1c5: {  	s0 =	sshrl.u32 s0, $0x3  }
0x1c6: {  	s0 =	smul.u32 $0x1800, s0;
	_ =	sdelay $0x1  }
0x1c7: {  	s0 =	sadd.s32 s19, s0  }
0x1c8: {  	s1 =	rddreg [dreg:$0x7];
	p0 =	sne.s32 s25, $0x9;
	s0 =	sshrl.u32 s0, $0x3  }
.Ltmp5:
0x1c9: {  	s2 =	simm.s32 $0xE400;
	s0 =	sadd.s32 s1, s0;
	(pc) =	sbr.rel @p0 .LBB2_2-.Ltmp5, $4  }
0x1ca: {  	[hbm4b:s0+s6] =	stream.linear.scatter [tilespmem:s2], [sflag:$0x3], $0x3000, $0x38;
	[tilespmem:$0x1A400] =	vst v63  }
0x1cb: {  	_ =	swait.ge [sflag:s21], $0x3000  }
0x1cc: {  	[sflag:s21] =	ssyncset.done $0x0  }
0x1cd: {  	[sflag:s21] =	ssyncadd.s32 $0xFFFFD000  }
0x1ce: {  	s1 =	rddreg [dreg:$0xa]  }
0x1cf: {  	s0 =	rddreg [dreg:$0x9];
	s1 =	sadd.s32 $0x1, s1  }
0x1d0: {  	p0 =	sne.s32 s1, s0  }
.Ltmp6:
0x1d1: {  	_ = 	snop;
	(pc) =	sbr.rel @p0 .LBB2_1-.Ltmp6, $1  }
0x1d2: {  	_ =	sdelay $0x3  }
0x1d3: {  	_ =	sfence.sel $0x180000  }
0x1d4: {  	[bflag:$0x0] =	sbarrier.arrive $0xFFFF  }
0x1d5: {  	_ =	strace $0x90000047  }
0x1d6: {  	s0 =	stileid.u32;
	[bflag:$0x2] =	sbarrier.arrive $0xFFFF  }
0x1d7: {  	p0 =	sne.s32 s0, $0x0;
	s0 =	rddreg [dreg:$0x6]  }
0x1d8: {  	s0 =	sadd.s32 @!p0 $0x100000, s0  }
0x1d9: {  	[sflag:s0] =	ssyncadd.tile.s32 @!p0 $0x1;
	_ =	shalt  }
.Lfunc_end2:
_tile_overlayer_lowered:
.L_overlay_start_2:
0x1da: {  	(tag) =	ssettag $0x2  }
0x1db: {  	s0 =	rddreg [dreg:$0x0];
	s2 =	stileid.u32  }
0x1dc: {  	s1 =	rddreg [dreg:$0x1];
	p0 =	sne.s32 s2, $0x0  }
0x1dd: {  	s3 =	rddreg [dreg:$0x2];
	[bflag:$0x3] =	sbarrier.arrive $0xFFFF;
	s2 =	simm.s32 @!p0 $0x1C03  }
0x1de: {  	[timem:s3], [sflag:s2] =	dma.local @!p0 [hbm:s0], s1  }
0x1df: {  	s0 =	simm.s32 @!p0 $0x3  }
0x1e0: {  	_ =	swait.ge @!p0 [sflag:s0], s1  }
0x1e1: {  	s1 =	ssub.s32 @!p0 $0x0, s1;
	[sflag:s0] =	ssyncset.done @!p0 $0x0  }
0x1e2: {  	[sflag:s0] =	ssyncadd.s32 @!p0 s1  }
0x1e3: {  	[bflag:$0x3] =	sbarrier.arrive $0xFFFF  }
0x1e4: {  	_ =	shalt  }

// kernel: kernel.9.cloned.1.call-start
scs
__scs_entry_jumppad:
0x0: {  	(pc) =	sbr.rel $0x88, $3  }
0x1: {  	(tag) =	ssettag $0x0;
	lr =	simm.s32 $0x1  }
0x2: {  	[smem:$0x3F99] =	sst lr;
	_ =	strace $0xD0000000  }
0x3: {  	_ = 	snop  }
0x4: {  	_ = 	snop  }
0x5: {  	_ = 	snop  }
0x6: {  	_ = 	snop  }
0x7: {  	_ = 	snop  }
__scs_overlays_trampoline_lowered:
0x8: {  	[smem:$0x3FA8] =	sst s0  }
0x9: {  	[smem:$0x3FA9] =	sst s1  }
0xa: {  	[smem:$0x3FAA] =	sst s2  }
0xb: {  	[smem:$0x3FAB] =	sst s3  }
0xc: {  	[smem:$0x3FAC] =	sst s4  }
0xd: {  	[smem:$0x3FAD] =	sst s5  }
0xe: {  	[smem:$0x3FAE] =	sst s6  }
0xf: {  	[smem:$0x3FAF] =	sst s7  }
0x10: {  	[smem:$0x3FB0] =	sst s8  }
0x11: {  	[smem:$0x3FB1] =	sst s9;
	s0 =	simm.s32 @!p0 $0x0  }
0x12: {  	s1 =	sld [smem:$0x3F97];
	s0 =	simm.s32 @p0 $0x1  }
0x13: {  	[smem:$0x3FB2] =	sst s0;
	s0 =	simm.s32 @!p1 $0x0  }
0x14: {  	s2 =	sld [smem:$0x3F96];
	s0 =	simm.s32 @p1 $0x1  }
0x15: {  	[smem:$0x3FB3] =	sst s0;
	s0 =	simm.s32 @!p2 $0x0  }
0x16: {  	s3 =	sld [smem:$0x3FDB];
	s0 =	simm.s32 @p2 $0x1  }
0x17: {  	s4 =	simm.s32 $0x1BF5;
	[smem:$0x3FB5] =	sst s0  }
0x18: {  	s0 =	sld [smem:$0x3F98];
	_ =	swait.ge [sflag:s4], $0x0  }
0x19: {  	s7 =	sld [smem:$0x3F99]  }
0x1a: {  	s8 =	sadd.s32 $0xFFFFE003, lr  }
0x1b: {  	s9 =	sadd.s32 $0xFFFFFEF7, lr;
	s5 =	simm.s32 $0xFFFFFFFF;
	p2 =	slt.u32 s8, $0xFFFFF086  }
0x1c: {  	p1 =	slt.u32 s9, $0xF7A;
	s5 =	simm.s32 @!p2 $0x0  }
0x1d: {  	s5 =	simm.s32 @p1 $0x1;
	p0 =	seq.s32 s7, s2  }
0x1e: {  	s7 =	smul.u32 @!p0 $0xF7A, s2;
	p2 =	seq.s32 @!p0 s5, $0x0  }
0x1f: {  	s9 =	smul.u32 $0xF7A, s1;
	s8 =	simm.s32 @!p0 $0x1BF5;
	p2 =	por !p2, p0  }
0x20: {  	[sflag:s8] =	ssyncset.s32 @!p0 $0xFFFFF086;
	s6 =	sadd.s32 @!p0 s3, s7;
	s7 =	simm.s32 @!p0 $0x108  }
0x21: {  	s3 =	sadd.s32 s3, s9;
	s6 =	sadd.s32 @!p0 $0x88, s6;
	s7 =	simm.s32 @p2 $0x1082  }
0x22: {  	[simem:s7], [sflag:s8] =	dma.local @!p0 [hbm:s6], $0xF7A  }
0x23: {  	s9 =	sor.u32 $0xD0000000, s2;
	s6 =	simm.s32 $0x108;
	_ =	swait.ge @!p0 [sflag:s8], $0x0  }
0x24: {  	s3 =	sadd.s32 $0x88, s3;
	s6 =	simm.s32 @!p1 $0x1082;
	[sflag:s4] =	ssyncset.s32 $0xFFFFF086  }
0x25: {  	[simem:s6], [sflag:s4] =	dma.local [hbm:s3], $0xF7A  }
0x26: {  	[smem:$0x3F99] =	sst s1;
	(tag) =	ssettag s2;
	_ =	strace s9  }
0x27: {  	s1 =	sld [smem:$0x3FA9]  }
0x28: {  	s2 =	sld [smem:$0x3FAA]  }
0x29: {  	s4 =	sld [smem:$0x3FAC]  }
0x2a: {  	p0 =	seq.s32 s5, $0x0;
	s5 =	sld [smem:$0x3FAD]  }
0x2b: {  	s6 =	sld [smem:$0x3FAE]  }
0x2c: {  	s7 =	sld [smem:$0x3FAF]  }
0x2d: {  	s3 =	simm.s32 $0x108;
	s8 =	sld [smem:$0x3FB0]  }
0x2e: {  	s3 =	simm.s32 @!p0 $0x1082;
	s9 =	sld [smem:$0x3FB1]  }
0x2f: {  	lr =	sadd.s32 s0, s3;
	s0 =	sld [smem:$0x3FA8]  }
0x30: {  	s3 =	sld [smem:$0x3FAB]  }
0x31: {  	[smem:$0x3FB4] =	sst s10  }
0x32: {  	s10 =	sld [smem:$0x3FB2];
	_ =	sdelay $0x3  }
0x33: {  	p0 =	seq.s32 s10, $0x1;
	s10 =	sld [smem:$0x3FB4];
	_ =	sdelay $0x3  }
0x34: {  	[smem:$0x3FB4] =	sst s10  }
0x35: {  	s10 =	sld [smem:$0x3FB3];
	_ =	sdelay $0x3  }
0x36: {  	p1 =	seq.s32 s10, $0x1;
	s10 =	sld [smem:$0x3FB4];
	_ =	sdelay $0x3  }
0x37: {  	[smem:$0x3FB4] =	sst s10  }
0x38: {  	s10 =	sld [smem:$0x3FB5]  }
0x39: {  	_ = 	snop;
	(pc) =	sbr.ind lr, $3  }
0x3a: {  	_ = 	snop  }
0x3b: {  	_ = 	snop  }
0x3c: {  	p2 =	seq.s32 s10, $0x1;
	s10 =	sld [smem:$0x3FB4]  }
0x3d: {  	_ =	shalt  }
0x3e: {  	_ =	shalt  }
0x3f: {  	_ =	shalt  }
0x40: {  	_ =	shalt  }
0x41: {  	_ =	shalt  }
0x42: {  	_ =	shalt  }
0x43: {  	_ =	shalt  }
0x44: {  	_ =	shalt  }
0x45: {  	_ =	shalt  }
0x46: {  	_ =	shalt  }
0x47: {  	_ =	shalt  }
0x48: {  	_ =	shalt  }
0x49: {  	_ =	shalt  }
0x4a: {  	_ =	shalt  }
0x4b: {  	_ =	shalt  }
0x4c: {  	_ =	shalt  }
0x4d: {  	_ =	shalt  }
0x4e: {  	_ =	shalt  }
0x4f: {  	_ =	shalt  }
0x50: {  	_ =	shalt  }
0x51: {  	_ =	shalt  }
0x52: {  	_ =	shalt  }
0x53: {  	_ =	shalt  }
0x54: {  	_ =	shalt  }
0x55: {  	_ =	shalt  }
0x56: {  	_ =	shalt  }
0x57: {  	_ =	shalt  }
0x58: {  	_ =	shalt  }
0x59: {  	_ =	shalt  }
0x5a: {  	_ =	shalt  }
0x5b: {  	_ =	shalt  }
0x5c: {  	_ =	shalt  }
0x5d: {  	_ =	shalt  }
0x5e: {  	_ =	shalt  }
0x5f: {  	_ =	shalt  }
0x60: {  	_ =	shalt  }
0x61: {  	_ =	shalt  }
0x62: {  	_ =	shalt  }
0x63: {  	_ =	shalt  }
0x64: {  	_ =	shalt  }
0x65: {  	_ =	shalt  }
0x66: {  	_ =	shalt  }
0x67: {  	_ =	shalt  }
0x68: {  	_ =	shalt  }
0x69: {  	_ =	shalt  }
0x6a: {  	_ =	shalt  }
0x6b: {  	_ =	shalt  }
0x6c: {  	_ =	shalt  }
0x6d: {  	_ =	shalt  }
0x6e: {  	_ =	shalt  }
0x6f: {  	_ =	shalt  }
0x70: {  	_ =	shalt  }
0x71: {  	_ =	shalt  }
0x72: {  	_ =	shalt  }
0x73: {  	_ =	shalt  }
0x74: {  	_ =	shalt  }
0x75: {  	_ =	shalt  }
0x76: {  	_ =	shalt  }
0x77: {  	_ =	shalt  }
0x78: {  	_ =	shalt  }
0x79: {  	_ =	shalt  }
0x7a: {  	_ =	shalt  }
0x7b: {  	_ =	shalt  }
0x7c: {  	_ =	shalt  }
0x7d: {  	_ =	shalt  }
0x7e: {  	_ =	shalt  }
0x7f: {  	_ =	shalt  }
0x80: {  	_ =	shalt  }
0x81: {  	_ =	shalt  }
0x82: {  	_ =	shalt  }
0x83: {  	_ =	shalt  }
0x84: {  	_ =	shalt  }
0x85: {  	_ =	shalt  }
0x86: {  	_ =	shalt  }
0x87: {  	_ =	shalt  }
.Lfunc_end0:
.L_simem_size_0:
called_computation.1_lowered:
.L_overlay_start_0:
0x88: {  	s2 =	sld [smem:$0x3FD9]  }
0x89: {  	s3 =	sld [smem:$0x3FFE];
	_ =	sdelay $0x1  }
0x8a: {  	s1 =	srdreg.scid  }
0x8b: {  	s0 =	sand.u32 $0x1, s1  }
0x8c: {  	s17 =	sshll.u32 s0, $0xA;
	s2 =	sadd.s32 s3, s2  }
0x8d: {  	s2 =	sadd.s32 s2, s17  }
0x8e: {  	[smem:$0x3FC0] =	sst s2  }
0x8f: {  	_ = 	snop  }
0x90: {  	s18 =	sld [smem:$0x3FC5]  }
0x91: {  	s4 =	sld [smem:$0x3FC4]  }
0x92: {  	s5 =	sld [smem:$0x3FC3]  }
0x93: {  	s6 =	sld [smem:$0x3FC2];
	(tm) =	ssettm $0x1  }
0x94: {  	s19 =	sld [smem:$0x3FFB];
	_ =	sdelay $0x3  }
0x95: {  	_ =	strace s19  }
0x96: {  	s2 =	sld [smem:$0x3FFC];
	_ =	sdelay $0x3  }
0x97: {  	_ =	strace s2  }
0x98: {  	s2 =	sld [smem:$0x3FFD];
	_ =	sdelay $0x3  }
0x99: {  	_ =	strace s2  }
0x9a: {  	_ =	strace $0x8FFFFFFF  }
0x9b: {  	s20 =	sld [smem:$0x3FDB];
	_ =	sdelay $0x1  }
0x9c: {  	s7 =	simm.s32 $_scs_section_size  }
0x9d: {  	s8 =	simm.s32 $_size__tile_overlayer_lowered;
	s9 =	simm.s32 $_tile_overlayer_lowered  }
0x9e: {  	s10 =	simm.s32 $0x1BFF;
	s21 =	sshll.u32 s9, $0x1;
	s7 =	sadd.s32 s7, s20  }
0x9f: {  	s22 =	simm.s32 $0x0;
	s8 =	sshll.u32 s8, $0x1;
	s9 =	sadd.s32 s21, s7  }
0xa0: {  	[timem:s22], [sflag:s10] =	dma.local [hbm:s9], s8  }
0xa1: {  	_ =	swait.ge [sflag:s10], s8  }
0xa2: {  	s8 =	ssub.s32 $0x0, s8;
	[sflag:s10] =	ssyncset.done $0x0  }
0xa3: {  	[sflag:s10] =	ssyncadd.s32 s8;
	_ =	sdelay $0x1  }
0xa4: {  	s23 =	simm.s32 $0x1B8B  }
0xa5: {  	_ =	swait.ge [sflag:s23], $0x1  }
0xa6: {  	[sflag:s23] =	ssyncset.done $0x0  }
0xa7: {  	[sflag:s23] =	ssyncadd.s32 $0xFFFFFFFF  }
0xa8: {  	s8 =	sld [smem:$0x0]  }
0xa9: {  	s9 =	sand.u32 $0xFFFFFFFE, s1  }
0xaa: {  	p0 =	sne.s32 s1, s9  }
0xab: {  	s9 =	sshll.u32 @p0 s9, $0xE  }
0xac: {  	s9 =	sadd.s32 @p0 $0x11B8D, s9;
	s10 =	sshll.u32 @p0 s8, $0x11  }
0xad: {  	s9 =	sor.u32 @p0 s10, s9  }
0xae: {  	[sflag:s9] =	ssyncadd.remote.s32 @p0 $0x1;
	_ =	sdelay $0x1  }
0xaf: {  	s9 =	simm.s32 @p0 $0x1B8D  }
0xb0: {  	_ =	swait.eq @p0 [sflag:s9], $0x1  }
0xb1: {  	[sflag:s9] =	ssyncadd.s32 @p0 $0xFFFFFFFF  }
0xb2: {  	s10 =	sshll.u32 @!p0 s1, $0xE  }
0xb3: {  	s10 =	sor.u32 @!p0 $0x4000, s10;
	s9 =	simm.s32 @!p0 $0x1B8D  }
0xb4: {  	s8 =	sshll.u32 @!p0 s8, $0x11;
	s10 =	sadd.s32 @!p0 $0x11B8D, s10;
	_ =	swait.eq @!p0 [sflag:s9], $0x1  }
0xb5: {  	s8 =	sor.u32 @!p0 s8, s10;
	[sflag:s9] =	ssyncadd.s32 @!p0 $0xFFFFFFFF  }
0xb6: {  	s25 =	simm.s32 $0x1B8E;
	s24 =	sld [smem:$0x3FFE];
	[sflag:s8] =	ssyncadd.remote.s32 @!p0 $0x1  }
0xb7: {  	s26 =	simm.s32 $execute0_lowered;
	[smem:$0x3FD2] =	sst s25  }
0xb8: {  	s9 =	sshll.u32 s26, $0x1;
	_ =	strace $0x80000049;
	[dreg:$0x1] =	wrdreg $0xFFFFFFFF  }
0xb9: {  	s28 =	simm.s32 $_size_execute0_lowered;
	s7 =	sadd.s32 s7, s9;
	[dreg:$0x0] =	wrdreg $0x0  }
0xba: {  	s9 =	sshll.u32 s28, $0x1;
	[dreg:$0x2] =	wrdreg s7  }
0xbb: {  	[dreg:$0x3] =	wrdreg s9  }
0xbc: {  	[dreg:$0x4] =	wrdreg $0xC0  }
0xbd: {  	_ =	task [dreg:s22], $0x5FFFF  }
0xbe: {  	[dreg:$0x1] =	wrdreg $0xFFFFFFFF  }
0xbf: {  	[dreg:$0x0] =	wrdreg $0x60  }
0xc0: {  	[dreg:$0x2] =	wrdreg s18  }
0xc1: {  	[dreg:$0x3] =	wrdreg s4  }
0xc2: {  	[dreg:$0x4] =	wrdreg s5  }
0xc3: {  	[dreg:$0x5] =	wrdreg s6  }
0xc4: {  	[dreg:$0x6] =	wrdreg s24  }
0xc5: {  	[dreg:$0x7] =	wrdreg $0xA  }
0xc6: {  	_ =	task.clear_ibuf [dreg:s22], $0x8FFFF;
	_ =	strace $0x90000049  }
0xc7: {  	s29 =	simm.s32 $0xA;
	_ =	strace $0x8000004B  }
0xc8: {  	_ =	swait.ge [sflag:s29], $0x1  }
0xc9: {  	[sflag:s29] =	ssyncadd.s32 $0xFFFFFFFF  }
0xca: {  	_ =	strace $0x9000004B  }
0xcb: {  	_ =	sfence  }
0xcc: {  	s30 =	sld [smem:$0x0];
	_ =	sdelay $0x2  }
0xcd: {  	s31 =	sshll.u32 s1, $0xD;
	s1 =	sshrl.u32 s1, $0x2  }
0xce: {  	s4 =	sand.u32 $0x4000, s31;
	s1 =	sadd.s32 s1, s30  }
0xcf: {  	s0 =	sor.u32 s4, s0;
	s1 =	sshll.u32 s1, $0x11  }
0xd0: {  	s0 =	sor.u32 s1, s0  }
0xd1: {  	s0 =	sadd.s32 $0x8F2B, s0  }
0xd2: {  	[sflag:s0] =	ssyncadd.remote.s32 $0x1  }
0xd3: {  	_ =	sfence.sel $0xFFFF  }
0xd4: {  	[dreg:$0x0] =	wrdreg $0xFFFFFFFF;
	(pc) =	sbr.abs _section_cstart, $3  }
0xd5: {  	[dreg:$0x1] =	wrdreg $0xFFFFFFFF  }
0xd6: {  	_ =	task.clear_ibuf [dreg:s22], $0x2FFFF;
	_ =	strace $0x9FFFFFFF  }
0xd7: {  	(tm) =	ssettm $0x7FFFFFFF  }
tec
execute0_lowered:
.L_overlay_start_1:
0x0: {  	(tag) =	ssettag $0x1  }
0x1: {  	s3 =	rddreg [dreg:$0x0]  }
0x2: {  	s7 =	rddreg [dreg:$0x1]  }
0x3: {  	s10 =	rddreg [dreg:$0x2]  }
0x4: {  	s18 =	rddreg [dreg:$0x3];
	s0 =	srdreg.scid  }
0x5: {  	s5 =	stileid.u32;
	s1 =	rddreg [dreg:$0x4];
	s6 =	simm.s32 $0x0  }
0x6: {  	s9 =	simm.s32 $0x1;
	s8 =	simm.s32 $0x1;
	s21 =	simm.s32 $0x3  }
0x7: {  	s24 =	simm.s32 $0x2;
	s0 =	sand.u32 $0x1, s0;
	s2 =	sshll.u32 s5, $0x1  }
0x8: {  	[smem:$0x7FF] =	sst s6;
	s11 =	sadd.s32 $0x100, s3;
	s12 =	sadd.s32 $0x200, s3  }
0x9: {  	s13 =	sadd.s32 $0x100, s7;
	s14 =	sadd.s32 $0x200, s7;
	s15 =	sadd.s32 $0x100, s10  }
0xa: {  	s16 =	sadd.s32 $0x200, s10;
	s17 =	sadd.s32 $0x100, s18;
	s18 =	sadd.s32 $0x200, s18  }
0xb: {  	s2 =	sor.u32 s0, s2;
	p1 =	seq.s32 s0, $0x1;
	s0 =	ssub.s32 $0x2, s0  }
0xc: {  	s4 =	smul.u32 $0x480, s2;
	p0 =	seq.s32 s2, $0x0;
	s30 =	sshrl.u32 s0, $0x1  }
0xd: {  	_ =	strace $0x8000004A;
	p0 =	por !p0, !p1;
	s0 =	ssub.s32 s0, s30  }
0xe: {  	s29 =	sadd.s32 s4, s1;
	p0 =	por !p0, !p0;
	s1 =	sadd.s32 $0xE1E00, s1  }
0xf: {  	s0 =	smax.u32 s0, $0x1;
	[dreg:$0x6] =	wrdreg s1;
	s9 =	simm.s32 @!p0 $0x0  }
0x10: {  	v2 =	vlaneseq.u32;
	s2 =	sadd.s32 $0xD8E00, s29;
	[dreg:$0x8] =	wrdreg s0;
	s1 =	simm.s32 $0x0  }
0x11: {  	vm0 =	vmmov $0xffff;
	v1 =	vshrl.u32 v2, $0x3;
	s31 =	ssub.s32 s5, s9;
	s9 =	simm.s32 $0x120;
	[dreg:$0x7] =	wrdreg s2  }
0x12: {  	v0 =	vand.u32 $0x7, v2;
	v2 =	vor.u32 $0x8, v2;
	v1 =	vmul.u32 $0x8, v1;
	s2 =	simm.s32 $0xE400;
	s9 =	simm.s32 @!p1 $0x0;
	s19 =	smul.u32 $0x6C000, s31  }
.LBB2_1:
0x13: {  	[dreg:$0x9] =	wrdreg s1  }
0x14: {  	s0 =	rddreg [dreg:$0x7]  }
0x15: {  	[tilespmem:s6], [sflag:$0x3] =	stream.linear.gather [hbm4b:s0+s6], $0x2400, $0x38;
	[tilespmem:$0x1A400] =	vst v63  }
0x16: {  	_ =	swait.ge [sflag:s21], $0x2400  }
0x17: {  	[sflag:s21] =	ssyncset.done $0x0  }
0x18: {  	[sflag:s21] =	ssyncadd.s32 $0xFFFFDC00  }
0x19: {  	v3 =	vld [tilespmem:$0x0];
	_ =	sdelay $0x4  }
0x1a: {  	v4 =	vshrl.u32 v3, $0x3  }
0x1b: {  	v4 =	vmul.u32 $0x30, v4  }
0x1c: {  	v3 =	vand.u32 $0x7, v3  }
0x1d: {  	v3 =	vor.u32 v3, v4  }
0x1e: {  	v4 =	vperm.xlane v3, v0;
	_ =	sdelay $0x1  }
0x1f: {  	v4 =	vadd.s32 v1, v4;
	_ =	sdelay $0x3  }
0x20: {  	s5 =	simm.s32 $0x2400;
	s4 =	rddreg [dreg:$0x0];
	v3 =	vperm.xlane v3, v2  }
0x21: {  	[tilespmem:s5], [sflag:$0x1] =	stream.indirect_vreg.gather [hbm4b:s4+s6], $0x80, v4, vm0, $0xb8;
	[tilespmem:$0x1A400] =	vst v63  }
0x22: {  	s7 =	simm.s32 $0x2C00;
	v3 =	vadd.s32 v1, v3  }
0x23: {  	[tilespmem:s7], [sflag:$0x1] =	stream.indirect_vreg.gather [hbm4b:s11+s6], $0x80, v4, vm0, $0xb8;
	[tilespmem:$0x1A400] =	vst v63  }
0x24: {  	s10 =	simm.s32 $0x3400  }
0x25: {  	[tilespmem:s10], [sflag:$0x1] =	stream.indirect_vreg.gather [hbm4b:s12+s6], $0x80, v4, vm0, $0xb8;
	[tilespmem:$0x1A400] =	vst v63  }
0x26: {  	s20 =	simm.s32 $0x3C00  }
0x27: {  	[tilespmem:s20], [sflag:$0x1] =	stream.indirect_vreg.gather [hbm4b:s4+s6], $0x80, v3, vm0, $0xb8;
	[tilespmem:$0x1A400] =	vst v63  }
0x28: {  	s22 =	simm.s32 $0x4400  }
0x29: {  	[tilespmem:s22], [sflag:$0x1] =	stream.indirect_vreg.gather [hbm4b:s11+s6], $0x80, v3, vm0, $0xb8;
	[tilespmem:$0x1A400] =	vst v63  }
0x2a: {  	s23 =	simm.s32 $0x4C00  }
0x2b: {  	[tilespmem:s23], [sflag:$0x1] =	stream.indirect_vreg.gather [hbm4b:s12+s6], $0x80, v3, vm0, $0xb8;
	[tilespmem:$0x1A400] =	vst v63  }
0x2c: {  	v3 =	vld [tilespmem:$0x80];
	_ =	sdelay $0x4  }
0x2d: {  	v61 =	vshrl.u32 v3, $0x3  }
0x2e: {  	v4 =	vmul.u32 $0x30, v61  }
0x2f: {  	v3 =	vand.u32 $0x7, v3  }
0x30: {  	v3 =	vor.u32 v3, v4  }
0x31: {  	v4 =	vperm.xlane v3, v0;
	_ =	sdelay $0x1  }
0x32: {  	v4 =	vadd.s32 v1, v4;
	_ =	sdelay $0x3  }
0x33: {  	s26 =	simm.s32 $0x5400;
	s25 =	rddreg [dreg:$0x1];
	v3 =	vperm.xlane v3, v2  }
0x34: {  	[tilespmem:s26], [sflag:$0x1] =	stream.indirect_vreg.gather [hbm4b:s25+s6], $0x80, v4, vm0, $0xb8;
	[tilespmem:$0x1A400] =	vst v63  }
0x35: {  	s28 =	simm.s32 $0x5C00;
	v3 =	vadd.s32 v1, v3  }
0x36: {  	[tilespmem:s28], [sflag:$0x1] =	stream.indirect_vreg.gather [hbm4b:s13+s6], $0x80, v4, vm0, $0xb8;
	[tilespmem:$0x1A400] =	vst v63  }
0x37: {  	s29 =	simm.s32 $0x6400  }
0x38: {  	[tilespmem:s29], [sflag:$0x1] =	stream.indirect_vreg.gather [hbm4b:s14+s6], $0x80, v4, vm0, $0xb8;
	[tilespmem:$0x1A400] =	vst v63  }
0x39: {  	s30 =	simm.s32 $0x6C00  }
0x3a: {  	[tilespmem:s30], [sflag:$0x1] =	stream.indirect_vreg.gather [hbm4b:s25+s6], $0x80, v3, vm0, $0xb8;
	[tilespmem:$0x1A400] =	vst v63  }
0x3b: {  	s31 =	simm.s32 $0x7400  }
0x3c: {  	[tilespmem:s31], [sflag:$0x1] =	stream.indirect_vreg.gather [hbm4b:s13+s6], $0x80, v3, vm0, $0xb8;
	[tilespmem:$0x1A400] =	vst v63  }
0x3d: {  	s1 =	simm.s32 $0x7C00  }
0x3e: {  	[tilespmem:s1], [sflag:$0x1] =	stream.indirect_vreg.gather [hbm4b:s14+s6], $0x80, v3, vm0, $0xb8;
	[tilespmem:$0x1A400] =	vst v63  }
0x3f: {  	v3 =	vld [tilespmem:$0x100];
	_ =	sdelay $0x4  }
0x40: {  	v62 =	vshrl.u32 v3, $0x3  }
0x41: {  	v4 =	vmul.u32 $0x30, v62  }
0x42: {  	v3 =	vand.u32 $0x7, v3  }
0x43: {  	v3 =	vor.u32 v3, v4  }
0x44: {  	v4 =	vperm.xlane v3, v0;
	_ =	sdelay $0x1  }
0x45: {  	v4 =	vadd.s32 v1, v4;
	_ =	sdelay $0x3  }
0x46: {  	s3 =	rddreg [dreg:$0x2];
	s4 =	simm.s32 $0x8400;
	v3 =	vperm.xlane v3, v2  }
0x47: {  	[tilespmem:s4], [sflag:$0x1] =	stream.indirect_vreg.gather [hbm4b:s3+s6], $0x80, v4, vm0, $0xb8;
	[tilespmem:$0x1A400] =	vst v63  }
0x48: {  	s5 =	simm.s32 $0x8C00;
	v3 =	vadd.s32 v1, v3  }
0x49: {  	[tilespmem:s5], [sflag:$0x1] =	stream.indirect_vreg.gather [hbm4b:s15+s6], $0x80, v4, vm0, $0xb8;
	[tilespmem:$0x1A400] =	vst v63  }
0x4a: {  	s7 =	simm.s32 $0x9400  }
0x4b: {  	[tilespmem:s7], [sflag:$0x1] =	stream.indirect_vreg.gather [hbm4b:s16+s6], $0x80, v4, vm0, $0xb8;
	[tilespmem:$0x1A400] =	vst v63  }
0x4c: {  	s10 =	simm.s32 $0x9C00  }
0x4d: {  	[tilespmem:s10], [sflag:$0x1] =	stream.indirect_vreg.gather [hbm4b:s3+s6], $0x80, v3, vm0, $0xb8;
	[tilespmem:$0x1A400] =	vst v63  }
0x4e: {  	s20 =	simm.s32 $0xA400  }
0x4f: {  	[tilespmem:s20], [sflag:$0x1] =	stream.indirect_vreg.gather [hbm4b:s15+s6], $0x80, v3, vm0, $0xb8;
	[tilespmem:$0x1A400] =	vst v63  }
0x50: {  	s22 =	simm.s32 $0xAC00  }
0x51: {  	[tilespmem:s22], [sflag:$0x1] =	stream.indirect_vreg.gather [hbm4b:s16+s6], $0x80, v3, vm0, $0xb8;
	[tilespmem:$0x1A400] =	vst v63  }
0x52: {  	v3 =	vld [tilespmem:$0x180];
	_ =	sdelay $0x4  }
0x53: {  	v63 =	vshrl.u32 v3, $0x3  }
0x54: {  	v4 =	vmul.u32 $0x30, v63  }
0x55: {  	v3 =	vand.u32 $0x7, v3  }
0x56: {  	v3 =	vor.u32 v3, v4  }
0x57: {  	v4 =	vperm.xlane v3, v0;
	_ =	sdelay $0x1  }
0x58: {  	v4 =	vadd.s32 v1, v4;
	_ =	sdelay $0x3  }
0x59: {  	s23 =	rddreg [dreg:$0x3];
	s25 =	simm.s32 $0xB400;
	v3 =	vperm.xlane v3, v2  }
0x5a: {  	[tilespmem:s25], [sflag:$0x1] =	stream.indirect_vreg.gather [hbm4b:s23+s6], $0x80, v4, vm0, $0xb8;
	[tilespmem:$0x1A400] =	vst v63  }
0x5b: {  	s26 =	simm.s32 $0xBC00;
	v3 =	vadd.s32 v1, v3  }
0x5c: {  	[tilespmem:s26], [sflag:$0x1] =	stream.indirect_vreg.gather [hbm4b:s17+s6], $0x80, v4, vm0, $0xb8;
	[tilespmem:$0x1A400] =	vst v63  }
0x5d: {  	s28 =	simm.s32 $0xC400  }
0x5e: {  	[tilespmem:s28], [sflag:$0x1] =	stream.indirect_vreg.gather [hbm4b:s18+s6], $0x80, v4, vm0, $0xb8;
	[tilespmem:$0x1A400] =	vst v63  }
0x5f: {  	s29 =	simm.s32 $0xCC00  }
0x60: {  	[tilespmem:s29], [sflag:$0x1] =	stream.indirect_vreg.gather [hbm4b:s23+s6], $0x80, v3, vm0, $0xb8;
	[tilespmem:$0x1A400] =	vst v63  }
0x61: {  	s30 =	simm.s32 $0xD400  }
0x62: {  	[tilespmem:s30], [sflag:$0x1] =	stream.indirect_vreg.gather [hbm4b:s17+s6], $0x80, v3, vm0, $0xb8;
	[tilespmem:$0x1A400] =	vst v63  }
0x63: {  	s31 =	simm.s32 $0xDC00;
	s25 =	simm.s32 $0x0  }
0x64: {  	[tilespmem:s31], [sflag:$0x1] =	stream.indirect_vreg.gather [hbm4b:s18+s6], $0x80, v3, vm0, $0xb8;
	[tilespmem:$0x1A400] =	vst v63  }
.LBB2_2:
0x65: {  	s26 =	sshllo.u32 s25, $0x1  }
0x66: {  	s0 =	sshll.u32 s26, $0x9  }
0x67: {  	s0 =	sand.u32 $0x3FFFFE00, s0  }
0x68: {  	v3 =	vld [tilespmem:s0+$0x0];
	_ =	sdelay $0x4  }
0x69: {  	v4 =	vshrl.u32 v3, $0x3  }
0x6a: {  	v4 =	vmul.u32 $0x30, v4  }
0x6b: {  	v3 =	vand.u32 $0x7, v3  }
0x6c: {  	v3 =	vor.u32 v3, v4  }
0x6d: {  	v4 =	vperm.xlane v3, v0;
	_ =	sdelay $0x1  }
0x6e: {  	v4 =	vadd.s32 v1, v4;
	_ =	sdelay $0x3  }
0x6f: {  	s28 =	simm.s32 $0x0;
	s1 =	rddreg [dreg:$0x0];
	v3 =	vperm.xlane v3, v2  }
0x70: {  	[tilespmem:s2], [sflag:$0x2] =	stream.indirect_vreg.gather [hbm4b:s1+s28], $0x80, v4, vm0, $0xb8;
	[tilespmem:$0x1A400] =	vst v63  }
0x71: {  	s10 =	simm.s32 $0xEC00;
	v3 =	vadd.s32 v1, v3  }
0x72: {  	[tilespmem:s10], [sflag:$0x2] =	stream.indirect_vreg.gather [hbm4b:s11+s28], $0x80, v4, vm0, $0xb8;
	[tilespmem:$0x1A400] =	vst v63  }
0x73: {  	s20 =	simm.s32 $0xF400  }
0x74: {  	[tilespmem:s20], [sflag:$0x2] =	stream.indirect_vreg.gather [hbm4b:s12+s28], $0x80, v4, vm0, $0xb8;
	[tilespmem:$0x1A400] =	vst v63  }
0x75: {  	s22 =	simm.s32 $0xFC00  }
0x76: {  	[tilespmem:s22], [sflag:$0x2] =	stream.indirect_vreg.gather [hbm4b:s1+s28], $0x80, v3, vm0, $0xb8;
	[tilespmem:$0x1A400] =	vst v63  }
0x77: {  	s23 =	simm.s32 $0x10400  }
0x78: {  	[tilespmem:s23], [sflag:$0x2] =	stream.indirect_vreg.gather [hbm4b:s11+s28], $0x80, v3, vm0, $0xb8;
	[tilespmem:$0x1A400] =	vst v63  }
0x79: {  	s30 =	simm.s32 $0x10C00  }
0x7a: {  	[tilespmem:s30], [sflag:$0x2] =	stream.indirect_vreg.gather [hbm4b:s12+s28], $0x80, v3, vm0, $0xb8;
	[tilespmem:$0x1A400] =	vst v63  }
0x7b: {  	v3 =	vld [tilespmem:s0+$0x80];
	_ =	sdelay $0x4  }
0x7c: {  	v61 =	vshrl.u32 v3, $0x3  }
0x7d: {  	v4 =	vmul.u32 $0x30, v61  }
0x7e: {  	v3 =	vand.u32 $0x7, v3  }
0x7f: {  	v3 =	vor.u32 v3, v4  }
0x80: {  	v4 =	vperm.xlane v3, v0;
	_ =	sdelay $0x1  }
0x81: {  	v4 =	vadd.s32 v1, v4;
	_ =	sdelay $0x3  }
0x82: {  	s31 =	rddreg [dreg:$0x1];
	s3 =	simm.s32 $0x11400;
	v3 =	vperm.xlane v3, v2  }
0x83: {  	[tilespmem:s3], [sflag:$0x2] =	stream.indirect_vreg.gather [hbm4b:s31+s28], $0x80, v4, vm0, $0xb8;
	[tilespmem:$0x1A400] =	vst v63  }
0x84: {  	s4 =	simm.s32 $0x11C00;
	v3 =	vadd.s32 v1, v3  }
0x85: {  	[tilespmem:s4], [sflag:$0x2] =	stream.indirect_vreg.gather [hbm4b:s13+s28], $0x80, v4, vm0, $0xb8;
	[tilespmem:$0x1A400] =	vst v63  }
0x86: {  	s5 =	simm.s32 $0x12400  }
0x87: {  	[tilespmem:s5], [sflag:$0x2] =	stream.indirect_vreg.gather [hbm4b:s14+s28], $0x80, v4, vm0, $0xb8;
	[tilespmem:$0x1A400] =	vst v63  }
0x88: {  	s7 =	simm.s32 $0x12C00  }
0x89: {  	[tilespmem:s7], [sflag:$0x2] =	stream.indirect_vreg.gather [hbm4b:s31+s28], $0x80, v3, vm0, $0xb8;
	[tilespmem:$0x1A400] =	vst v63  }
0x8a: {  	s10 =	simm.s32 $0x13400  }
0x8b: {  	[tilespmem:s10], [sflag:$0x2] =	stream.indirect_vreg.gather [hbm4b:s13+s28], $0x80, v3, vm0, $0xb8;
	[tilespmem:$0x1A400] =	vst v63  }
0x8c: {  	s20 =	simm.s32 $0x13C00  }
0x8d: {  	[tilespmem:s20], [sflag:$0x2] =	stream.indirect_vreg.gather [hbm4b:s14+s28], $0x80, v3, vm0, $0xb8;
	[tilespmem:$0x1A400] =	vst v63  }
0x8e: {  	v3 =	vld [tilespmem:s0+$0x100];
	_ =	sdelay $0x4  }
0x8f: {  	v62 =	vshrl.u32 v3, $0x3  }
0x90: {  	v4 =	vmul.u32 $0x30, v62  }
0x91: {  	v3 =	vand.u32 $0x7, v3  }
0x92: {  	v3 =	vor.u32 v3, v4  }
0x93: {  	v4 =	vperm.xlane v3, v0;
	_ =	sdelay $0x1  }
0x94: {  	v4 =	vadd.s32 v1, v4;
	_ =	sdelay $0x3  }
0x95: {  	s22 =	rddreg [dreg:$0x2];
	s23 =	simm.s32 $0x14400;
	v3 =	vperm.xlane v3, v2  }
0x96: {  	[tilespmem:s23], [sflag:$0x2] =	stream.indirect_vreg.gather [hbm4b:s22+s28], $0x80, v4, vm0, $0xb8;
	[tilespmem:$0x1A400] =	vst v63  }
0x97: {  	s30 =	simm.s32 $0x14C00;
	v3 =	vadd.s32 v1, v3  }
0x98: {  	[tilespmem:s30], [sflag:$0x2] =	stream.indirect_vreg.gather [hbm4b:s15+s28], $0x80, v4, vm0, $0xb8;
	[tilespmem:$0x1A400] =	vst v63  }
0x99: {  	s31 =	simm.s32 $0x15400  }
0x9a: {  	[tilespmem:s31], [sflag:$0x2] =	stream.indirect_vreg.gather [hbm4b:s16+s28], $0x80, v4, vm0, $0xb8;
	[tilespmem:$0x1A400] =	vst v63  }
0x9b: {  	s3 =	simm.s32 $0x15C00  }
0x9c: {  	[tilespmem:s3], [sflag:$0x2] =	stream.indirect_vreg.gather [hbm4b:s22+s28], $0x80, v3, vm0, $0xb8;
	[tilespmem:$0x1A400] =	vst v63  }
0x9d: {  	s4 =	simm.s32 $0x16400  }
0x9e: {  	[tilespmem:s4], [sflag:$0x2] =	stream.indirect_vreg.gather [hbm4b:s15+s28], $0x80, v3, vm0, $0xb8;
	[tilespmem:$0x1A400] =	vst v63  }
0x9f: {  	s5 =	simm.s32 $0x16C00  }
0xa0: {  	[tilespmem:s5], [sflag:$0x2] =	stream.indirect_vreg.gather [hbm4b:s16+s28], $0x80, v3, vm0, $0xb8;
	[tilespmem:$0x1A400] =	vst v63  }
0xa1: {  	v3 =	vld [tilespmem:s0+$0x180];
	_ =	sdelay $0x4  }
0xa2: {  	v63 =	vshrl.u32 v3, $0x3  }
0xa3: {  	v4 =	vmul.u32 $0x30, v63  }
0xa4: {  	v3 =	vand.u32 $0x7, v3  }
0xa5: {  	v3 =	vor.u32 v3, v4  }
0xa6: {  	v4 =	vperm.xlane v3, v0;
	_ =	sdelay $0x1  }
0xa7: {  	v4 =	vadd.s32 v1, v4;
	_ =	sdelay $0x3  }
0xa8: {  	s7 =	rddreg [dreg:$0x3];
	s10 =	simm.s32 $0x17400;
	v3 =	vperm.xlane v3, v2  }
0xa9: {  	[tilespmem:s10], [sflag:$0x2] =	stream.indirect_vreg.gather [hbm4b:s7+s28], $0x80, v4, vm0, $0xb8;
	[tilespmem:$0x1A400] =	vst v63  }
0xaa: {  	s20 =	simm.s32 $0x17C00;
	v3 =	vadd.s32 v1, v3  }
0xab: {  	[tilespmem:s20], [sflag:$0x2] =	stream.indirect_vreg.gather [hbm4b:s17+s28], $0x80, v4, vm0, $0xb8;
	[tilespmem:$0x1A400] =	vst v63  }
0xac: {  	s22 =	simm.s32 $0x18400  }
0xad: {  	[tilespmem:s22], [sflag:$0x2] =	stream.indirect_vreg.gather [hbm4b:s18+s28], $0x80, v4, vm0, $0xb8;
	[tilespmem:$0x1A400] =	vst v63  }
0xae: {  	s23 =	simm.s32 $0x18C00  }
0xaf: {  	[tilespmem:s23], [sflag:$0x2] =	stream.indirect_vreg.gather [hbm4b:s7+s28], $0x80, v3, vm0, $0xb8;
	[tilespmem:$0x1A400] =	vst v63  }
0xb0: {  	s30 =	simm.s32 $0x19400  }
0xb1: {  	[tilespmem:s30], [sflag:$0x2] =	stream.indirect_vreg.gather [hbm4b:s17+s28], $0x80, v3, vm0, $0xb8;
	[tilespmem:$0x1A400] =	vst v63  }
0xb2: {  	s31 =	simm.s32 $0x19C00  }
0xb3: {  	[tilespmem:s31], [sflag:$0x2] =	stream.indirect_vreg.gather [hbm4b:s18+s28], $0x80, v3, vm0, $0xb8;
	[tilespmem:$0x1A400] =	vst v63  }
0xb4: {  	_ =	swait.ge [sflag:s8], $0x3000  }
0xb5: {  	[sflag:s8] =	ssyncset.done $0x0  }
0xb6: {  	[sflag:s8] =	ssyncadd.s32 $0xFFFFD000  }
0xb7: {  	_ =	swait.ge [sflag:s8], $0x3000  }
0xb8: {  	[sflag:s8] =	ssyncset.done $0x0  }
0xb9: {  	[sflag:s8] =	ssyncadd.s32 $0xFFFFD000  }
0xba: {  	_ =	swait.ge [sflag:s8], $0x3000  }
0xbb: {  	[sflag:s8] =	ssyncset.done $0x0  }
0xbc: {  	[sflag:s8] =	ssyncadd.s32 $0xFFFFD000  }
0xbd: {  	_ =	swait.ge [sflag:s8], $0x3000  }
0xbe: {  	[sflag:s8] =	ssyncset.done $0x0  }
0xbf: {  	s29 =	simm.s32 $0x0;
	[sflag:s8] =	ssyncadd.s32 $0xFFFFD000  }
.LBB2_3:
0xc0: {  	s0 =	sshrl.u32 s29, $0x3  }
0xc1: {  	s20 =	sshll.u32 s29, $0x7;
	s30 =	smul.u32 $0x1800, s0  }
0xc2: {  	s22 =	sand.u32 $0x40, s28;
	s1 =	sand.u32 $0x1C00, s28;
	s31 =	sand.u32 $0x380, s20  }
0xc3: {  	s23 =	sor.u32 s31, s22;
	s2 =	sadd.s32 s30, s1  }
0xc4: {  	s1 =	sor.u32 s2, s23  }
0xc5: {  	v3 =	vld [tilespmem:s1+$0x2400]  }
0xc6: {  	v4 =	vld [tilespmem:s1+$0x5400];
	_ =	sdelay $0x1  }
0xc7: {  	v5 =	vld [tilespmem:s1+$0x8400];
	_ =	sdelay $0x1  }
0xc8: {  	v6 =	vld [tilespmem:s1+$0xB400]  }
0xc9: {  	v3 =	vadd.f32 v4, v3;
	_ =	sdelay $0x1  }
0xca: {  	v3 =	vadd.f32 v5, v3;
	_ =	sdelay $0x1  }
0xcb: {  	s4 =	sor.u32 $0x10, s31;
	v3 =	vadd.f32 v6, v3  }
0xcc: {  	s10 =	sor.u32 s4, s22  }
0xcd: {  	s10 =	sor.u32 s2, s10;
	[tilespmem:s1+$0x2400] =	vst v3  }
0xce: {  	v3 =	vld [tilespmem:s10+$0x2400]  }
0xcf: {  	v4 =	vld [tilespmem:s10+$0x5400];
	_ =	sdelay $0x1  }
0xd0: {  	v5 =	vld [tilespmem:s10+$0x8400];
	_ =	sdelay $0x1  }
0xd1: {  	v6 =	vld [tilespmem:s10+$0xB400]  }
0xd2: {  	v3 =	vadd.f32 v4, v3;
	_ =	sdelay $0x1  }
0xd3: {  	v3 =	vadd.f32 v5, v3;
	_ =	sdelay $0x1  }
0xd4: {  	s1 =	sor.u32 $0x20, s31;
	v3 =	vadd.f32 v6, v3  }
0xd5: {  	s20 =	sor.u32 s1, s22  }
0xd6: {  	s20 =	sor.u32 s2, s20;
	[tilespmem:s10+$0x2400] =	vst v3  }
0xd7: {  	v3 =	vld [tilespmem:s20+$0x2400]  }
0xd8: {  	v4 =	vld [tilespmem:s20+$0x5400];
	_ =	sdelay $0x1  }
0xd9: {  	v5 =	vld [tilespmem:s20+$0x8400];
	_ =	sdelay $0x1  }
0xda: {  	v6 =	vld [tilespmem:s20+$0xB400]  }
0xdb: {  	v3 =	vadd.f32 v4, v3;
	_ =	sdelay $0x1  }
0xdc: {  	v3 =	vadd.f32 v5, v3;
	_ =	sdelay $0x1  }
0xdd: {  	s10 =	sor.u32 $0x30, s31;
	v3 =	vadd.f32 v6, v3  }
0xde: {  	s0 =	sor.u32 s10, s22  }
0xdf: {  	s2 =	sor.u32 s2, s0;
	[tilespmem:s20+$0x2400] =	vst v3  }
0xe0: {  	v5 =	vld [tilespmem:s2+$0x2400]  }
0xe1: {  	v6 =	vld [tilespmem:s2+$0x5400];
	_ =	sdelay $0x2  }
0xe2: {  	v4 =	vld [tilespmem:s2+$0x8400];
	_ =	sdelay $0x1  }
0xe3: {  	s23 =	simm.s32 $0x40;
	s22 =	simm.s32 $0x0;
	v3 =	vld [tilespmem:s2+$0xB400];
	v5 =	vadd.f32 v6, v5  }
.LBB2_4:
0xe4: {  	p0 =	sne.s32 s23, $0x2C0  }
0xe5: {  	s22 =	sadd.s32 $0x200, s22;
	s0 =	smov.u32 s23;
	s23 =	sadd.s32 $0x40, s23  }
0xe6: {  	v4 =	vadd.f32 v4, v5  }
0xe7: {  	s0 =	sand.u32 $0x40, s0;
	s20 =	sand.u32 $0x1C00, s22  }
0xe8: {  	s20 =	sadd.s32 s30, s20;
	s3 =	sor.u32 s31, s0;
	s5 =	sor.u32 s4, s0;
	v3 =	vadd.f32 v3, v4  }
0xe9: {  	s7 =	sor.u32 s1, s0;
	s0 =	sor.u32 s10, s0;
	s3 =	sor.u32 s20, s3  }
0xea: {  	[tilespmem:s2+$0x2400] =	vst v3  }
0xeb: {  	v3 =	vld [tilespmem:s3+$0x2400]  }
0xec: {  	v4 =	vld [tilespmem:s3+$0x5400];
	_ =	sdelay $0x1  }
0xed: {  	v5 =	vld [tilespmem:s3+$0x8400];
	_ =	sdelay $0x1  }
0xee: {  	v6 =	vld [tilespmem:s3+$0xB400]  }
0xef: {  	v3 =	vadd.f32 v4, v3;
	_ =	sdelay $0x1  }
0xf0: {  	v3 =	vadd.f32 v5, v3;
	_ =	sdelay $0x1  }
0xf1: {  	v3 =	vadd.f32 v6, v3;
	_ =	sdelay $0x1  }
0xf2: {  	s2 =	sor.u32 s20, s5;
	[tilespmem:s3+$0x2400] =	vst v3  }
0xf3: {  	v3 =	vld [tilespmem:s2+$0x2400]  }
0xf4: {  	v4 =	vld [tilespmem:s2+$0x5400];
	_ =	sdelay $0x1  }
0xf5: {  	v5 =	vld [tilespmem:s2+$0x8400];
	_ =	sdelay $0x1  }
0xf6: {  	v6 =	vld [tilespmem:s2+$0xB400]  }
0xf7: {  	v3 =	vadd.f32 v4, v3;
	_ =	sdelay $0x1  }
0xf8: {  	v3 =	vadd.f32 v5, v3;
	_ =	sdelay $0x1  }
0xf9: {  	v3 =	vadd.f32 v6, v3;
	_ =	sdelay $0x1  }
0xfa: {  	[tilespmem:s2+$0x2400] =	vst v3;
	s2 =	sor.u32 s20, s7  }
0xfb: {  	v3 =	vld [tilespmem:s2+$0x2400]  }
0xfc: {  	v4 =	vld [tilespmem:s2+$0x5400];
	_ =	sdelay $0x1  }
0xfd: {  	v5 =	vld [tilespmem:s2+$0x8400];
	_ =	sdelay $0x1  }
0xfe: {  	v6 =	vld [tilespmem:s2+$0xB400]  }
0xff: {  	v3 =	vadd.f32 v4, v3;
	_ =	sdelay $0x1  }
0x100: {  	v3 =	vadd.f32 v5, v3;
	_ =	sdelay $0x1  }
0x101: {  	v3 =	vadd.f32 v6, v3;
	_ =	sdelay $0x1  }
0x102: {  	[tilespmem:s2+$0x2400] =	vst v3;
	s2 =	sor.u32 s20, s0  }
0x103: {  	v5 =	vld [tilespmem:s2+$0x2400]  }
0x104: {  	v6 =	vld [tilespmem:s2+$0x5400]  }
.Ltmp0:
0x105: {  	v4 =	vld [tilespmem:s2+$0x8400];
	(pc) =	sbr.rel @p0 .LBB2_4-.Ltmp0, $2  }
0x106: {  	v3 =	vld [tilespmem:s2+$0xB400];
	_ =	sdelay $0x2  }
0x107: {  	v5 =	vadd.f32 v6, v5  }
0x108: {  	s29 =	sadd.s32 $0x1, s29  }
0x109: {  	p0 =	sne.s32 s29, $0x10  }
.Ltmp1:
0x10a: {  	v4 =	vadd.f32 v4, v5;
	(pc) =	sbr.rel @p0 .LBB2_3-.Ltmp1, $3  }
0x10b: {  	_ = 	snop  }
0x10c: {  	v3 =	vadd.f32 v3, v4;
	_ =	sdelay $0x1  }
0x10d: {  	[tilespmem:s2+$0x2400] =	vst v3  }
0x10e: {  	s0 =	sshll.u32 s25, $0x5  }
0x10f: {  	s0 =	sadd.s32 s9, s0  }
0x110: {  	s0 =	sshrl.u32 s0, $0x3  }
0x111: {  	s0 =	smul.u32 $0x1800, s0;
	_ =	sdelay $0x1  }
0x112: {  	s0 =	sadd.s32 s19, s0  }
0x113: {  	s1 =	rddreg [dreg:$0x6];
	p0 =	seq.s32 s25, $0x8;
	s0 =	sshrl.u32 s0, $0x3  }
.Ltmp2:
0x114: {  	s31 =	simm.s32 $0x2400;
	s0 =	sadd.s32 s1, s0;
	(pc) =	sbr.rel @p0 .LBB2_8-.Ltmp2, $4  }
0x115: {  	[hbm4b:s0+s6] =	stream.linear.scatter [tilespmem:s31], [sflag:$0x3], $0x3000, $0x38;
	[tilespmem:$0x1A400] =	vst v63  }
0x116: {  	_ =	swait.ge [sflag:s21], $0x3000  }
0x117: {  	[sflag:s21] =	ssyncset.done $0x0  }
0x118: {  	[sflag:s21] =	ssyncadd.s32 $0xFFFFD000  }
0x119: {  	s0 =	sshll.u32 s25, $0xA  }
0x11a: {  	s0 =	sand.u32 $0x3FFFFC00, s0  }
0x11b: {  	v3 =	vld [tilespmem:s0+$0x400];
	_ =	sdelay $0x4  }
0x11c: {  	v4 =	vshrl.u32 v3, $0x3  }
0x11d: {  	v4 =	vmul.u32 $0x30, v4  }
0x11e: {  	v3 =	vand.u32 $0x7, v3  }
0x11f: {  	v3 =	vor.u32 v3, v4  }
0x120: {  	v4 =	vperm.xlane v3, v0;
	_ =	sdelay $0x1  }
0x121: {  	v4 =	vadd.s32 v1, v4;
	_ =	sdelay $0x3  }
0x122: {  	s1 =	rddreg [dreg:$0x0];
	s2 =	simm.s32 $0x2400;
	v3 =	vperm.xlane v3, v2  }
0x123: {  	[tilespmem:s2], [sflag:$0x1] =	stream.indirect_vreg.gather [hbm4b:s1+s6], $0x80, v4, vm0, $0xb8;
	[tilespmem:$0x1A400] =	vst v63  }
0x124: {  	s30 =	simm.s32 $0x2C00;
	v3 =	vadd.s32 v1, v3  }
0x125: {  	[tilespmem:s30], [sflag:$0x1] =	stream.indirect_vreg.gather [hbm4b:s11+s6], $0x80, v4, vm0, $0xb8;
	[tilespmem:$0x1A400] =	vst v63  }
0x126: {  	s31 =	simm.s32 $0x3400  }
0x127: {  	[tilespmem:s31], [sflag:$0x1] =	stream.indirect_vreg.gather [hbm4b:s12+s6], $0x80, v4, vm0, $0xb8;
	[tilespmem:$0x1A400] =	vst v63  }
0x128: {  	s3 =	simm.s32 $0x3C00  }
0x129: {  	[tilespmem:s3], [sflag:$0x1] =	stream.indirect_vreg.gather [hbm4b:s1+s6], $0x80, v3, vm0, $0xb8;
	[tilespmem:$0x1A400] =	vst v63  }
0x12a: {  	s4 =	simm.s32 $0x4400  }
0x12b: {  	[tilespmem:s4], [sflag:$0x1] =	stream.indirect_vreg.gather [hbm4b:s11+s6], $0x80, v3, vm0, $0xb8;
	[tilespmem:$0x1A400] =	vst v63  }
0x12c: {  	s5 =	simm.s32 $0x4C00  }
0x12d: {  	[tilespmem:s5], [sflag:$0x1] =	stream.indirect_vreg.gather [hbm4b:s12+s6], $0x80, v3, vm0, $0xb8;
	[tilespmem:$0x1A400] =	vst v63  }
0x12e: {  	v3 =	vld [tilespmem:s0+$0x480];
	_ =	sdelay $0x4  }
0x12f: {  	v61 =	vshrl.u32 v3, $0x3  }
0x130: {  	v4 =	vmul.u32 $0x30, v61  }
0x131: {  	v3 =	vand.u32 $0x7, v3  }
0x132: {  	v3 =	vor.u32 v3, v4  }
0x133: {  	v4 =	vperm.xlane v3, v0;
	_ =	sdelay $0x1  }
0x134: {  	v4 =	vadd.s32 v1, v4;
	_ =	sdelay $0x3  }
0x135: {  	s7 =	rddreg [dreg:$0x1];
	s10 =	simm.s32 $0x5400;
	v3 =	vperm.xlane v3, v2  }
0x136: {  	[tilespmem:s10], [sflag:$0x1] =	stream.indirect_vreg.gather [hbm4b:s7+s6], $0x80, v4, vm0, $0xb8;
	[tilespmem:$0x1A400] =	vst v63  }
0x137: {  	s20 =	simm.s32 $0x5C00;
	v3 =	vadd.s32 v1, v3  }
0x138: {  	[tilespmem:s20], [sflag:$0x1] =	stream.indirect_vreg.gather [hbm4b:s13+s6], $0x80, v4, vm0, $0xb8;
	[tilespmem:$0x1A400] =	vst v63  }
0x139: {  	s22 =	simm.s32 $0x6400  }
0x13a: {  	[tilespmem:s22], [sflag:$0x1] =	stream.indirect_vreg.gather [hbm4b:s14+s6], $0x80, v4, vm0, $0xb8;
	[tilespmem:$0x1A400] =	vst v63  }
0x13b: {  	s23 =	simm.s32 $0x6C00  }
0x13c: {  	[tilespmem:s23], [sflag:$0x1] =	stream.indirect_vreg.gather [hbm4b:s7+s6], $0x80, v3, vm0, $0xb8;
	[tilespmem:$0x1A400] =	vst v63  }
0x13d: {  	s28 =	simm.s32 $0x7400  }
0x13e: {  	[tilespmem:s28], [sflag:$0x1] =	stream.indirect_vreg.gather [hbm4b:s13+s6], $0x80, v3, vm0, $0xb8;
	[tilespmem:$0x1A400] =	vst v63  }
0x13f: {  	s29 =	simm.s32 $0x7C00  }
0x140: {  	[tilespmem:s29], [sflag:$0x1] =	stream.indirect_vreg.gather [hbm4b:s14+s6], $0x80, v3, vm0, $0xb8;
	[tilespmem:$0x1A400] =	vst v63  }
0x141: {  	v3 =	vld [tilespmem:s0+$0x500];
	_ =	sdelay $0x4  }
0x142: {  	v62 =	vshrl.u32 v3, $0x3  }
0x143: {  	v4 =	vmul.u32 $0x30, v62  }
0x144: {  	v3 =	vand.u32 $0x7, v3  }
0x145: {  	v3 =	vor.u32 v3, v4  }
0x146: {  	v4 =	vperm.xlane v3, v0;
	_ =	sdelay $0x1  }
0x147: {  	v4 =	vadd.s32 v1, v4;
	_ =	sdelay $0x3  }
0x148: {  	s30 =	rddreg [dreg:$0x2];
	s31 =	simm.s32 $0x8400;
	v3 =	vperm.xlane v3, v2  }
0x149: {  	[tilespmem:s31], [sflag:$0x1] =	stream.indirect_vreg.gather [hbm4b:s30+s6], $0x80, v4, vm0, $0xb8;
	[tilespmem:$0x1A400] =	vst v63  }
0x14a: {  	s3 =	simm.s32 $0x8C00;
	v3 =	vadd.s32 v1, v3  }
0x14b: {  	[tilespmem:s3], [sflag:$0x1] =	stream.indirect_vreg.gather [hbm4b:s15+s6], $0x80, v4, vm0, $0xb8;
	[tilespmem:$0x1A400] =	vst v63  }
0x14c: {  	s4 =	simm.s32 $0x9400  }
0x14d: {  	[tilespmem:s4], [sflag:$0x1] =	stream.indirect_vreg.gather [hbm4b:s16+s6], $0x80, v4, vm0, $0xb8;
	[tilespmem:$0x1A400] =	vst v63  }
0x14e: {  	s5 =	simm.s32 $0x9C00  }
0x14f: {  	[tilespmem:s5], [sflag:$0x1] =	stream.indirect_vreg.gather [hbm4b:s30+s6], $0x80, v3, vm0, $0xb8;
	[tilespmem:$0x1A400] =	vst v63  }
0x150: {  	s7 =	simm.s32 $0xA400  }
0x151: {  	[tilespmem:s7], [sflag:$0x1] =	stream.indirect_vreg.gather [hbm4b:s15+s6], $0x80, v3, vm0, $0xb8;
	[tilespmem:$0x1A400] =	vst v63  }
0x152: {  	s10 =	simm.s32 $0xAC00  }
0x153: {  	[tilespmem:s10], [sflag:$0x1] =	stream.indirect_vreg.gather [hbm4b:s16+s6], $0x80, v3, vm0, $0xb8;
	[tilespmem:$0x1A400] =	vst v63  }
0x154: {  	v3 =	vld [tilespmem:s0+$0x580];
	_ =	sdelay $0x4  }
0x155: {  	v63 =	vshrl.u32 v3, $0x3  }
0x156: {  	v4 =	vmul.u32 $0x30, v63  }
0x157: {  	v3 =	vand.u32 $0x7, v3  }
0x158: {  	v3 =	vor.u32 v3, v4  }
0x159: {  	v4 =	vperm.xlane v3, v0;
	_ =	sdelay $0x1  }
0x15a: {  	v4 =	vadd.s32 v1, v4;
	_ =	sdelay $0x3  }
0x15b: {  	s20 =	rddreg [dreg:$0x3];
	s22 =	simm.s32 $0xB400;
	v3 =	vperm.xlane v3, v2  }
0x15c: {  	[tilespmem:s22], [sflag:$0x1] =	stream.indirect_vreg.gather [hbm4b:s20+s6], $0x80, v4, vm0, $0xb8;
	[tilespmem:$0x1A400] =	vst v63  }
0x15d: {  	s23 =	simm.s32 $0xBC00;
	v3 =	vadd.s32 v1, v3  }
0x15e: {  	[tilespmem:s23], [sflag:$0x1] =	stream.indirect_vreg.gather [hbm4b:s17+s6], $0x80, v4, vm0, $0xb8;
	[tilespmem:$0x1A400] =	vst v63  }
0x15f: {  	s28 =	simm.s32 $0xC400  }
0x160: {  	[tilespmem:s28], [sflag:$0x1] =	stream.indirect_vreg.gather [hbm4b:s18+s6], $0x80, v4, vm0, $0xb8;
	[tilespmem:$0x1A400] =	vst v63  }
0x161: {  	s29 =	simm.s32 $0xCC00  }
0x162: {  	[tilespmem:s29], [sflag:$0x1] =	stream.indirect_vreg.gather [hbm4b:s20+s6], $0x80, v3, vm0, $0xb8;
	[tilespmem:$0x1A400] =	vst v63  }
0x163: {  	s30 =	simm.s32 $0xD400  }
0x164: {  	[tilespmem:s30], [sflag:$0x1] =	stream.indirect_vreg.gather [hbm4b:s17+s6], $0x80, v3, vm0, $0xb8;
	[tilespmem:$0x1A400] =	vst v63  }
0x165: {  	s31 =	simm.s32 $0xDC00  }
0x166: {  	[tilespmem:s31], [sflag:$0x1] =	stream.indirect_vreg.gather [hbm4b:s18+s6], $0x80, v3, vm0, $0xb8;
	[tilespmem:$0x1A400] =	vst v63  }
.LBB2_8:
0x167: {  	_ =	swait.ge [sflag:s24], $0x3000  }
0x168: {  	[sflag:s24] =	ssyncset.done $0x0  }
0x169: {  	[sflag:s24] =	ssyncadd.s32 $0xFFFFD000  }
0x16a: {  	_ =	swait.ge [sflag:s24], $0x3000  }
0x16b: {  	[sflag:s24] =	ssyncset.done $0x0  }
0x16c: {  	[sflag:s24] =	ssyncadd.s32 $0xFFFFD000  }
0x16d: {  	_ =	swait.ge [sflag:s24], $0x3000  }
0x16e: {  	[sflag:s24] =	ssyncset.done $0x0  }
0x16f: {  	[sflag:s24] =	ssyncadd.s32 $0xFFFFD000  }
0x170: {  	_ =	swait.ge [sflag:s24], $0x3000  }
0x171: {  	s25 =	sadd.s32 $0x1, s25;
	[sflag:s24] =	ssyncset.done $0x0  }
0x172: {  	s28 =	simm.s32 $0x0;
	s29 =	simm.s32 $0x0;
	[sflag:s24] =	ssyncadd.s32 $0xFFFFD000  }
.LBB2_9:
0x173: {  	s0 =	sshrl.u32 s29, $0x3  }
0x174: {  	s10 =	sshll.u32 s29, $0x7;
	s30 =	smul.u32 $0x1800, s0  }
0x175: {  	s20 =	sand.u32 $0x40, s28;
	s1 =	sand.u32 $0x1C00, s28;
	s31 =	sand.u32 $0x380, s10  }
0x176: {  	s22 =	sor.u32 s31, s20;
	s2 =	sadd.s32 s30, s1  }
0x177: {  	s1 =	sor.u32 s2, s22  }
0x178: {  	v3 =	vld [tilespmem:s1+$0xE400]  }
0x179: {  	v4 =	vld [tilespmem:s1+$0x11400];
	_ =	sdelay $0x1  }
0x17a: {  	v5 =	vld [tilespmem:s1+$0x14400];
	_ =	sdelay $0x1  }
0x17b: {  	v6 =	vld [tilespmem:s1+$0x17400]  }
0x17c: {  	v3 =	vadd.f32 v4, v3;
	_ =	sdelay $0x1  }
0x17d: {  	v3 =	vadd.f32 v5, v3;
	_ =	sdelay $0x1  }
0x17e: {  	s4 =	sor.u32 $0x10, s31;
	v3 =	vadd.f32 v6, v3  }
0x17f: {  	s3 =	sor.u32 s4, s20  }
0x180: {  	s3 =	sor.u32 s2, s3;
	[tilespmem:s1+$0xE400] =	vst v3  }
0x181: {  	v3 =	vld [tilespmem:s3+$0xE400]  }
0x182: {  	v4 =	vld [tilespmem:s3+$0x11400];
	_ =	sdelay $0x1  }
0x183: {  	v5 =	vld [tilespmem:s3+$0x14400];
	_ =	sdelay $0x1  }
0x184: {  	v6 =	vld [tilespmem:s3+$0x17400]  }
0x185: {  	v3 =	vadd.f32 v4, v3;
	_ =	sdelay $0x1  }
0x186: {  	v3 =	vadd.f32 v5, v3;
	_ =	sdelay $0x1  }
0x187: {  	s1 =	sor.u32 $0x20, s31;
	v3 =	vadd.f32 v6, v3  }
0x188: {  	s5 =	sor.u32 s1, s20  }
0x189: {  	s23 =	sor.u32 s2, s5;
	[tilespmem:s3+$0xE400] =	vst v3  }
0x18a: {  	v3 =	vld [tilespmem:s23+$0xE400]  }
0x18b: {  	v4 =	vld [tilespmem:s23+$0x11400];
	_ =	sdelay $0x1  }
0x18c: {  	v5 =	vld [tilespmem:s23+$0x14400];
	_ =	sdelay $0x1  }
0x18d: {  	v6 =	vld [tilespmem:s23+$0x17400]  }
0x18e: {  	v3 =	vadd.f32 v4, v3;
	_ =	sdelay $0x1  }
0x18f: {  	v3 =	vadd.f32 v5, v3;
	_ =	sdelay $0x1  }
0x190: {  	s10 =	sor.u32 $0x30, s31;
	v3 =	vadd.f32 v6, v3  }
0x191: {  	s0 =	sor.u32 s10, s20  }
0x192: {  	s2 =	sor.u32 s2, s0;
	[tilespmem:s23+$0xE400] =	vst v3  }
0x193: {  	v5 =	vld [tilespmem:s2+$0xE400]  }
0x194: {  	v6 =	vld [tilespmem:s2+$0x11400];
	_ =	sdelay $0x2  }
0x195: {  	v4 =	vld [tilespmem:s2+$0x14400];
	_ =	sdelay $0x1  }
0x196: {  	s22 =	simm.s32 $0x0;
	s23 =	simm.s32 $0x40;
	v3 =	vld [tilespmem:s2+$0x17400];
	v5 =	vadd.f32 v6, v5  }
.LBB2_10:
0x197: {  	p0 =	sne.s32 s23, $0x2C0  }
0x198: {  	s22 =	sadd.s32 $0x200, s22;
	s0 =	smov.u32 s23;
	s23 =	sadd.s32 $0x40, s23  }
0x199: {  	v4 =	vadd.f32 v4, v5  }
0x19a: {  	s0 =	sand.u32 $0x40, s0;
	s3 =	sand.u32 $0x1C00, s22  }
0x19b: {  	s20 =	sadd.s32 s30, s3;
	s3 =	sor.u32 s31, s0;
	s5 =	sor.u32 s4, s0;
	v3 =	vadd.f32 v3, v4  }
0x19c: {  	s7 =	sor.u32 s1, s0;
	s0 =	sor.u32 s10, s0;
	s3 =	sor.u32 s20, s3  }
0x19d: {  	[tilespmem:s2+$0xE400] =	vst v3  }
0x19e: {  	v3 =	vld [tilespmem:s3+$0xE400]  }
0x19f: {  	v4 =	vld [tilespmem:s3+$0x11400];
	_ =	sdelay $0x1  }
0x1a0: {  	v5 =	vld [tilespmem:s3+$0x14400];
	_ =	sdelay $0x1  }
0x1a1: {  	v6 =	vld [tilespmem:s3+$0x17400]  }
0x1a2: {  	v3 =	vadd.f32 v4, v3;
	_ =	sdelay $0x1  }
0x1a3: {  	v3 =	vadd.f32 v5, v3;
	_ =	sdelay $0x1  }
0x1a4: {  	v3 =	vadd.f32 v6, v3;
	_ =	sdelay $0x1  }
0x1a5: {  	s2 =	sor.u32 s20, s5;
	[tilespmem:s3+$0xE400] =	vst v3  }
0x1a6: {  	v3 =	vld [tilespmem:s2+$0xE400]  }
0x1a7: {  	v4 =	vld [tilespmem:s2+$0x11400];
	_ =	sdelay $0x1  }
0x1a8: {  	v5 =	vld [tilespmem:s2+$0x14400];
	_ =	sdelay $0x1  }
0x1a9: {  	v6 =	vld [tilespmem:s2+$0x17400]  }
0x1aa: {  	v3 =	vadd.f32 v4, v3;
	_ =	sdelay $0x1  }
0x1ab: {  	v3 =	vadd.f32 v5, v3;
	_ =	sdelay $0x1  }
0x1ac: {  	v3 =	vadd.f32 v6, v3;
	_ =	sdelay $0x1  }
0x1ad: {  	[tilespmem:s2+$0xE400] =	vst v3;
	s2 =	sor.u32 s20, s7  }
0x1ae: {  	v3 =	vld [tilespmem:s2+$0xE400]  }
0x1af: {  	v4 =	vld [tilespmem:s2+$0x11400];
	_ =	sdelay $0x1  }
0x1b0: {  	v5 =	vld [tilespmem:s2+$0x14400];
	_ =	sdelay $0x1  }
0x1b1: {  	v6 =	vld [tilespmem:s2+$0x17400]  }
0x1b2: {  	v3 =	vadd.f32 v4, v3;
	_ =	sdelay $0x1  }
0x1b3: {  	v3 =	vadd.f32 v5, v3;
	_ =	sdelay $0x1  }
0x1b4: {  	v3 =	vadd.f32 v6, v3;
	_ =	sdelay $0x1  }
0x1b5: {  	[tilespmem:s2+$0xE400] =	vst v3;
	s2 =	sor.u32 s20, s0  }
0x1b6: {  	v5 =	vld [tilespmem:s2+$0xE400]  }
0x1b7: {  	v6 =	vld [tilespmem:s2+$0x11400]  }
.Ltmp3:
0x1b8: {  	v4 =	vld [tilespmem:s2+$0x14400];
	(pc) =	sbr.rel @p0 .LBB2_10-.Ltmp3, $2  }
0x1b9: {  	v3 =	vld [tilespmem:s2+$0x17400];
	_ =	sdelay $0x2  }
0x1ba: {  	v5 =	vadd.f32 v6, v5  }
0x1bb: {  	s29 =	sadd.s32 $0x1, s29  }
0x1bc: {  	p0 =	sne.s32 s29, $0x10  }
.Ltmp4:
0x1bd: {  	v4 =	vadd.f32 v4, v5;
	(pc) =	sbr.rel @p0 .LBB2_9-.Ltmp4, $3  }
0x1be: {  	_ = 	snop  }
0x1bf: {  	v3 =	vadd.f32 v3, v4;
	_ =	sdelay $0x1  }
0x1c0: {  	[tilespmem:s2+$0xE400] =	vst v3  }
0x1c1: {  	s0 =	sshll.u32 s26, $0x4  }
0x1c2: {  	s0 =	sadd.s32 s9, s0  }
0x1c3: {  	s0 =	sshrl.u32 s0, $0x3  }
0x1c4: {  	s0 =	smul.u32 $0x1800, s0;
	_ =	sdelay $0x1  }
0x1c5: {  	s0 =	sadd.s32 s19, s0  }
0x1c6: {  	s1 =	rddreg [dreg:$0x6];
	p0 =	sne.s32 s25, $0x9;
	s0 =	sshrl.u32 s0, $0x3  }
.Ltmp5:
0x1c7: {  	s2 =	simm.s32 $0xE400;
	s0 =	sadd.s32 s1, s0;
	(pc) =	sbr.rel @p0 .LBB2_2-.Ltmp5, $4  }
0x1c8: {  	[hbm4b:s0+s6] =	stream.linear.scatter [tilespmem:s2], [sflag:$0x3], $0x3000, $0x38;
	[tilespmem:$0x1A400] =	vst v63  }
0x1c9: {  	_ =	swait.ge [sflag:s21], $0x3000  }
0x1ca: {  	[sflag:s21] =	ssyncset.done $0x0  }
0x1cb: {  	[sflag:s21] =	ssyncadd.s32 $0xFFFFD000  }
0x1cc: {  	s1 =	rddreg [dreg:$0x9]  }
0x1cd: {  	s0 =	rddreg [dreg:$0x8];
	s1 =	sadd.s32 $0x1, s1  }
0x1ce: {  	p0 =	sne.s32 s1, s0  }
.Ltmp6:
0x1cf: {  	_ = 	snop;
	(pc) =	sbr.rel @p0 .LBB2_1-.Ltmp6, $1  }
0x1d0: {  	_ =	sdelay $0x3  }
0x1d1: {  	_ =	sfence.sel $0x180000  }
0x1d2: {  	[bflag:$0x0] =	sbarrier.arrive $0xFFFF  }
0x1d3: {  	_ =	strace $0x9000004A  }
0x1d4: {  	s0 =	stileid.u32;
	[bflag:$0x2] =	sbarrier.arrive $0xFFFF  }
0x1d5: {  	p0 =	sne.s32 s0, $0x0;
	s0 =	rddreg [dreg:$0x5]  }
0x1d6: {  	s0 =	sadd.s32 @!p0 $0x100000, s0  }
0x1d7: {  	[sflag:s0] =	ssyncadd.tile.s32 @!p0 $0x1;
	_ =	shalt  }
.Lfunc_end2:
_tile_overlayer_lowered:
.L_overlay_start_2:
0x1d8: {  	(tag) =	ssettag $0x2  }
0x1d9: {  	s0 =	rddreg [dreg:$0x0];
	s2 =	stileid.u32  }
0x1da: {  	s1 =	rddreg [dreg:$0x1];
	p0 =	sne.s32 s2, $0x0  }
0x1db: {  	s3 =	rddreg [dreg:$0x2];
	[bflag:$0x3] =	sbarrier.arrive $0xFFFF;
	s2 =	simm.s32 @!p0 $0x1C03  }
0x1dc: {  	[timem:s3], [sflag:s2] =	dma.local @!p0 [hbm:s0], s1  }
0x1dd: {  	s0 =	simm.s32 @!p0 $0x3  }
0x1de: {  	_ =	swait.ge @!p0 [sflag:s0], s1  }
0x1df: {  	s1 =	ssub.s32 @!p0 $0x0, s1;
	[sflag:s0] =	ssyncset.done @!p0 $0x0  }
0x1e0: {  	[sflag:s0] =	ssyncadd.s32 @!p0 s1  }
0x1e1: {  	[bflag:$0x3] =	sbarrier.arrive $0xFFFF  }
0x1e2: {  	_ =	shalt  }

</sc_bundles>
